<compile_context>
chip_gen: v7x
topology: tpu7x:2x2x1
jax: 0.10.2.dev20260603
libtpu: 0.0.44.dev20260713+nightly
codegen_flags: <defaults>
</compile_context>

<pallas_src>
import functools

import jax
import jax.numpy as jnp
from jax import lax
from jax.experimental import pallas as pl
from jax.experimental.pallas import tpu as pltpu
from jax.experimental.pallas import tpu_sc as plsc

VOCAB = 100000
DIM = 64
HOPS = 3
B, M, T = 1024, 50, 8

NT = HOPS + 1
PD = NT * DIM
LANES = 16
N_IDX = B * M * T
NC, NS = 2, 16
NW = NC * NS
ROWS_TOTAL = B * M
ROWS_PER_TILE = ROWS_TOTAL // NW
W = 40
N_CH = ROWS_PER_TILE // W
TH = T // 2

BB = 128


def _pool_body(idx_hbm, tab, dsts_hbm, out_hbm, idx_v, set_a, set_b, acc,
               dst_v, sem_a, sem_b):
    c = lax.axis_index("c")
    s = lax.axis_index("s")
    w = c * NS + s
    rbase = w * ROWS_PER_TILE

    for t in range(T):
        pltpu.sync_copy(
            idx_hbm.at[pl.ds(t * ROWS_TOTAL + rbase, ROWS_PER_TILE)],
            idx_v.at[pl.ds(t * ROWS_PER_TILE, ROWS_PER_TILE)])

    pltpu.sync_copy(dsts_hbm.at[w], dst_v)

    def isl(t, ch):
        return idx_v.at[pl.ds(t * ROWS_PER_TILE + ch * W, W)]

    def issue(set_ref, sem, ch, half):
        for t4 in range(TH):
            pltpu.async_copy(tab.at[isl(half * TH + t4, ch)],
                             set_ref.at[pl.ds(t4 * W, W)], sem)

    def drain(set_ref, sem, ch, half):
        for t4 in range(TH):
            pltpu.make_async_copy(tab.at[isl(half * TH + t4, ch)],
                                  set_ref.at[pl.ds(t4 * W, W)], sem).wait()

    issue(set_a, sem_a, 0, 0)
    issue(set_b, sem_b, 0, 1)

    @pl.loop(0, N_CH)
    def _ch(ch):
        drain(set_a, sem_a, ch, 0)

        @pl.loop(0, W)
        def _r0(r):
            for l in range(PD // LANES):
                sl = pl.ds(l * LANES, LANES)
                acc[r, sl] = (set_a[r, sl] + set_a[W + r, sl]
                              + set_a[2 * W + r, sl] + set_a[3 * W + r, sl])

        @pl.when(ch + 1 < N_CH)
        def _():
            issue(set_a, sem_a, ch + 1, 0)

        drain(set_b, sem_b, ch, 1)

        @pl.loop(0, W)
        def _r1(r):
            for l in range(PD // LANES):
                sl = pl.ds(l * LANES, LANES)
                acc[r, sl] = (acc[r, sl]
                              + set_b[r, sl] + set_b[W + r, sl]
                              + set_b[2 * W + r, sl] + set_b[3 * W + r, sl])

        @pl.when(ch + 1 < N_CH)
        def _():
            issue(set_b, sem_b, ch + 1, 1)

        pltpu.sync_copy(acc, out_hbm.at[dst_v.at[ch]])


@jax.jit
def _pool(idx_t, tab, dsts):
    mesh = plsc.VectorSubcoreMesh(core_axis_name="c", subcore_axis_name="s")
    k = pl.kernel(
        _pool_body,
        out_type=jax.ShapeDtypeStruct((ROWS_TOTAL, PD), jnp.float32),
        mesh=mesh,
        scratch_types=[
            pltpu.VMEM((T * ROWS_PER_TILE,), jnp.int32),
            pltpu.VMEM((TH * W, PD), jnp.float32),
            pltpu.VMEM((TH * W, PD), jnp.float32),
            pltpu.VMEM((W, PD), jnp.float32),
            pltpu.VMEM((N_CH, W), jnp.int32),
            pltpu.SemaphoreType.DMA,
            pltpu.SemaphoreType.DMA,
        ],
    )
    return k(idx_t, tab, dsts)


def _hops_body(m_ref, u_ref):
    u = jnp.zeros((BB, DIM), jnp.float32)
    for hop in range(HOPS):
        m_a = m_ref[:, :, hop * DIM:(hop + 1) * DIM]
        logits = jnp.sum(m_a * u[None, :, :], axis=-1)
        e = jnp.exp(logits)
        p = e / jnp.sum(e, axis=0, keepdims=True)
        m_c = m_ref[:, :, (hop + 1) * DIM:(hop + 2) * DIM]
        u = u + jnp.sum(m_c * p[:, :, None], axis=0)
    u_ref[...] = u


def _hops(m):
    return pl.pallas_call(
        _hops_body,
        grid=(B // BB,),
        in_specs=[pl.BlockSpec((M, BB, PD), lambda i: (0, i, 0))],
        out_specs=pl.BlockSpec((BB, DIM), lambda i: (i, 0)),
        out_shape=jax.ShapeDtypeStruct((B, DIM), jnp.float32),
    )(m)


def kernel(story, C0, C1, C2, C3):
    idx_t = story.transpose(2, 0, 1).reshape(N_IDX)
    tab = jnp.concatenate([C0, C1, C2, C3], axis=1)
    r = jnp.arange(ROWS_TOTAL, dtype=jnp.int32)
    dsts = ((r % M) * B + r // M).reshape(NW, N_CH, W)
    pooled = _pool(idx_t, tab, dsts)
    return _hops(pooled.reshape(M, B, PD))

# --- scband reference (transcript-rebuilt; emitter-appended) ---
"""Pipeline reference for scband-encoder-mem-nn-15367392985352 (READ-ONLY COPY).

The authoritative reference and input builder live on the scoring server;
editing this copy changes nothing except your own understanding.
"""

import jax, jax.numpy as jnp
import numpy as np

VOCAB = 100000
DIM = 64
HOPS = 3
B, M, T = 1024, 50, 8


def setup_inputs(seed: int = 0) -> dict:
    key = jax.random.key(seed)
    ks = jax.random.split(key, HOPS + 2)
    story = jax.random.randint(ks[0], (B, M, T), 0, VOCAB, dtype=jnp.int32)
    out = {"story": story}
    for h in range(HOPS + 1):
        t = jax.random.normal(ks[h + 1], (VOCAB, DIM), dtype=jnp.float32) * 0.1
        t = t.at[0].set(0.0)  # padding_idx=0
        out[f"C{h}"] = t
    return out


def reference(story, C0, C1, C2, C3):
    tables = [C0, C1, C2, C3]
    bsz = story.shape[0]
    story_shape = story.shape
    flat = story.reshape(bsz, -1)
    u = jnp.zeros((bsz, DIM), dtype=jnp.float32)
    for hop in range(HOPS):
        embed_A = jnp.take(tables[hop], flat, axis=0).reshape(story_shape + (DIM,))
        m_A = jnp.sum(embed_A, axis=2)  # [B, M, D]
        u_temp = u[:, None, :]
        logits = jnp.sum(m_A * u_temp, axis=2)  # [B, M]
        prob = jax.nn.softmax(logits, axis=1)
        embed_C = jnp.take(tables[hop + 1], flat, axis=0).reshape(story_shape + (DIM,))
        m_C = jnp.sum(embed_C, axis=2)  # [B, M, D]
        o_k = jnp.sum(m_C * prob[:, :, None], axis=1)  # [B, D]
        u = u + o_k
    return u

if __name__ == "__main__":
    import jax
    _d = setup_inputs()
    print(jax.jit(kernel)(*tuple(_d.values())))

</pallas_src>

<mosaic_0001>
#map = affine_map<(d0, d1) -> (0)>
#map1 = affine_map<(d0, d1) -> (0, 0)>
#map2 = affine_map<(d0, d1) -> (0, 0, 0)>
module attributes {stable_mosaic.version = 14 : i64} {
  func.func @_pool_body(%arg0: i32, %arg1: i32, %arg2: memref<409600xi32, #tpu.memory_space<hbm>>, %arg3: memref<100000x256xf32, #tpu.memory_space<hbm>>, %arg4: memref<32x40x40xi32, #tpu.memory_space<hbm>>, %arg5: memref<51200x256xf32, #tpu.memory_space<hbm>>, %arg6: memref<12800xi32, #tpu.memory_space<vmem>>, %arg7: memref<160x256xf32, #tpu.memory_space<vmem>>, %arg8: memref<160x256xf32, #tpu.memory_space<vmem>>, %arg9: memref<40x256xf32, #tpu.memory_space<vmem>>, %arg10: memref<40x40xi32, #tpu.memory_space<vmem>>, %arg11: memref<!tpu.dma_semaphore, #tpu.memory_space<semaphore_mem>>, %arg12: memref<!tpu.dma_semaphore, #tpu.memory_space<semaphore_mem>>) attributes {dimension_semantics = [#tpu.dimension_semantics<core_parallel>, #tpu.dimension_semantics<subcore_parallel>], iteration_bounds = array<i64: 2, 16>, scalar_prefetch = 0 : i64, scratch_operands = 7 : i64, tpu.core_type = #tpu.core_type<sc_vector_subcore>, window_params = [{transform_indices = #map}, {transform_indices = #map1}, {transform_indices = #map2}, {transform_indices = #map1}]} {
    %mul3A = arith.constant 16 : i32
    %mul3A_0 = arith.muli %arg0, %mul3A : i32
    %add3A = arith.addi %mul3A_0, %arg1 : i32
    %mul3A_1 = arith.constant 1600 : i32
    %mul3A_2 = arith.muli %add3A, %mul3A_1 : i32
    %add3A_3 = arith.constant 0 : i32
    %add3A_4 = arith.addi %add3A_3, %mul3A_2 : i32
    "tpu.region"() ({
      %run_scoped3A = tpu.sem_alloc : memref<!tpu.dma_semaphore, #tpu.memory_space<semaphore_mem>>
      %dma_start3A_86 = arith.constant 0 : i32
      %dma_start3A_87 = tpu.memref_slice %arg6[%dma_start3A_86] : memref<12800xi32, #tpu.memory_space<vmem>> -> memref<1600xi32, #tpu.memory_space<vmem>>
      %dma_start3A_88 = tpu.memref_slice %arg2[%add3A_4] : memref<409600xi32, #tpu.memory_space<hbm>> -> memref<1600xi32, #tpu.memory_space<hbm>>
      %dma_start3A_89 = arith.constant 0 : i32
      %dma_start3A_90 = tpu.memref_slice %arg6[%dma_start3A_89] : memref<12800xi32, #tpu.memory_space<vmem>> -> memref<1600xi32, #tpu.memory_space<vmem>>
      %dma_start3A_91 = tpu.memref_slice %arg2[%add3A_4] : memref<409600xi32, #tpu.memory_space<hbm>> -> memref<1600xi32, #tpu.memory_space<hbm>>
      tpu.enqueue_dma source(%dma_start3A_91 : memref<1600xi32, #tpu.memory_space<hbm>>) target(%dma_start3A_90 : memref<1600xi32, #tpu.memory_space<vmem>>) target_semaphore(%run_scoped3A : memref<!tpu.dma_semaphore, #tpu.memory_space<semaphore_mem>>)
      %dma_wait3A = arith.constant 0 : i32
      %dma_wait3A_92 = tpu.memref_slice %arg6[%dma_wait3A] : memref<12800xi32, #tpu.memory_space<vmem>> -> memref<1600xi32, #tpu.memory_space<vmem>>
      %dma_wait3A_93 = tpu.memref_slice %arg2[%add3A_4] : memref<409600xi32, #tpu.memory_space<hbm>> -> memref<1600xi32, #tpu.memory_space<hbm>>
      %dma_wait3A_94 = arith.constant 0 : i32
      %dma_wait3A_95 = tpu.memref_slice %arg6[%dma_wait3A_94] : memref<12800xi32, #tpu.memory_space<vmem>> -> memref<1600xi32, #tpu.memory_space<vmem>>
      %dma_wait3A_96 = tpu.memref_slice %arg2[%add3A_4] : memref<409600xi32, #tpu.memory_space<hbm>> -> memref<1600xi32, #tpu.memory_space<hbm>>
      tpu.wait_dma2 semaphore(%run_scoped3A : memref<!tpu.dma_semaphore, #tpu.memory_space<semaphore_mem>>) src(%dma_wait3A_96 : memref<1600xi32, #tpu.memory_space<hbm>>) dst(%dma_wait3A_95 : memref<1600xi32, #tpu.memory_space<vmem>>)
      tpu.yield
    }) : () -> ()
    %add3A_5 = arith.constant 51200 : i32
    %add3A_6 = arith.addi %add3A_5, %mul3A_2 : i32
    "tpu.region"() ({
      %run_scoped3A = tpu.sem_alloc : memref<!tpu.dma_semaphore, #tpu.memory_space<semaphore_mem>>
      %dma_start3A_86 = arith.constant 1600 : i32
      %dma_start3A_87 = tpu.memref_slice %arg6[%dma_start3A_86] : memref<12800xi32, #tpu.memory_space<vmem>> -> memref<1600xi32, #tpu.memory_space<vmem>>
      %dma_start3A_88 = tpu.memref_slice %arg2[%add3A_6] : memref<409600xi32, #tpu.memory_space<hbm>> -> memref<1600xi32, #tpu.memory_space<hbm>>
      %dma_start3A_89 = arith.constant 1600 : i32
      %dma_start3A_90 = tpu.memref_slice %arg6[%dma_start3A_89] : memref<12800xi32, #tpu.memory_space<vmem>> -> memref<1600xi32, #tpu.memory_space<vmem>>
      %dma_start3A_91 = tpu.memref_slice %arg2[%add3A_6] : memref<409600xi32, #tpu.memory_space<hbm>> -> memref<1600xi32, #tpu.memory_space<hbm>>
      tpu.enqueue_dma source(%dma_start3A_91 : memref<1600xi32, #tpu.memory_space<hbm>>) target(%dma_start3A_90 : memref<1600xi32, #tpu.memory_space<vmem>>) target_semaphore(%run_scoped3A : memref<!tpu.dma_semaphore, #tpu.memory_space<semaphore_mem>>)
      %dma_wait3A = arith.constant 1600 : i32
      %dma_wait3A_92 = tpu.memref_slice %arg6[%dma_wait3A] : memref<12800xi32, #tpu.memory_space<vmem>> -> memref<1600xi32, #tpu.memory_space<vmem>>
      %dma_wait3A_93 = tpu.memref_slice %arg2[%add3A_6] : memref<409600xi32, #tpu.memory_space<hbm>> -> memref<1600xi32, #tpu.memory_space<hbm>>
      %dma_wait3A_94 = arith.constant 1600 : i32
      %dma_wait3A_95 = tpu.memref_slice %arg6[%dma_wait3A_94] : memref<12800xi32, #tpu.memory_space<vmem>> -> memref<1600xi32, #tpu.memory_space<vmem>>
      %dma_wait3A_96 = tpu.memref_slice %arg2[%add3A_6] : memref<409600xi32, #tpu.memory_space<hbm>> -> memref<1600xi32, #tpu.memory_space<hbm>>
      tpu.wait_dma2 semaphore(%run_scoped3A : memref<!tpu.dma_semaphore, #tpu.memory_space<semaphore_mem>>) src(%dma_wait3A_96 : memref<1600xi32, #tpu.memory_space<hbm>>) dst(%dma_wait3A_95 : memref<1600xi32, #tpu.memory_space<vmem>>)
      tpu.yield
    }) : () -> ()
    %add3A_7 = arith.constant 102400 : i32
    %add3A_8 = arith.addi %add3A_7, %mul3A_2 : i32
    "tpu.region"() ({
      %run_scoped3A = tpu.sem_alloc : memref<!tpu.dma_semaphore, #tpu.memory_space<semaphore_mem>>
      %dma_start3A_86 = arith.constant 3200 : i32
      %dma_start3A_87 = tpu.memref_slice %arg6[%dma_start3A_86] : memref<12800xi32, #tpu.memory_space<vmem>> -> memref<1600xi32, #tpu.memory_space<vmem>>
      %dma_start3A_88 = tpu.memref_slice %arg2[%add3A_8] : memref<409600xi32, #tpu.memory_space<hbm>> -> memref<1600xi32, #tpu.memory_space<hbm>>
      %dma_start3A_89 = arith.constant 3200 : i32
      %dma_start3A_90 = tpu.memref_slice %arg6[%dma_start3A_89] : memref<12800xi32, #tpu.memory_space<vmem>> -> memref<1600xi32, #tpu.memory_space<vmem>>
      %dma_start3A_91 = tpu.memref_slice %arg2[%add3A_8] : memref<409600xi32, #tpu.memory_space<hbm>> -> memref<1600xi32, #tpu.memory_space<hbm>>
      tpu.enqueue_dma source(%dma_start3A_91 : memref<1600xi32, #tpu.memory_space<hbm>>) target(%dma_start3A_90 : memref<1600xi32, #tpu.memory_space<vmem>>) target_semaphore(%run_scoped3A : memref<!tpu.dma_semaphore, #tpu.memory_space<semaphore_mem>>)
      %dma_wait3A = arith.constant 3200 : i32
      %dma_wait3A_92 = tpu.memref_slice %arg6[%dma_wait3A] : memref<12800xi32, #tpu.memory_space<vmem>> -> memref<1600xi32, #tpu.memory_space<vmem>>
      %dma_wait3A_93 = tpu.memref_slice %arg2[%add3A_8] : memref<409600xi32, #tpu.memory_space<hbm>> -> memref<1600xi32, #tpu.memory_space<hbm>>
      %dma_wait3A_94 = arith.constant 3200 : i32
      %dma_wait3A_95 = tpu.memref_slice %arg6[%dma_wait3A_94] : memref<12800xi32, #tpu.memory_space<vmem>> -> memref<1600xi32, #tpu.memory_space<vmem>>
      %dma_wait3A_96 = tpu.memref_slice %arg2[%add3A_8] : memref<409600xi32, #tpu.memory_space<hbm>> -> memref<1600xi32, #tpu.memory_space<hbm>>
      tpu.wait_dma2 semaphore(%run_scoped3A : memref<!tpu.dma_semaphore, #tpu.memory_space<semaphore_mem>>) src(%dma_wait3A_96 : memref<1600xi32, #tpu.memory_space<hbm>>) dst(%dma_wait3A_95 : memref<1600xi32, #tpu.memory_space<vmem>>)
      tpu.yield
    }) : () -> ()
    %add3A_9 = arith.constant 153600 : i32
    %add3A_10 = arith.addi %add3A_9, %mul3A_2 : i32
    "tpu.region"() ({
      %run_scoped3A = tpu.sem_alloc : memref<!tpu.dma_semaphore, #tpu.memory_space<semaphore_mem>>
      %dma_start3A_86 = arith.constant 4800 : i32
      %dma_start3A_87 = tpu.memref_slice %arg6[%dma_start3A_86] : memref<12800xi32, #tpu.memory_space<vmem>> -> memref<1600xi32, #tpu.memory_space<vmem>>
      %dma_start3A_88 = tpu.memref_slice %arg2[%add3A_10] : memref<409600xi32, #tpu.memory_space<hbm>> -> memref<1600xi32, #tpu.memory_space<hbm>>
      %dma_start3A_89 = arith.constant 4800 : i32
      %dma_start3A_90 = tpu.memref_slice %arg6[%dma_start3A_89] : memref<12800xi32, #tpu.memory_space<vmem>> -> memref<1600xi32, #tpu.memory_space<vmem>>
      %dma_start3A_91 = tpu.memref_slice %arg2[%add3A_10] : memref<409600xi32, #tpu.memory_space<hbm>> -> memref<1600xi32, #tpu.memory_space<hbm>>
      tpu.enqueue_dma source(%dma_start3A_91 : memref<1600xi32, #tpu.memory_space<hbm>>) target(%dma_start3A_90 : memref<1600xi32, #tpu.memory_space<vmem>>) target_semaphore(%run_scoped3A : memref<!tpu.dma_semaphore, #tpu.memory_space<semaphore_mem>>)
      %dma_wait3A = arith.constant 4800 : i32
      %dma_wait3A_92 = tpu.memref_slice %arg6[%dma_wait3A] : memref<12800xi32, #tpu.memory_space<vmem>> -> memref<1600xi32, #tpu.memory_space<vmem>>
      %dma_wait3A_93 = tpu.memref_slice %arg2[%add3A_10] : memref<409600xi32, #tpu.memory_space<hbm>> -> memref<1600xi32, #tpu.memory_space<hbm>>
      %dma_wait3A_94 = arith.constant 4800 : i32
      %dma_wait3A_95 = tpu.memref_slice %arg6[%dma_wait3A_94] : memref<12800xi32, #tpu.memory_space<vmem>> -> memref<1600xi32, #tpu.memory_space<vmem>>
      %dma_wait3A_96 = tpu.memref_slice %arg2[%add3A_10] : memref<409600xi32, #tpu.memory_space<hbm>> -> memref<1600xi32, #tpu.memory_space<hbm>>
      tpu.wait_dma2 semaphore(%run_scoped3A : memref<!tpu.dma_semaphore, #tpu.memory_space<semaphore_mem>>) src(%dma_wait3A_96 : memref<1600xi32, #tpu.memory_space<hbm>>) dst(%dma_wait3A_95 : memref<1600xi32, #tpu.memory_space<vmem>>)
      tpu.yield
    }) : () -> ()
    %add3A_11 = arith.constant 204800 : i32
    %add3A_12 = arith.addi %add3A_11, %mul3A_2 : i32
    "tpu.region"() ({
      %run_scoped3A = tpu.sem_alloc : memref<!tpu.dma_semaphore, #tpu.memory_space<semaphore_mem>>
      %dma_start3A_86 = arith.constant 6400 : i32
      %dma_start3A_87 = tpu.memref_slice %arg6[%dma_start3A_86] : memref<12800xi32, #tpu.memory_space<vmem>> -> memref<1600xi32, #tpu.memory_space<vmem>>
      %dma_start3A_88 = tpu.memref_slice %arg2[%add3A_12] : memref<409600xi32, #tpu.memory_space<hbm>> -> memref<1600xi32, #tpu.memory_space<hbm>>
      %dma_start3A_89 = arith.constant 6400 : i32
      %dma_start3A_90 = tpu.memref_slice %arg6[%dma_start3A_89] : memref<12800xi32, #tpu.memory_space<vmem>> -> memref<1600xi32, #tpu.memory_space<vmem>>
      %dma_start3A_91 = tpu.memref_slice %arg2[%add3A_12] : memref<409600xi32, #tpu.memory_space<hbm>> -> memref<1600xi32, #tpu.memory_space<hbm>>
      tpu.enqueue_dma source(%dma_start3A_91 : memref<1600xi32, #tpu.memory_space<hbm>>) target(%dma_start3A_90 : memref<1600xi32, #tpu.memory_space<vmem>>) target_semaphore(%run_scoped3A : memref<!tpu.dma_semaphore, #tpu.memory_space<semaphore_mem>>)
      %dma_wait3A = arith.constant 6400 : i32
      %dma_wait3A_92 = tpu.memref_slice %arg6[%dma_wait3A] : memref<12800xi32, #tpu.memory_space<vmem>> -> memref<1600xi32, #tpu.memory_space<vmem>>
      %dma_wait3A_93 = tpu.memref_slice %arg2[%add3A_12] : memref<409600xi32, #tpu.memory_space<hbm>> -> memref<1600xi32, #tpu.memory_space<hbm>>
      %dma_wait3A_94 = arith.constant 6400 : i32
      %dma_wait3A_95 = tpu.memref_slice %arg6[%dma_wait3A_94] : memref<12800xi32, #tpu.memory_space<vmem>> -> memref<1600xi32, #tpu.memory_space<vmem>>
      %dma_wait3A_96 = tpu.memref_slice %arg2[%add3A_12] : memref<409600xi32, #tpu.memory_space<hbm>> -> memref<1600xi32, #tpu.memory_space<hbm>>
      tpu.wait_dma2 semaphore(%run_scoped3A : memref<!tpu.dma_semaphore, #tpu.memory_space<semaphore_mem>>) src(%dma_wait3A_96 : memref<1600xi32, #tpu.memory_space<hbm>>) dst(%dma_wait3A_95 : memref<1600xi32, #tpu.memory_space<vmem>>)
      tpu.yield
    }) : () -> ()
    %add3A_13 = arith.constant 256000 : i32
    %add3A_14 = arith.addi %add3A_13, %mul3A_2 : i32
    "tpu.region"() ({
      %run_scoped3A = tpu.sem_alloc : memref<!tpu.dma_semaphore, #tpu.memory_space<semaphore_mem>>
      %dma_start3A_86 = arith.constant 8000 : i32
      %dma_start3A_87 = tpu.memref_slice %arg6[%dma_start3A_86] : memref<12800xi32, #tpu.memory_space<vmem>> -> memref<1600xi32, #tpu.memory_space<vmem>>
      %dma_start3A_88 = tpu.memref_slice %arg2[%add3A_14] : memref<409600xi32, #tpu.memory_space<hbm>> -> memref<1600xi32, #tpu.memory_space<hbm>>
      %dma_start3A_89 = arith.constant 8000 : i32
      %dma_start3A_90 = tpu.memref_slice %arg6[%dma_start3A_89] : memref<12800xi32, #tpu.memory_space<vmem>> -> memref<1600xi32, #tpu.memory_space<vmem>>
      %dma_start3A_91 = tpu.memref_slice %arg2[%add3A_14] : memref<409600xi32, #tpu.memory_space<hbm>> -> memref<1600xi32, #tpu.memory_space<hbm>>
      tpu.enqueue_dma source(%dma_start3A_91 : memref<1600xi32, #tpu.memory_space<hbm>>) target(%dma_start3A_90 : memref<1600xi32, #tpu.memory_space<vmem>>) target_semaphore(%run_scoped3A : memref<!tpu.dma_semaphore, #tpu.memory_space<semaphore_mem>>)
      %dma_wait3A = arith.constant 8000 : i32
      %dma_wait3A_92 = tpu.memref_slice %arg6[%dma_wait3A] : memref<12800xi32, #tpu.memory_space<vmem>> -> memref<1600xi32, #tpu.memory_space<vmem>>
      %dma_wait3A_93 = tpu.memref_slice %arg2[%add3A_14] : memref<409600xi32, #tpu.memory_space<hbm>> -> memref<1600xi32, #tpu.memory_space<hbm>>
      %dma_wait3A_94 = arith.constant 8000 : i32
      %dma_wait3A_95 = tpu.memref_slice %arg6[%dma_wait3A_94] : memref<12800xi32, #tpu.memory_space<vmem>> -> memref<1600xi32, #tpu.memory_space<vmem>>
      %dma_wait3A_96 = tpu.memref_slice %arg2[%add3A_14] : memref<409600xi32, #tpu.memory_space<hbm>> -> memref<1600xi32, #tpu.memory_space<hbm>>
      tpu.wait_dma2 semaphore(%run_scoped3A : memref<!tpu.dma_semaphore, #tpu.memory_space<semaphore_mem>>) src(%dma_wait3A_96 : memref<1600xi32, #tpu.memory_space<hbm>>) dst(%dma_wait3A_95 : memref<1600xi32, #tpu.memory_space<vmem>>)
      tpu.yield
    }) : () -> ()
    %add3A_15 = arith.constant 307200 : i32
    %add3A_16 = arith.addi %add3A_15, %mul3A_2 : i32
    "tpu.region"() ({
      %run_scoped3A = tpu.sem_alloc : memref<!tpu.dma_semaphore, #tpu.memory_space<semaphore_mem>>
      %dma_start3A_86 = arith.constant 9600 : i32
      %dma_start3A_87 = tpu.memref_slice %arg6[%dma_start3A_86] : memref<12800xi32, #tpu.memory_space<vmem>> -> memref<1600xi32, #tpu.memory_space<vmem>>
      %dma_start3A_88 = tpu.memref_slice %arg2[%add3A_16] : memref<409600xi32, #tpu.memory_space<hbm>> -> memref<1600xi32, #tpu.memory_space<hbm>>
      %dma_start3A_89 = arith.constant 9600 : i32
      %dma_start3A_90 = tpu.memref_slice %arg6[%dma_start3A_89] : memref<12800xi32, #tpu.memory_space<vmem>> -> memref<1600xi32, #tpu.memory_space<vmem>>
      %dma_start3A_91 = tpu.memref_slice %arg2[%add3A_16] : memref<409600xi32, #tpu.memory_space<hbm>> -> memref<1600xi32, #tpu.memory_space<hbm>>
      tpu.enqueue_dma source(%dma_start3A_91 : memref<1600xi32, #tpu.memory_space<hbm>>) target(%dma_start3A_90 : memref<1600xi32, #tpu.memory_space<vmem>>) target_semaphore(%run_scoped3A : memref<!tpu.dma_semaphore, #tpu.memory_space<semaphore_mem>>)
      %dma_wait3A = arith.constant 9600 : i32
      %dma_wait3A_92 = tpu.memref_slice %arg6[%dma_wait3A] : memref<12800xi32, #tpu.memory_space<vmem>> -> memref<1600xi32, #tpu.memory_space<vmem>>
      %dma_wait3A_93 = tpu.memref_slice %arg2[%add3A_16] : memref<409600xi32, #tpu.memory_space<hbm>> -> memref<1600xi32, #tpu.memory_space<hbm>>
      %dma_wait3A_94 = arith.constant 9600 : i32
      %dma_wait3A_95 = tpu.memref_slice %arg6[%dma_wait3A_94] : memref<12800xi32, #tpu.memory_space<vmem>> -> memref<1600xi32, #tpu.memory_space<vmem>>
      %dma_wait3A_96 = tpu.memref_slice %arg2[%add3A_16] : memref<409600xi32, #tpu.memory_space<hbm>> -> memref<1600xi32, #tpu.memory_space<hbm>>
      tpu.wait_dma2 semaphore(%run_scoped3A : memref<!tpu.dma_semaphore, #tpu.memory_space<semaphore_mem>>) src(%dma_wait3A_96 : memref<1600xi32, #tpu.memory_space<hbm>>) dst(%dma_wait3A_95 : memref<1600xi32, #tpu.memory_space<vmem>>)
      tpu.yield
    }) : () -> ()
    %add3A_17 = arith.constant 358400 : i32
    %add3A_18 = arith.addi %add3A_17, %mul3A_2 : i32
    "tpu.region"() ({
      %run_scoped3A = tpu.sem_alloc : memref<!tpu.dma_semaphore, #tpu.memory_space<semaphore_mem>>
      %dma_start3A_86 = arith.constant 11200 : i32
      %dma_start3A_87 = tpu.memref_slice %arg6[%dma_start3A_86] : memref<12800xi32, #tpu.memory_space<vmem>> -> memref<1600xi32, #tpu.memory_space<vmem>>
      %dma_start3A_88 = tpu.memref_slice %arg2[%add3A_18] : memref<409600xi32, #tpu.memory_space<hbm>> -> memref<1600xi32, #tpu.memory_space<hbm>>
      %dma_start3A_89 = arith.constant 11200 : i32
      %dma_start3A_90 = tpu.memref_slice %arg6[%dma_start3A_89] : memref<12800xi32, #tpu.memory_space<vmem>> -> memref<1600xi32, #tpu.memory_space<vmem>>
      %dma_start3A_91 = tpu.memref_slice %arg2[%add3A_18] : memref<409600xi32, #tpu.memory_space<hbm>> -> memref<1600xi32, #tpu.memory_space<hbm>>
      tpu.enqueue_dma source(%dma_start3A_91 : memref<1600xi32, #tpu.memory_space<hbm>>) target(%dma_start3A_90 : memref<1600xi32, #tpu.memory_space<vmem>>) target_semaphore(%run_scoped3A : memref<!tpu.dma_semaphore, #tpu.memory_space<semaphore_mem>>)
      %dma_wait3A = arith.constant 11200 : i32
      %dma_wait3A_92 = tpu.memref_slice %arg6[%dma_wait3A] : memref<12800xi32, #tpu.memory_space<vmem>> -> memref<1600xi32, #tpu.memory_space<vmem>>
      %dma_wait3A_93 = tpu.memref_slice %arg2[%add3A_18] : memref<409600xi32, #tpu.memory_space<hbm>> -> memref<1600xi32, #tpu.memory_space<hbm>>
      %dma_wait3A_94 = arith.constant 11200 : i32
      %dma_wait3A_95 = tpu.memref_slice %arg6[%dma_wait3A_94] : memref<12800xi32, #tpu.memory_space<vmem>> -> memref<1600xi32, #tpu.memory_space<vmem>>
      %dma_wait3A_96 = tpu.memref_slice %arg2[%add3A_18] : memref<409600xi32, #tpu.memory_space<hbm>> -> memref<1600xi32, #tpu.memory_space<hbm>>
      tpu.wait_dma2 semaphore(%run_scoped3A : memref<!tpu.dma_semaphore, #tpu.memory_space<semaphore_mem>>) src(%dma_wait3A_96 : memref<1600xi32, #tpu.memory_space<hbm>>) dst(%dma_wait3A_95 : memref<1600xi32, #tpu.memory_space<vmem>>)
      tpu.yield
    }) : () -> ()
    "tpu.region"() ({
      %run_scoped3A = tpu.sem_alloc : memref<!tpu.dma_semaphore, #tpu.memory_space<semaphore_mem>>
      %dma_start3A_86 = arith.constant 0 : i32
      %dma_start3A_87 = arith.constant 0 : i32
      %dma_start3A_88 = tpu.memref_slice %arg4[%add3A, %dma_start3A_86, %dma_start3A_87] : memref<32x40x40xi32, #tpu.memory_space<hbm>> -> memref<1x40x40xi32, #tpu.memory_space<hbm>>
      %dma_start3A_89 = tpu.memref_squeeze %dma_start3A_88 : memref<1x40x40xi32, #tpu.memory_space<hbm>> -> memref<40x40xi32, #tpu.memory_space<hbm>>
      %dma_start3A_90 = arith.constant 0 : i32
      %dma_start3A_91 = arith.constant 0 : i32
      %dma_start3A_92 = tpu.memref_slice %arg4[%add3A, %dma_start3A_90, %dma_start3A_91] : memref<32x40x40xi32, #tpu.memory_space<hbm>> -> memref<1x40x40xi32, #tpu.memory_space<hbm>>
      %dma_start3A_93 = tpu.memref_squeeze %dma_start3A_92 : memref<1x40x40xi32, #tpu.memory_space<hbm>> -> memref<40x40xi32, #tpu.memory_space<hbm>>
      tpu.enqueue_dma source(%dma_start3A_93 : memref<40x40xi32, #tpu.memory_space<hbm>>) target(%arg10 : memref<40x40xi32, #tpu.memory_space<vmem>>) target_semaphore(%run_scoped3A : memref<!tpu.dma_semaphore, #tpu.memory_space<semaphore_mem>>)
      %dma_wait3A = arith.constant 0 : i32
      %dma_wait3A_94 = arith.constant 0 : i32
      %dma_wait3A_95 = tpu.memref_slice %arg4[%add3A, %dma_wait3A, %dma_wait3A_94] : memref<32x40x40xi32, #tpu.memory_space<hbm>> -> memref<1x40x40xi32, #tpu.memory_space<hbm>>
      %dma_wait3A_96 = tpu.memref_squeeze %dma_wait3A_95 : memref<1x40x40xi32, #tpu.memory_space<hbm>> -> memref<40x40xi32, #tpu.memory_space<hbm>>
      %dma_wait3A_97 = arith.constant 0 : i32
      %dma_wait3A_98 = arith.constant 0 : i32
      %dma_wait3A_99 = tpu.memref_slice %arg4[%add3A, %dma_wait3A_97, %dma_wait3A_98] : memref<32x40x40xi32, #tpu.memory_space<hbm>> -> memref<1x40x40xi32, #tpu.memory_space<hbm>>
      %dma_wait3A_100 = tpu.memref_squeeze %dma_wait3A_99 : memref<1x40x40xi32, #tpu.memory_space<hbm>> -> memref<40x40xi32, #tpu.memory_space<hbm>>
      tpu.wait_dma2 semaphore(%run_scoped3A : memref<!tpu.dma_semaphore, #tpu.memory_space<semaphore_mem>>) src(%dma_wait3A_100 : memref<40x40xi32, #tpu.memory_space<hbm>>) dst(%arg10 : memref<40x40xi32, #tpu.memory_space<vmem>>)
      tpu.yield
    }) : () -> ()
    %dma_start3A = arith.constant 0 : i32
    %dma_start3A_19 = arith.constant 0 : i32
    %dma_start3A_20 = tpu.memref_slice %arg7[%dma_start3A, %dma_start3A_19] : memref<160x256xf32, #tpu.memory_space<vmem>> -> memref<40x256xf32, #tpu.memory_space<vmem>>
    %dma_start3A_21 = arith.constant 0 : i32
    %dma_start3A_22 = tpu.memref_slice %arg6[%dma_start3A_21] : memref<12800xi32, #tpu.memory_space<vmem>> -> memref<40xi32, #tpu.memory_space<vmem>>
    %dma_start3A_23 = arith.constant 0 : i32
    %dma_start3A_24 = arith.constant 0 : i32
    %dma_start3A_25 = tpu.memref_slice %arg3[%dma_start3A_23, %dma_start3A_24] : memref<100000x256xf32, #tpu.memory_space<hbm>> -> memref<100000x256xf32, #tpu.memory_space<hbm>>
    tpu.enqueue_indirect_dma source(%dma_start3A_25 : memref<100000x256xf32, #tpu.memory_space<hbm>>) target(%dma_start3A_20 : memref<40x256xf32, #tpu.memory_space<vmem>>) offsets(%dma_start3A_22 : memref<40xi32, #tpu.memory_space<vmem>>) semaphore(%arg11 : memref<!tpu.dma_semaphore, #tpu.memory_space<semaphore_mem>>)
    %dma_start3A_26 = arith.constant 40 : i32
    %dma_start3A_27 = arith.constant 0 : i32
    %dma_start3A_28 = tpu.memref_slice %arg7[%dma_start3A_26, %dma_start3A_27] : memref<160x256xf32, #tpu.memory_space<vmem>> -> memref<40x256xf32, #tpu.memory_space<vmem>>
    %dma_start3A_29 = arith.constant 1600 : i32
    %dma_start3A_30 = tpu.memref_slice %arg6[%dma_start3A_29] : memref<12800xi32, #tpu.memory_space<vmem>> -> memref<40xi32, #tpu.memory_space<vmem>>
    %dma_start3A_31 = arith.constant 0 : i32
    %dma_start3A_32 = arith.constant 0 : i32
    %dma_start3A_33 = tpu.memref_slice %arg3[%dma_start3A_31, %dma_start3A_32] : memref<100000x256xf32, #tpu.memory_space<hbm>> -> memref<100000x256xf32, #tpu.memory_space<hbm>>
    tpu.enqueue_indirect_dma source(%dma_start3A_33 : memref<100000x256xf32, #tpu.memory_space<hbm>>) target(%dma_start3A_28 : memref<40x256xf32, #tpu.memory_space<vmem>>) offsets(%dma_start3A_30 : memref<40xi32, #tpu.memory_space<vmem>>) semaphore(%arg11 : memref<!tpu.dma_semaphore, #tpu.memory_space<semaphore_mem>>)
    %dma_start3A_34 = arith.constant 80 : i32
    %dma_start3A_35 = arith.constant 0 : i32
    %dma_start3A_36 = tpu.memref_slice %arg7[%dma_start3A_34, %dma_start3A_35] : memref<160x256xf32, #tpu.memory_space<vmem>> -> memref<40x256xf32, #tpu.memory_space<vmem>>
    %dma_start3A_37 = arith.constant 3200 : i32
    %dma_start3A_38 = tpu.memref_slice %arg6[%dma_start3A_37] : memref<12800xi32, #tpu.memory_space<vmem>> -> memref<40xi32, #tpu.memory_space<vmem>>
    %dma_start3A_39 = arith.constant 0 : i32
    %dma_start3A_40 = arith.constant 0 : i32
    %dma_start3A_41 = tpu.memref_slice %arg3[%dma_start3A_39, %dma_start3A_40] : memref<100000x256xf32, #tpu.memory_space<hbm>> -> memref<100000x256xf32, #tpu.memory_space<hbm>>
    tpu.enqueue_indirect_dma source(%dma_start3A_41 : memref<100000x256xf32, #tpu.memory_space<hbm>>) target(%dma_start3A_36 : memref<40x256xf32, #tpu.memory_space<vmem>>) offsets(%dma_start3A_38 : memref<40xi32, #tpu.memory_space<vmem>>) semaphore(%arg11 : memref<!tpu.dma_semaphore, #tpu.memory_space<semaphore_mem>>)
    %dma_start3A_42 = arith.constant 120 : i32
    %dma_start3A_43 = arith.constant 0 : i32
    %dma_start3A_44 = tpu.memref_slice %arg7[%dma_start3A_42, %dma_start3A_43] : memref<160x256xf32, #tpu.memory_space<vmem>> -> memref<40x256xf32, #tpu.memory_space<vmem>>
    %dma_start3A_45 = arith.constant 4800 : i32
    %dma_start3A_46 = tpu.memref_slice %arg6[%dma_start3A_45] : memref<12800xi32, #tpu.memory_space<vmem>> -> memref<40xi32, #tpu.memory_space<vmem>>
    %dma_start3A_47 = arith.constant 0 : i32
    %dma_start3A_48 = arith.constant 0 : i32
    %dma_start3A_49 = tpu.memref_slice %arg3[%dma_start3A_47, %dma_start3A_48] : memref<100000x256xf32, #tpu.memory_space<hbm>> -> memref<100000x256xf32, #tpu.memory_space<hbm>>
    tpu.enqueue_indirect_dma source(%dma_start3A_49 : memref<100000x256xf32, #tpu.memory_space<hbm>>) target(%dma_start3A_44 : memref<40x256xf32, #tpu.memory_space<vmem>>) offsets(%dma_start3A_46 : memref<40xi32, #tpu.memory_space<vmem>>) semaphore(%arg11 : memref<!tpu.dma_semaphore, #tpu.memory_space<semaphore_mem>>)
    %dma_start3A_50 = arith.constant 0 : i32
    %dma_start3A_51 = arith.constant 0 : i32
    %dma_start3A_52 = tpu.memref_slice %arg8[%dma_start3A_50, %dma_start3A_51] : memref<160x256xf32, #tpu.memory_space<vmem>> -> memref<40x256xf32, #tpu.memory_space<vmem>>
    %dma_start3A_53 = arith.constant 6400 : i32
    %dma_start3A_54 = tpu.memref_slice %arg6[%dma_start3A_53] : memref<12800xi32, #tpu.memory_space<vmem>> -> memref<40xi32, #tpu.memory_space<vmem>>
    %dma_start3A_55 = arith.constant 0 : i32
    %dma_start3A_56 = arith.constant 0 : i32
    %dma_start3A_57 = tpu.memref_slice %arg3[%dma_start3A_55, %dma_start3A_56] : memref<100000x256xf32, #tpu.memory_space<hbm>> -> memref<100000x256xf32, #tpu.memory_space<hbm>>
    tpu.enqueue_indirect_dma source(%dma_start3A_57 : memref<100000x256xf32, #tpu.memory_space<hbm>>) target(%dma_start3A_52 : memref<40x256xf32, #tpu.memory_space<vmem>>) offsets(%dma_start3A_54 : memref<40xi32, #tpu.memory_space<vmem>>) semaphore(%arg12 : memref<!tpu.dma_semaphore, #tpu.memory_space<semaphore_mem>>)
    %dma_start3A_58 = arith.constant 40 : i32
    %dma_start3A_59 = arith.constant 0 : i32
    %dma_start3A_60 = tpu.memref_slice %arg8[%dma_start3A_58, %dma_start3A_59] : memref<160x256xf32, #tpu.memory_space<vmem>> -> memref<40x256xf32, #tpu.memory_space<vmem>>
    %dma_start3A_61 = arith.constant 8000 : i32
    %dma_start3A_62 = tpu.memref_slice %arg6[%dma_start3A_61] : memref<12800xi32, #tpu.memory_space<vmem>> -> memref<40xi32, #tpu.memory_space<vmem>>
    %dma_start3A_63 = arith.constant 0 : i32
    %dma_start3A_64 = arith.constant 0 : i32
    %dma_start3A_65 = tpu.memref_slice %arg3[%dma_start3A_63, %dma_start3A_64] : memref<100000x256xf32, #tpu.memory_space<hbm>> -> memref<100000x256xf32, #tpu.memory_space<hbm>>
    tpu.enqueue_indirect_dma source(%dma_start3A_65 : memref<100000x256xf32, #tpu.memory_space<hbm>>) target(%dma_start3A_60 : memref<40x256xf32, #tpu.memory_space<vmem>>) offsets(%dma_start3A_62 : memref<40xi32, #tpu.memory_space<vmem>>) semaphore(%arg12 : memref<!tpu.dma_semaphore, #tpu.memory_space<semaphore_mem>>)
    %dma_start3A_66 = arith.constant 80 : i32
    %dma_start3A_67 = arith.constant 0 : i32
    %dma_start3A_68 = tpu.memref_slice %arg8[%dma_start3A_66, %dma_start3A_67] : memref<160x256xf32, #tpu.memory_space<vmem>> -> memref<40x256xf32, #tpu.memory_space<vmem>>
    %dma_start3A_69 = arith.constant 9600 : i32
    %dma_start3A_70 = tpu.memref_slice %arg6[%dma_start3A_69] : memref<12800xi32, #tpu.memory_space<vmem>> -> memref<40xi32, #tpu.memory_space<vmem>>
    %dma_start3A_71 = arith.constant 0 : i32
    %dma_start3A_72 = arith.constant 0 : i32
    %dma_start3A_73 = tpu.memref_slice %arg3[%dma_start3A_71, %dma_start3A_72] : memref<100000x256xf32, #tpu.memory_space<hbm>> -> memref<100000x256xf32, #tpu.memory_space<hbm>>
    tpu.enqueue_indirect_dma source(%dma_start3A_73 : memref<100000x256xf32, #tpu.memory_space<hbm>>) target(%dma_start3A_68 : memref<40x256xf32, #tpu.memory_space<vmem>>) offsets(%dma_start3A_70 : memref<40xi32, #tpu.memory_space<vmem>>) semaphore(%arg12 : memref<!tpu.dma_semaphore, #tpu.memory_space<semaphore_mem>>)
    %dma_start3A_74 = arith.constant 120 : i32
    %dma_start3A_75 = arith.constant 0 : i32
    %dma_start3A_76 = tpu.memref_slice %arg8[%dma_start3A_74, %dma_start3A_75] : memref<160x256xf32, #tpu.memory_space<vmem>> -> memref<40x256xf32, #tpu.memory_space<vmem>>
    %dma_start3A_77 = arith.constant 11200 : i32
    %dma_start3A_78 = tpu.memref_slice %arg6[%dma_start3A_77] : memref<12800xi32, #tpu.memory_space<vmem>> -> memref<40xi32, #tpu.memory_space<vmem>>
    %dma_start3A_79 = arith.constant 0 : i32
    %dma_start3A_80 = arith.constant 0 : i32
    %dma_start3A_81 = tpu.memref_slice %arg3[%dma_start3A_79, %dma_start3A_80] : memref<100000x256xf32, #tpu.memory_space<hbm>> -> memref<100000x256xf32, #tpu.memory_space<hbm>>
    tpu.enqueue_indirect_dma source(%dma_start3A_81 : memref<100000x256xf32, #tpu.memory_space<hbm>>) target(%dma_start3A_76 : memref<40x256xf32, #tpu.memory_space<vmem>>) offsets(%dma_start3A_78 : memref<40xi32, #tpu.memory_space<vmem>>) semaphore(%arg12 : memref<!tpu.dma_semaphore, #tpu.memory_space<semaphore_mem>>)
    %scan3A = arith.constant 0 : i32
    %scan3A_82 = arith.constant 40 : i32
    %scan3A_83 = arith.addi %scan3A, %scan3A_82 : i32
    %scan3A_84 = arith.constant 1 : i32
    scf.for %scan3A_86 = %scan3A to %scan3A_83 step %scan3A_84  : i32 {
      %mul3A_87 = arith.constant 1 : i32
      %mul3A_88 = arith.muli %scan3A_86, %mul3A_87 : i32
      %add3A_89 = arith.constant 0 : i32
      %add3A_90 = arith.addi %add3A_89, %mul3A_88 : i32
      %mul3A_91 = arith.constant 40 : i32
      %mul3A_92 = arith.muli %add3A_90, %mul3A_91 : i32
      %add3A_93 = arith.constant 0 : i32
      %add3A_94 = arith.addi %add3A_93, %mul3A_92 : i32
      %dma_wait3A = arith.constant 0 : i32
      %dma_wait3A_95 = arith.constant 0 : i32
      %dma_wait3A_96 = tpu.memref_slice %arg7[%dma_wait3A, %dma_wait3A_95] : memref<160x256xf32, #tpu.memory_space<vmem>> -> memref<40x256xf32, #tpu.memory_space<vmem>>
      %dma_wait3A_97 = tpu.memref_slice %arg6[%add3A_94] : memref<12800xi32, #tpu.memory_space<vmem>> -> memref<40xi32, #tpu.memory_space<vmem>>
      %dma_wait3A_98 = arith.constant 0 : i32
      %dma_wait3A_99 = arith.constant 0 : i32
      %dma_wait3A_100 = tpu.memref_slice %arg3[%dma_wait3A_98, %dma_wait3A_99] : memref<100000x256xf32, #tpu.memory_space<hbm>> -> memref<100000x256xf32, #tpu.memory_space<hbm>>
      tpu.wait_indirect_dma semaphore(%arg11 : memref<!tpu.dma_semaphore, #tpu.memory_space<semaphore_mem>>) src(%dma_wait3A_100 : memref<100000x256xf32, #tpu.memory_space<hbm>>) dst(%dma_wait3A_96 : memref<40x256xf32, #tpu.memory_space<vmem>>)
      %mul3A_101 = arith.constant 40 : i32
      %mul3A_102 = arith.muli %add3A_90, %mul3A_101 : i32
      %add3A_103 = arith.constant 1600 : i32
      %add3A_104 = arith.addi %add3A_103, %mul3A_102 : i32
      %dma_wait3A_105 = arith.constant 40 : i32
      %dma_wait3A_106 = arith.constant 0 : i32
      %dma_wait3A_107 = tpu.memref_slice %arg7[%dma_wait3A_105, %dma_wait3A_106] : memref<160x256xf32, #tpu.memory_space<vmem>> -> memref<40x256xf32, #tpu.memory_space<vmem>>
      %dma_wait3A_108 = tpu.memref_slice %arg6[%add3A_104] : memref<12800xi32, #tpu.memory_space<vmem>> -> memref<40xi32, #tpu.memory_space<vmem>>
      %dma_wait3A_109 = arith.constant 0 : i32
      %dma_wait3A_110 = arith.constant 0 : i32
      %dma_wait3A_111 = tpu.memref_slice %arg3[%dma_wait3A_109, %dma_wait3A_110] : memref<100000x256xf32, #tpu.memory_space<hbm>> -> memref<100000x256xf32, #tpu.memory_space<hbm>>
      tpu.wait_indirect_dma semaphore(%arg11 : memref<!tpu.dma_semaphore, #tpu.memory_space<semaphore_mem>>) src(%dma_wait3A_111 : memref<100000x256xf32, #tpu.memory_space<hbm>>) dst(%dma_wait3A_107 : memref<40x256xf32, #tpu.memory_space<vmem>>)
      %mul3A_112 = arith.constant 40 : i32
      %mul3A_113 = arith.muli %add3A_90, %mul3A_112 : i32
      %add3A_114 = arith.constant 3200 : i32
      %add3A_115 = arith.addi %add3A_114, %mul3A_113 : i32
      %dma_wait3A_116 = arith.constant 80 : i32
      %dma_wait3A_117 = arith.constant 0 : i32
      %dma_wait3A_118 = tpu.memref_slice %arg7[%dma_wait3A_116, %dma_wait3A_117] : memref<160x256xf32, #tpu.memory_space<vmem>> -> memref<40x256xf32, #tpu.memory_space<vmem>>
      %dma_wait3A_119 = tpu.memref_slice %arg6[%add3A_115] : memref<12800xi32, #tpu.memory_space<vmem>> -> memref<40xi32, #tpu.memory_space<vmem>>
      %dma_wait3A_120 = arith.constant 0 : i32
      %dma_wait3A_121 = arith.constant 0 : i32
      %dma_wait3A_122 = tpu.memref_slice %arg3[%dma_wait3A_120, %dma_wait3A_121] : memref<100000x256xf32, #tpu.memory_space<hbm>> -> memref<100000x256xf32, #tpu.memory_space<hbm>>
      tpu.wait_indirect_dma semaphore(%arg11 : memref<!tpu.dma_semaphore, #tpu.memory_space<semaphore_mem>>) src(%dma_wait3A_122 : memref<100000x256xf32, #tpu.memory_space<hbm>>) dst(%dma_wait3A_118 : memref<40x256xf32, #tpu.memory_space<vmem>>)
      %mul3A_123 = arith.constant 40 : i32
      %mul3A_124 = arith.muli %add3A_90, %mul3A_123 : i32
      %add3A_125 = arith.constant 4800 : i32
      %add3A_126 = arith.addi %add3A_125, %mul3A_124 : i32
      %dma_wait3A_127 = arith.constant 120 : i32
      %dma_wait3A_128 = arith.constant 0 : i32
      %dma_wait3A_129 = tpu.memref_slice %arg7[%dma_wait3A_127, %dma_wait3A_128] : memref<160x256xf32, #tpu.memory_space<vmem>> -> memref<40x256xf32, #tpu.memory_space<vmem>>
      %dma_wait3A_130 = tpu.memref_slice %arg6[%add3A_126] : memref<12800xi32, #tpu.memory_space<vmem>> -> memref<40xi32, #tpu.memory_space<vmem>>
      %dma_wait3A_131 = arith.constant 0 : i32
      %dma_wait3A_132 = arith.constant 0 : i32
      %dma_wait3A_133 = tpu.memref_slice %arg3[%dma_wait3A_131, %dma_wait3A_132] : memref<100000x256xf32, #tpu.memory_space<hbm>> -> memref<100000x256xf32, #tpu.memory_space<hbm>>
      tpu.wait_indirect_dma semaphore(%arg11 : memref<!tpu.dma_semaphore, #tpu.memory_space<semaphore_mem>>) src(%dma_wait3A_133 : memref<100000x256xf32, #tpu.memory_space<hbm>>) dst(%dma_wait3A_129 : memref<40x256xf32, #tpu.memory_space<vmem>>)
      %scan3A_134 = arith.constant 0 : i32
      %scan3A_135 = arith.constant 40 : i32
      %scan3A_136 = arith.addi %scan3A_134, %scan3A_135 : i32
      %scan3A_137 = arith.constant 1 : i32
      scf.for %scan3A_199 = %scan3A_134 to %scan3A_136 step %scan3A_137  : i32 {
        %mul3A_200 = arith.constant 1 : i32
        %mul3A_201 = arith.muli %scan3A_199, %mul3A_200 : i32
        %add3A_202 = arith.constant 0 : i32
        %add3A_203 = arith.addi %add3A_202, %mul3A_201 : i32
        %get3A = arith.index_cast %add3A_203 : i32 to index
        %get3A_204 = arith.constant 0 : index
        %get3A_205 = tpu.vector_load %arg7[%get3A, %get3A_204] {strides = array<i32>} : memref<160x256xf32, #tpu.memory_space<vmem>>, vector<1x16xf32>,
        %get3A_206 = vector.shape_cast %get3A_205 : vector<1x16xf32> to vector<16xf32>
        %add3A_207 = arith.constant 40 : i32
        %add3A_208 = arith.addi %add3A_207, %add3A_203 : i32
        %get3A_209 = arith.index_cast %add3A_208 : i32 to index
        %get3A_210 = arith.constant 0 : index
        %get3A_211 = tpu.vector_load %arg7[%get3A_209, %get3A_210] {strides = array<i32>} : memref<160x256xf32, #tpu.memory_space<vmem>>, vector<1x16xf32>,
        %get3A_212 = vector.shape_cast %get3A_211 : vector<1x16xf32> to vector<16xf32>
        %add3A_213 = arith.addf %get3A_206, %get3A_212 : vector<16xf32>
        %add3A_214 = arith.constant 80 : i32
        %add3A_215 = arith.addi %add3A_214, %add3A_203 : i32
        %get3A_216 = arith.index_cast %add3A_215 : i32 to index
        %get3A_217 = arith.constant 0 : index
        %get3A_218 = tpu.vector_load %arg7[%get3A_216, %get3A_217] {strides = array<i32>} : memref<160x256xf32, #tpu.memory_space<vmem>>, vector<1x16xf32>,
        %get3A_219 = vector.shape_cast %get3A_218 : vector<1x16xf32> to vector<16xf32>
        %add3A_220 = arith.addf %add3A_213, %get3A_219 : vector<16xf32>
        %add3A_221 = arith.constant 120 : i32
        %add3A_222 = arith.addi %add3A_221, %add3A_203 : i32
        %get3A_223 = arith.index_cast %add3A_222 : i32 to index
        %get3A_224 = arith.constant 0 : index
        %get3A_225 = tpu.vector_load %arg7[%get3A_223, %get3A_224] {strides = array<i32>} : memref<160x256xf32, #tpu.memory_space<vmem>>, vector<1x16xf32>,
        %get3A_226 = vector.shape_cast %get3A_225 : vector<1x16xf32> to vector<16xf32>
        %add3A_227 = arith.addf %add3A_220, %get3A_226 : vector<16xf32>
        %swap3A = arith.index_cast %add3A_203 : i32 to index
        %swap3A_228 = arith.constant 0 : index
        %swap3A_229 = tpu.vector_load %arg9[%swap3A, %swap3A_228] {strides = array<i32>} : memref<40x256xf32, #tpu.memory_space<vmem>>, vector<1x16xf32>,
        %swap3A_230 = vector.shape_cast %swap3A_229 : vector<1x16xf32> to vector<16xf32>
        %swap3A_231 = vector.shape_cast %add3A_227 : vector<16xf32> to vector<1x16xf32>
        tpu.vector_store %arg9[%swap3A, %swap3A_228], %swap3A_231 {strides = array<i32>} : memref<40x256xf32, #tpu.memory_space<vmem>>, vector<1x16xf32>,
        %get3A_232 = arith.index_cast %add3A_203 : i32 to index
        %get3A_233 = arith.constant 16 : index
        %get3A_234 = tpu.vector_load %arg7[%get3A_232, %get3A_233] {strides = array<i32>} : memref<160x256xf32, #tpu.memory_space<vmem>>, vector<1x16xf32>,
        %get3A_235 = vector.shape_cast %get3A_234 : vector<1x16xf32> to vector<16xf32>
        %add3A_236 = arith.constant 40 : i32
        %add3A_237 = arith.addi %add3A_236, %add3A_203 : i32
        %get3A_238 = arith.index_cast %add3A_237 : i32 to index
        %get3A_239 = arith.constant 16 : index
        %get3A_240 = tpu.vector_load %arg7[%get3A_238, %get3A_239] {strides = array<i32>} : memref<160x256xf32, #tpu.memory_space<vmem>>, vector<1x16xf32>,
        %get3A_241 = vector.shape_cast %get3A_240 : vector<1x16xf32> to vector<16xf32>
        %add3A_242 = arith.addf %get3A_235, %get3A_241 : vector<16xf32>
        %add3A_243 = arith.constant 80 : i32
        %add3A_244 = arith.addi %add3A_243, %add3A_203 : i32
        %get3A_245 = arith.index_cast %add3A_244 : i32 to index
        %get3A_246 = arith.constant 16 : index
        %get3A_247 = tpu.vector_load %arg7[%get3A_245, %get3A_246] {strides = array<i32>} : memref<160x256xf32, #tpu.memory_space<vmem>>, vector<1x16xf32>,
        %get3A_248 = vector.shape_cast %get3A_247 : vector<1x16xf32> to vector<16xf32>
        %add3A_249 = arith.addf %add3A_242, %get3A_248 : vector<16xf32>
        %add3A_250 = arith.constant 120 : i32
        %add3A_251 = arith.addi %add3A_250, %add3A_203 : i32
        %get3A_252 = arith.index_cast %add3A_251 : i32 to index
        %get3A_253 = arith.constant 16 : index
        %get3A_254 = tpu.vector_load %arg7[%get3A_252, %get3A_253] {strides = array<i32>} : memref<160x256xf32, #tpu.memory_space<vmem>>, vector<1x16xf32>,
        %get3A_255 = vector.shape_cast %get3A_254 : vector<1x16xf32> to vector<16xf32>
        %add3A_256 = arith.addf %add3A_249, %get3A_255 : vector<16xf32>
        %swap3A_257 = arith.index_cast %add3A_203 : i32 to index
        %swap3A_258 = arith.constant 16 : index
        %swap3A_259 = tpu.vector_load %arg9[%swap3A_257, %swap3A_258] {strides = array<i32>} : memref<40x256xf32, #tpu.memory_space<vmem>>, vector<1x16xf32>,
        %swap3A_260 = vector.shape_cast %swap3A_259 : vector<1x16xf32> to vector<16xf32>
        %swap3A_261 = vector.shape_cast %add3A_256 : vector<16xf32> to vector<1x16xf32>
        tpu.vector_store %arg9[%swap3A_257, %swap3A_258], %swap3A_261 {strides = array<i32>} : memref<40x256xf32, #tpu.memory_space<vmem>>, vector<1x16xf32>,
        %get3A_262 = arith.index_cast %add3A_203 : i32 to index
        %get3A_263 = arith.constant 32 : index
        %get3A_264 = tpu.vector_load %arg7[%get3A_262, %get3A_263] {strides = array<i32>} : memref<160x256xf32, #tpu.memory_space<vmem>>, vector<1x16xf32>,
        %get3A_265 = vector.shape_cast %get3A_264 : vector<1x16xf32> to vector<16xf32>
        %add3A_266 = arith.constant 40 : i32
        %add3A_267 = arith.addi %add3A_266, %add3A_203 : i32
        %get3A_268 = arith.index_cast %add3A_267 : i32 to index
        %get3A_269 = arith.constant 32 : index
        %get3A_270 = tpu.vector_load %arg7[%get3A_268, %get3A_269] {strides = array<i32>} : memref<160x256xf32, #tpu.memory_space<vmem>>, vector<1x16xf32>,
        %get3A_271 = vector.shape_cast %get3A_270 : vector<1x16xf32> to vector<16xf32>
        %add3A_272 = arith.addf %get3A_265, %get3A_271 : vector<16xf32>
        %add3A_273 = arith.constant 80 : i32
        %add3A_274 = arith.addi %add3A_273, %add3A_203 : i32
        %get3A_275 = arith.index_cast %add3A_274 : i32 to index
        %get3A_276 = arith.constant 32 : index
        %get3A_277 = tpu.vector_load %arg7[%get3A_275, %get3A_276] {strides = array<i32>} : memref<160x256xf32, #tpu.memory_space<vmem>>, vector<1x16xf32>,
        %get3A_278 = vector.shape_cast %get3A_277 : vector<1x16xf32> to vector<16xf32>
        %add3A_279 = arith.addf %add3A_272, %get3A_278 : vector<16xf32>
        %add3A_280 = arith.constant 120 : i32
        %add3A_281 = arith.addi %add3A_280, %add3A_203 : i32
        %get3A_282 = arith.index_cast %add3A_281 : i32 to index
        %get3A_283 = arith.constant 32 : index
        %get3A_284 = tpu.vector_load %arg7[%get3A_282, %get3A_283] {strides = array<i32>} : memref<160x256xf32, #tpu.memory_space<vmem>>, vector<1x16xf32>,
        %get3A_285 = vector.shape_cast %get3A_284 : vector<1x16xf32> to vector<16xf32>
        %add3A_286 = arith.addf %add3A_279, %get3A_285 : vector<16xf32>
        %swap3A_287 = arith.index_cast %add3A_203 : i32 to index
        %swap3A_288 = arith.constant 32 : index
        %swap3A_289 = tpu.vector_load %arg9[%swap3A_287, %swap3A_288] {strides = array<i32>} : memref<40x256xf32, #tpu.memory_space<vmem>>, vector<1x16xf32>,
        %swap3A_290 = vector.shape_cast %swap3A_289 : vector<1x16xf32> to vector<16xf32>
        %swap3A_291 = vector.shape_cast %add3A_286 : vector<16xf32> to vector<1x16xf32>
        tpu.vector_store %arg9[%swap3A_287, %swap3A_288], %swap3A_291 {strides = array<i32>} : memref<40x256xf32, #tpu.memory_space<vmem>>, vector<1x16xf32>,
        %get3A_292 = arith.index_cast %add3A_203 : i32 to index
        %get3A_293 = arith.constant 48 : index
        %get3A_294 = tpu.vector_load %arg7[%get3A_292, %get3A_293] {strides = array<i32>} : memref<160x256xf32, #tpu.memory_space<vmem>>, vector<1x16xf32>,
        %get3A_295 = vector.shape_cast %get3A_294 : vector<1x16xf32> to vector<16xf32>
        %add3A_296 = arith.constant 40 : i32
        %add3A_297 = arith.addi %add3A_296, %add3A_203 : i32
        %get3A_298 = arith.index_cast %add3A_297 : i32 to index
        %get3A_299 = arith.constant 48 : index
        %get3A_300 = tpu.vector_load %arg7[%get3A_298, %get3A_299] {strides = array<i32>} : memref<160x256xf32, #tpu.memory_space<vmem>>, vector<1x16xf32>,
        %get3A_301 = vector.shape_cast %get3A_300 : vector<1x16xf32> to vector<16xf32>
        %add3A_302 = arith.addf %get3A_295, %get3A_301 : vector<16xf32>
        %add3A_303 = arith.constant 80 : i32
        %add3A_304 = arith.addi %add3A_303, %add3A_203 : i32
        %get3A_305 = arith.index_cast %add3A_304 : i32 to index
        %get3A_306 = arith.constant 48 : index
        %get3A_307 = tpu.vector_load %arg7[%get3A_305, %get3A_306] {strides = array<i32>} : memref<160x256xf32, #tpu.memory_space<vmem>>, vector<1x16xf32>,
        %get3A_308 = vector.shape_cast %get3A_307 : vector<1x16xf32> to vector<16xf32>
        %add3A_309 = arith.addf %add3A_302, %get3A_308 : vector<16xf32>
        %add3A_310 = arith.constant 120 : i32
        %add3A_311 = arith.addi %add3A_310, %add3A_203 : i32
        %get3A_312 = arith.index_cast %add3A_311 : i32 to index
        %get3A_313 = arith.constant 48 : index
        %get3A_314 = tpu.vector_load %arg7[%get3A_312, %get3A_313] {strides = array<i32>} : memref<160x256xf32, #tpu.memory_space<vmem>>, vector<1x16xf32>,
        %get3A_315 = vector.shape_cast %get3A_314 : vector<1x16xf32> to vector<16xf32>
        %add3A_316 = arith.addf %add3A_309, %get3A_315 : vector<16xf32>
        %swap3A_317 = arith.index_cast %add3A_203 : i32 to index
        %swap3A_318 = arith.constant 48 : index
        %swap3A_319 = tpu.vector_load %arg9[%swap3A_317, %swap3A_318] {strides = array<i32>} : memref<40x256xf32, #tpu.memory_space<vmem>>, vector<1x16xf32>,
        %swap3A_320 = vector.shape_cast %swap3A_319 : vector<1x16xf32> to vector<16xf32>
        %swap3A_321 = vector.shape_cast %add3A_316 : vector<16xf32> to vector<1x16xf32>
        tpu.vector_store %arg9[%swap3A_317, %swap3A_318], %swap3A_321 {strides = array<i32>} : memref<40x256xf32, #tpu.memory_space<vmem>>, vector<1x16xf32>,
        %get3A_322 = arith.index_cast %add3A_203 : i32 to index
        %get3A_323 = arith.constant 64 : index
        %get3A_324 = tpu.vector_load %arg7[%get3A_322, %get3A_323] {strides = array<i32>} : memref<160x256xf32, #tpu.memory_space<vmem>>, vector<1x16xf32>,
        %get3A_325 = vector.shape_cast %get3A_324 : vector<1x16xf32> to vector<16xf32>
        %add3A_326 = arith.constant 40 : i32
        %add3A_327 = arith.addi %add3A_326, %add3A_203 : i32
        %get3A_328 = arith.index_cast %add3A_327 : i32 to index
        %get3A_329 = arith.constant 64 : index
        %get3A_330 = tpu.vector_load %arg7[%get3A_328, %get3A_329] {strides = array<i32>} : memref<160x256xf32, #tpu.memory_space<vmem>>, vector<1x16xf32>,
        %get3A_331 = vector.shape_cast %get3A_330 : vector<1x16xf32> to vector<16xf32>
        %add3A_332 = arith.addf %get3A_325, %get3A_331 : vector<16xf32>
        %add3A_333 = arith.constant 80 : i32
        %add3A_334 = arith.addi %add3A_333, %add3A_203 : i32
        %get3A_335 = arith.index_cast %add3A_334 : i32 to index
        %get3A_336 = arith.constant 64 : index
        %get3A_337 = tpu.vector_load %arg7[%get3A_335, %get3A_336] {strides = array<i32>} : memref<160x256xf32, #tpu.memory_space<vmem>>, vector<1x16xf32>,
        %get3A_338 = vector.shape_cast %get3A_337 : vector<1x16xf32> to vector<16xf32>
        %add3A_339 = arith.addf %add3A_332, %get3A_338 : vector<16xf32>
        %add3A_340 = arith.constant 120 : i32
        %add3A_341 = arith.addi %add3A_340, %add3A_203 : i32
        %get3A_342 = arith.index_cast %add3A_341 : i32 to index
        %get3A_343 = arith.constant 64 : index
        %get3A_344 = tpu.vector_load %arg7[%get3A_342, %get3A_343] {strides = array<i32>} : memref<160x256xf32, #tpu.memory_space<vmem>>, vector<1x16xf32>,
        %get3A_345 = vector.shape_cast %get3A_344 : vector<1x16xf32> to vector<16xf32>
        %add3A_346 = arith.addf %add3A_339, %get3A_345 : vector<16xf32>
        %swap3A_347 = arith.index_cast %add3A_203 : i32 to index
        %swap3A_348 = arith.constant 64 : index
        %swap3A_349 = tpu.vector_load %arg9[%swap3A_347, %swap3A_348] {strides = array<i32>} : memref<40x256xf32, #tpu.memory_space<vmem>>, vector<1x16xf32>,
        %swap3A_350 = vector.shape_cast %swap3A_349 : vector<1x16xf32> to vector<16xf32>
        %swap3A_351 = vector.shape_cast %add3A_346 : vector<16xf32> to vector<1x16xf32>
        tpu.vector_store %arg9[%swap3A_347, %swap3A_348], %swap3A_351 {strides = array<i32>} : memref<40x256xf32, #tpu.memory_space<vmem>>, vector<1x16xf32>,
        %get3A_352 = arith.index_cast %add3A_203 : i32 to index
        %get3A_353 = arith.constant 80 : index
        %get3A_354 = tpu.vector_load %arg7[%get3A_352, %get3A_353] {strides = array<i32>} : memref<160x256xf32, #tpu.memory_space<vmem>>, vector<1x16xf32>,
        %get3A_355 = vector.shape_cast %get3A_354 : vector<1x16xf32> to vector<16xf32>
        %add3A_356 = arith.constant 40 : i32
        %add3A_357 = arith.addi %add3A_356, %add3A_203 : i32
        %get3A_358 = arith.index_cast %add3A_357 : i32 to index
        %get3A_359 = arith.constant 80 : index
        %get3A_360 = tpu.vector_load %arg7[%get3A_358, %get3A_359] {strides = array<i32>} : memref<160x256xf32, #tpu.memory_space<vmem>>, vector<1x16xf32>,
        %get3A_361 = vector.shape_cast %get3A_360 : vector<1x16xf32> to vector<16xf32>
        %add3A_362 = arith.addf %get3A_355, %get3A_361 : vector<16xf32>
        %add3A_363 = arith.constant 80 : i32
        %add3A_364 = arith.addi %add3A_363, %add3A_203 : i32
        %get3A_365 = arith.index_cast %add3A_364 : i32 to index
        %get3A_366 = arith.constant 80 : index
        %get3A_367 = tpu.vector_load %arg7[%get3A_365, %get3A_366] {strides = array<i32>} : memref<160x256xf32, #tpu.memory_space<vmem>>, vector<1x16xf32>,
        %get3A_368 = vector.shape_cast %get3A_367 : vector<1x16xf32> to vector<16xf32>
        %add3A_369 = arith.addf %add3A_362, %get3A_368 : vector<16xf32>
        %add3A_370 = arith.constant 120 : i32
        %add3A_371 = arith.addi %add3A_370, %add3A_203 : i32
        %get3A_372 = arith.index_cast %add3A_371 : i32 to index
        %get3A_373 = arith.constant 80 : index
        %get3A_374 = tpu.vector_load %arg7[%get3A_372, %get3A_373] {strides = array<i32>} : memref<160x256xf32, #tpu.memory_space<vmem>>, vector<1x16xf32>,
        %get3A_375 = vector.shape_cast %get3A_374 : vector<1x16xf32> to vector<16xf32>
        %add3A_376 = arith.addf %add3A_369, %get3A_375 : vector<16xf32>
        %swap3A_377 = arith.index_cast %add3A_203 : i32 to index
        %swap3A_378 = arith.constant 80 : index
        %swap3A_379 = tpu.vector_load %arg9[%swap3A_377, %swap3A_378] {strides = array<i32>} : memref<40x256xf32, #tpu.memory_space<vmem>>, vector<1x16xf32>,
        %swap3A_380 = vector.shape_cast %swap3A_379 : vector<1x16xf32> to vector<16xf32>
        %swap3A_381 = vector.shape_cast %add3A_376 : vector<16xf32> to vector<1x16xf32>
        tpu.vector_store %arg9[%swap3A_377, %swap3A_378], %swap3A_381 {strides = array<i32>} : memref<40x256xf32, #tpu.memory_space<vmem>>, vector<1x16xf32>,
        %get3A_382 = arith.index_cast %add3A_203 : i32 to index
        %get3A_383 = arith.constant 96 : index
        %get3A_384 = tpu.vector_load %arg7[%get3A_382, %get3A_383] {strides = array<i32>} : memref<160x256xf32, #tpu.memory_space<vmem>>, vector<1x16xf32>,
        %get3A_385 = vector.shape_cast %get3A_384 : vector<1x16xf32> to vector<16xf32>
        %add3A_386 = arith.constant 40 : i32
        %add3A_387 = arith.addi %add3A_386, %add3A_203 : i32
        %get3A_388 = arith.index_cast %add3A_387 : i32 to index
        %get3A_389 = arith.constant 96 : index
        %get3A_390 = tpu.vector_load %arg7[%get3A_388, %get3A_389] {strides = array<i32>} : memref<160x256xf32, #tpu.memory_space<vmem>>, vector<1x16xf32>,
        %get3A_391 = vector.shape_cast %get3A_390 : vector<1x16xf32> to vector<16xf32>
        %add3A_392 = arith.addf %get3A_385, %get3A_391 : vector<16xf32>
        %add3A_393 = arith.constant 80 : i32
        %add3A_394 = arith.addi %add3A_393, %add3A_203 : i32
        %get3A_395 = arith.index_cast %add3A_394 : i32 to index
        %get3A_396 = arith.constant 96 : index
        %get3A_397 = tpu.vector_load %arg7[%get3A_395, %get3A_396] {strides = array<i32>} : memref<160x256xf32, #tpu.memory_space<vmem>>, vector<1x16xf32>,
        %get3A_398 = vector.shape_cast %get3A_397 : vector<1x16xf32> to vector<16xf32>
        %add3A_399 = arith.addf %add3A_392, %get3A_398 : vector<16xf32>
        %add3A_400 = arith.constant 120 : i32
        %add3A_401 = arith.addi %add3A_400, %add3A_203 : i32
        %get3A_402 = arith.index_cast %add3A_401 : i32 to index
        %get3A_403 = arith.constant 96 : index
        %get3A_404 = tpu.vector_load %arg7[%get3A_402, %get3A_403] {strides = array<i32>} : memref<160x256xf32, #tpu.memory_space<vmem>>, vector<1x16xf32>,
        %get3A_405 = vector.shape_cast %get3A_404 : vector<1x16xf32> to vector<16xf32>
        %add3A_406 = arith.addf %add3A_399, %get3A_405 : vector<16xf32>
        %swap3A_407 = arith.index_cast %add3A_203 : i32 to index
        %swap3A_408 = arith.constant 96 : index
        %swap3A_409 = tpu.vector_load %arg9[%swap3A_407, %swap3A_408] {strides = array<i32>} : memref<40x256xf32, #tpu.memory_space<vmem>>, vector<1x16xf32>,
        %swap3A_410 = vector.shape_cast %swap3A_409 : vector<1x16xf32> to vector<16xf32>
        %swap3A_411 = vector.shape_cast %add3A_406 : vector<16xf32> to vector<1x16xf32>
        tpu.vector_store %arg9[%swap3A_407, %swap3A_408], %swap3A_411 {strides = array<i32>} : memref<40x256xf32, #tpu.memory_space<vmem>>, vector<1x16xf32>,
        %get3A_412 = arith.index_cast %add3A_203 : i32 to index
        %get3A_413 = arith.constant 112 : index
        %get3A_414 = tpu.vector_load %arg7[%get3A_412, %get3A_413] {strides = array<i32>} : memref<160x256xf32, #tpu.memory_space<vmem>>, vector<1x16xf32>,
        %get3A_415 = vector.shape_cast %get3A_414 : vector<1x16xf32> to vector<16xf32>
        %add3A_416 = arith.constant 40 : i32
        %add3A_417 = arith.addi %add3A_416, %add3A_203 : i32
        %get3A_418 = arith.index_cast %add3A_417 : i32 to index
        %get3A_419 = arith.constant 112 : index
        %get3A_420 = tpu.vector_load %arg7[%get3A_418, %get3A_419] {strides = array<i32>} : memref<160x256xf32, #tpu.memory_space<vmem>>, vector<1x16xf32>,
        %get3A_421 = vector.shape_cast %get3A_420 : vector<1x16xf32> to vector<16xf32>
        %add3A_422 = arith.addf %get3A_415, %get3A_421 : vector<16xf32>
        %add3A_423 = arith.constant 80 : i32
        %add3A_424 = arith.addi %add3A_423, %add3A_203 : i32
        %get3A_425 = arith.index_cast %add3A_424 : i32 to index
        %get3A_426 = arith.constant 112 : index
        %get3A_427 = tpu.vector_load %arg7[%get3A_425, %get3A_426] {strides = array<i32>} : memref<160x256xf32, #tpu.memory_space<vmem>>, vector<1x16xf32>,
        %get3A_428 = vector.shape_cast %get3A_427 : vector<1x16xf32> to vector<16xf32>
        %add3A_429 = arith.addf %add3A_422, %get3A_428 : vector<16xf32>
        %add3A_430 = arith.constant 120 : i32
        %add3A_431 = arith.addi %add3A_430, %add3A_203 : i32
        %get3A_432 = arith.index_cast %add3A_431 : i32 to index
        %get3A_433 = arith.constant 112 : index
        %get3A_434 = tpu.vector_load %arg7[%get3A_432, %get3A_433] {strides = array<i32>} : memref<160x256xf32, #tpu.memory_space<vmem>>, vector<1x16xf32>,
        %get3A_435 = vector.shape_cast %get3A_434 : vector<1x16xf32> to vector<16xf32>
        %add3A_436 = arith.addf %add3A_429, %get3A_435 : vector<16xf32>
        %swap3A_437 = arith.index_cast %add3A_203 : i32 to index
        %swap3A_438 = arith.constant 112 : index
        %swap3A_439 = tpu.vector_load %arg9[%swap3A_437, %swap3A_438] {strides = array<i32>} : memref<40x256xf32, #tpu.memory_space<vmem>>, vector<1x16xf32>,
        %swap3A_440 = vector.shape_cast %swap3A_439 : vector<1x16xf32> to vector<16xf32>
        %swap3A_441 = vector.shape_cast %add3A_436 : vector<16xf32> to vector<1x16xf32>
        tpu.vector_store %arg9[%swap3A_437, %swap3A_438], %swap3A_441 {strides = array<i32>} : memref<40x256xf32, #tpu.memory_space<vmem>>, vector<1x16xf32>,
        %get3A_442 = arith.index_cast %add3A_203 : i32 to index
        %get3A_443 = arith.constant 128 : index
        %get3A_444 = tpu.vector_load %arg7[%get3A_442, %get3A_443] {strides = array<i32>} : memref<160x256xf32, #tpu.memory_space<vmem>>, vector<1x16xf32>,
        %get3A_445 = vector.shape_cast %get3A_444 : vector<1x16xf32> to vector<16xf32>
        %add3A_446 = arith.constant 40 : i32
        %add3A_447 = arith.addi %add3A_446, %add3A_203 : i32
        %get3A_448 = arith.index_cast %add3A_447 : i32 to index
        %get3A_449 = arith.constant 128 : index
        %get3A_450 = tpu.vector_load %arg7[%get3A_448, %get3A_449] {strides = array<i32>} : memref<160x256xf32, #tpu.memory_space<vmem>>, vector<1x16xf32>,
        %get3A_451 = vector.shape_cast %get3A_450 : vector<1x16xf32> to vector<16xf32>
        %add3A_452 = arith.addf %get3A_445, %get3A_451 : vector<16xf32>
        %add3A_453 = arith.constant 80 : i32
        %add3A_454 = arith.addi %add3A_453, %add3A_203 : i32
        %get3A_455 = arith.index_cast %add3A_454 : i32 to index
        %get3A_456 = arith.constant 128 : index
        %get3A_457 = tpu.vector_load %arg7[%get3A_455, %get3A_456] {strides = array<i32>} : memref<160x256xf32, #tpu.memory_space<vmem>>, vector<1x16xf32>,
        %get3A_458 = vector.shape_cast %get3A_457 : vector<1x16xf32> to vector<16xf32>
        %add3A_459 = arith.addf %add3A_452, %get3A_458 : vector<16xf32>
        %add3A_460 = arith.constant 120 : i32
        %add3A_461 = arith.addi %add3A_460, %add3A_203 : i32
        %get3A_462 = arith.index_cast %add3A_461 : i32 to index
        %get3A_463 = arith.constant 128 : index
        %get3A_464 = tpu.vector_load %arg7[%get3A_462, %get3A_463] {strides = array<i32>} : memref<160x256xf32, #tpu.memory_space<vmem>>, vector<1x16xf32>,
        %get3A_465 = vector.shape_cast %get3A_464 : vector<1x16xf32> to vector<16xf32>
        %add3A_466 = arith.addf %add3A_459, %get3A_465 : vector<16xf32>
        %swap3A_467 = arith.index_cast %add3A_203 : i32 to index
        %swap3A_468 = arith.constant 128 : index
        %swap3A_469 = tpu.vector_load %arg9[%swap3A_467, %swap3A_468] {strides = array<i32>} : memref<40x256xf32, #tpu.memory_space<vmem>>, vector<1x16xf32>,
        %swap3A_470 = vector.shape_cast %swap3A_469 : vector<1x16xf32> to vector<16xf32>
        %swap3A_471 = vector.shape_cast %add3A_466 : vector<16xf32> to vector<1x16xf32>
        tpu.vector_store %arg9[%swap3A_467, %swap3A_468], %swap3A_471 {strides = array<i32>} : memref<40x256xf32, #tpu.memory_space<vmem>>, vector<1x16xf32>,
        %get3A_472 = arith.index_cast %add3A_203 : i32 to index
        %get3A_473 = arith.constant 144 : index
        %get3A_474 = tpu.vector_load %arg7[%get3A_472, %get3A_473] {strides = array<i32>} : memref<160x256xf32, #tpu.memory_space<vmem>>, vector<1x16xf32>,
        %get3A_475 = vector.shape_cast %get3A_474 : vector<1x16xf32> to vector<16xf32>
        %add3A_476 = arith.constant 40 : i32
        %add3A_477 = arith.addi %add3A_476, %add3A_203 : i32
        %get3A_478 = arith.index_cast %add3A_477 : i32 to index
        %get3A_479 = arith.constant 144 : index
        %get3A_480 = tpu.vector_load %arg7[%get3A_478, %get3A_479] {strides = array<i32>} : memref<160x256xf32, #tpu.memory_space<vmem>>, vector<1x16xf32>,
        %get3A_481 = vector.shape_cast %get3A_480 : vector<1x16xf32> to vector<16xf32>
        %add3A_482 = arith.addf %get3A_475, %get3A_481 : vector<16xf32>
        %add3A_483 = arith.constant 80 : i32
        %add3A_484 = arith.addi %add3A_483, %add3A_203 : i32
        %get3A_485 = arith.index_cast %add3A_484 : i32 to index
        %get3A_486 = arith.constant 144 : index
        %get3A_487 = tpu.vector_load %arg7[%get3A_485, %get3A_486] {strides = array<i32>} : memref<160x256xf32, #tpu.memory_space<vmem>>, vector<1x16xf32>,
        %get3A_488 = vector.shape_cast %get3A_487 : vector<1x16xf32> to vector<16xf32>
        %add3A_489 = arith.addf %add3A_482, %get3A_488 : vector<16xf32>
        %add3A_490 = arith.constant 120 : i32
        %add3A_491 = arith.addi %add3A_490, %add3A_203 : i32
        %get3A_492 = arith.index_cast %add3A_491 : i32 to index
        %get3A_493 = arith.constant 144 : index
        %get3A_494 = tpu.vector_load %arg7[%get3A_492, %get3A_493] {strides = array<i32>} : memref<160x256xf32, #tpu.memory_space<vmem>>, vector<1x16xf32>,
        %get3A_495 = vector.shape_cast %get3A_494 : vector<1x16xf32> to vector<16xf32>
        %add3A_496 = arith.addf %add3A_489, %get3A_495 : vector<16xf32>
        %swap3A_497 = arith.index_cast %add3A_203 : i32 to index
        %swap3A_498 = arith.constant 144 : index
        %swap3A_499 = tpu.vector_load %arg9[%swap3A_497, %swap3A_498] {strides = array<i32>} : memref<40x256xf32, #tpu.memory_space<vmem>>, vector<1x16xf32>,
        %swap3A_500 = vector.shape_cast %swap3A_499 : vector<1x16xf32> to vector<16xf32>
        %swap3A_501 = vector.shape_cast %add3A_496 : vector<16xf32> to vector<1x16xf32>
        tpu.vector_store %arg9[%swap3A_497, %swap3A_498], %swap3A_501 {strides = array<i32>} : memref<40x256xf32, #tpu.memory_space<vmem>>, vector<1x16xf32>,
        %get3A_502 = arith.index_cast %add3A_203 : i32 to index
        %get3A_503 = arith.constant 160 : index
        %get3A_504 = tpu.vector_load %arg7[%get3A_502, %get3A_503] {strides = array<i32>} : memref<160x256xf32, #tpu.memory_space<vmem>>, vector<1x16xf32>,
        %get3A_505 = vector.shape_cast %get3A_504 : vector<1x16xf32> to vector<16xf32>
        %add3A_506 = arith.constant 40 : i32
        %add3A_507 = arith.addi %add3A_506, %add3A_203 : i32
        %get3A_508 = arith.index_cast %add3A_507 : i32 to index
        %get3A_509 = arith.constant 160 : index
        %get3A_510 = tpu.vector_load %arg7[%get3A_508, %get3A_509] {strides = array<i32>} : memref<160x256xf32, #tpu.memory_space<vmem>>, vector<1x16xf32>,
        %get3A_511 = vector.shape_cast %get3A_510 : vector<1x16xf32> to vector<16xf32>
        %add3A_512 = arith.addf %get3A_505, %get3A_511 : vector<16xf32>
        %add3A_513 = arith.constant 80 : i32
        %add3A_514 = arith.addi %add3A_513, %add3A_203 : i32
        %get3A_515 = arith.index_cast %add3A_514 : i32 to index
        %get3A_516 = arith.constant 160 : index
        %get3A_517 = tpu.vector_load %arg7[%get3A_515, %get3A_516] {strides = array<i32>} : memref<160x256xf32, #tpu.memory_space<vmem>>, vector<1x16xf32>,
        %get3A_518 = vector.shape_cast %get3A_517 : vector<1x16xf32> to vector<16xf32>
        %add3A_519 = arith.addf %add3A_512, %get3A_518 : vector<16xf32>
        %add3A_520 = arith.constant 120 : i32
        %add3A_521 = arith.addi %add3A_520, %add3A_203 : i32
        %get3A_522 = arith.index_cast %add3A_521 : i32 to index
        %get3A_523 = arith.constant 160 : index
        %get3A_524 = tpu.vector_load %arg7[%get3A_522, %get3A_523] {strides = array<i32>} : memref<160x256xf32, #tpu.memory_space<vmem>>, vector<1x16xf32>,
        %get3A_525 = vector.shape_cast %get3A_524 : vector<1x16xf32> to vector<16xf32>
        %add3A_526 = arith.addf %add3A_519, %get3A_525 : vector<16xf32>
        %swap3A_527 = arith.index_cast %add3A_203 : i32 to index
        %swap3A_528 = arith.constant 160 : index
        %swap3A_529 = tpu.vector_load %arg9[%swap3A_527, %swap3A_528] {strides = array<i32>} : memref<40x256xf32, #tpu.memory_space<vmem>>, vector<1x16xf32>,
        %swap3A_530 = vector.shape_cast %swap3A_529 : vector<1x16xf32> to vector<16xf32>
        %swap3A_531 = vector.shape_cast %add3A_526 : vector<16xf32> to vector<1x16xf32>
        tpu.vector_store %arg9[%swap3A_527, %swap3A_528], %swap3A_531 {strides = array<i32>} : memref<40x256xf32, #tpu.memory_space<vmem>>, vector<1x16xf32>,
        %get3A_532 = arith.index_cast %add3A_203 : i32 to index
        %get3A_533 = arith.constant 176 : index
        %get3A_534 = tpu.vector_load %arg7[%get3A_532, %get3A_533] {strides = array<i32>} : memref<160x256xf32, #tpu.memory_space<vmem>>, vector<1x16xf32>,
        %get3A_535 = vector.shape_cast %get3A_534 : vector<1x16xf32> to vector<16xf32>
        %add3A_536 = arith.constant 40 : i32
        %add3A_537 = arith.addi %add3A_536, %add3A_203 : i32
        %get3A_538 = arith.index_cast %add3A_537 : i32 to index
        %get3A_539 = arith.constant 176 : index
        %get3A_540 = tpu.vector_load %arg7[%get3A_538, %get3A_539] {strides = array<i32>} : memref<160x256xf32, #tpu.memory_space<vmem>>, vector<1x16xf32>,
        %get3A_541 = vector.shape_cast %get3A_540 : vector<1x16xf32> to vector<16xf32>
        %add3A_542 = arith.addf %get3A_535, %get3A_541 : vector<16xf32>
        %add3A_543 = arith.constant 80 : i32
        %add3A_544 = arith.addi %add3A_543, %add3A_203 : i32
        %get3A_545 = arith.index_cast %add3A_544 : i32 to index
        %get3A_546 = arith.constant 176 : index
        %get3A_547 = tpu.vector_load %arg7[%get3A_545, %get3A_546] {strides = array<i32>} : memref<160x256xf32, #tpu.memory_space<vmem>>, vector<1x16xf32>,
        %get3A_548 = vector.shape_cast %get3A_547 : vector<1x16xf32> to vector<16xf32>
        %add3A_549 = arith.addf %add3A_542, %get3A_548 : vector<16xf32>
        %add3A_550 = arith.constant 120 : i32
        %add3A_551 = arith.addi %add3A_550, %add3A_203 : i32
        %get3A_552 = arith.index_cast %add3A_551 : i32 to index
        %get3A_553 = arith.constant 176 : index
        %get3A_554 = tpu.vector_load %arg7[%get3A_552, %get3A_553] {strides = array<i32>} : memref<160x256xf32, #tpu.memory_space<vmem>>, vector<1x16xf32>,
        %get3A_555 = vector.shape_cast %get3A_554 : vector<1x16xf32> to vector<16xf32>
        %add3A_556 = arith.addf %add3A_549, %get3A_555 : vector<16xf32>
        %swap3A_557 = arith.index_cast %add3A_203 : i32 to index
        %swap3A_558 = arith.constant 176 : index
        %swap3A_559 = tpu.vector_load %arg9[%swap3A_557, %swap3A_558] {strides = array<i32>} : memref<40x256xf32, #tpu.memory_space<vmem>>, vector<1x16xf32>,
        %swap3A_560 = vector.shape_cast %swap3A_559 : vector<1x16xf32> to vector<16xf32>
        %swap3A_561 = vector.shape_cast %add3A_556 : vector<16xf32> to vector<1x16xf32>
        tpu.vector_store %arg9[%swap3A_557, %swap3A_558], %swap3A_561 {strides = array<i32>} : memref<40x256xf32, #tpu.memory_space<vmem>>, vector<1x16xf32>,
        %get3A_562 = arith.index_cast %add3A_203 : i32 to index
        %get3A_563 = arith.constant 192 : index
        %get3A_564 = tpu.vector_load %arg7[%get3A_562, %get3A_563] {strides = array<i32>} : memref<160x256xf32, #tpu.memory_space<vmem>>, vector<1x16xf32>,
        %get3A_565 = vector.shape_cast %get3A_564 : vector<1x16xf32> to vector<16xf32>
        %add3A_566 = arith.constant 40 : i32
        %add3A_567 = arith.addi %add3A_566, %add3A_203 : i32
        %get3A_568 = arith.index_cast %add3A_567 : i32 to index
        %get3A_569 = arith.constant 192 : index
        %get3A_570 = tpu.vector_load %arg7[%get3A_568, %get3A_569] {strides = array<i32>} : memref<160x256xf32, #tpu.memory_space<vmem>>, vector<1x16xf32>,
        %get3A_571 = vector.shape_cast %get3A_570 : vector<1x16xf32> to vector<16xf32>
        %add3A_572 = arith.addf %get3A_565, %get3A_571 : vector<16xf32>
        %add3A_573 = arith.constant 80 : i32
        %add3A_574 = arith.addi %add3A_573, %add3A_203 : i32
        %get3A_575 = arith.index_cast %add3A_574 : i32 to index
        %get3A_576 = arith.constant 192 : index
        %get3A_577 = tpu.vector_load %arg7[%get3A_575, %get3A_576] {strides = array<i32>} : memref<160x256xf32, #tpu.memory_space<vmem>>, vector<1x16xf32>,
        %get3A_578 = vector.shape_cast %get3A_577 : vector<1x16xf32> to vector<16xf32>
        %add3A_579 = arith.addf %add3A_572, %get3A_578 : vector<16xf32>
        %add3A_580 = arith.constant 120 : i32
        %add3A_581 = arith.addi %add3A_580, %add3A_203 : i32
        %get3A_582 = arith.index_cast %add3A_581 : i32 to index
        %get3A_583 = arith.constant 192 : index
        %get3A_584 = tpu.vector_load %arg7[%get3A_582, %get3A_583] {strides = array<i32>} : memref<160x256xf32, #tpu.memory_space<vmem>>, vector<1x16xf32>,
        %get3A_585 = vector.shape_cast %get3A_584 : vector<1x16xf32> to vector<16xf32>
        %add3A_586 = arith.addf %add3A_579, %get3A_585 : vector<16xf32>
        %swap3A_587 = arith.index_cast %add3A_203 : i32 to index
        %swap3A_588 = arith.constant 192 : index
        %swap3A_589 = tpu.vector_load %arg9[%swap3A_587, %swap3A_588] {strides = array<i32>} : memref<40x256xf32, #tpu.memory_space<vmem>>, vector<1x16xf32>,
        %swap3A_590 = vector.shape_cast %swap3A_589 : vector<1x16xf32> to vector<16xf32>
        %swap3A_591 = vector.shape_cast %add3A_586 : vector<16xf32> to vector<1x16xf32>
        tpu.vector_store %arg9[%swap3A_587, %swap3A_588], %swap3A_591 {strides = array<i32>} : memref<40x256xf32, #tpu.memory_space<vmem>>, vector<1x16xf32>,
        %get3A_592 = arith.index_cast %add3A_203 : i32 to index
        %get3A_593 = arith.constant 208 : index
        %get3A_594 = tpu.vector_load %arg7[%get3A_592, %get3A_593] {strides = array<i32>} : memref<160x256xf32, #tpu.memory_space<vmem>>, vector<1x16xf32>,
        %get3A_595 = vector.shape_cast %get3A_594 : vector<1x16xf32> to vector<16xf32>
        %add3A_596 = arith.constant 40 : i32
        %add3A_597 = arith.addi %add3A_596, %add3A_203 : i32
        %get3A_598 = arith.index_cast %add3A_597 : i32 to index
        %get3A_599 = arith.constant 208 : index
        %get3A_600 = tpu.vector_load %arg7[%get3A_598, %get3A_599] {strides = array<i32>} : memref<160x256xf32, #tpu.memory_space<vmem>>, vector<1x16xf32>,
        %get3A_601 = vector.shape_cast %get3A_600 : vector<1x16xf32> to vector<16xf32>
        %add3A_602 = arith.addf %get3A_595, %get3A_601 : vector<16xf32>
        %add3A_603 = arith.constant 80 : i32
        %add3A_604 = arith.addi %add3A_603, %add3A_203 : i32
        %get3A_605 = arith.index_cast %add3A_604 : i32 to index
        %get3A_606 = arith.constant 208 : index
        %get3A_607 = tpu.vector_load %arg7[%get3A_605, %get3A_606] {strides = array<i32>} : memref<160x256xf32, #tpu.memory_space<vmem>>, vector<1x16xf32>,
        %get3A_608 = vector.shape_cast %get3A_607 : vector<1x16xf32> to vector<16xf32>
        %add3A_609 = arith.addf %add3A_602, %get3A_608 : vector<16xf32>
        %add3A_610 = arith.constant 120 : i32
        %add3A_611 = arith.addi %add3A_610, %add3A_203 : i32
        %get3A_612 = arith.index_cast %add3A_611 : i32 to index
        %get3A_613 = arith.constant 208 : index
        %get3A_614 = tpu.vector_load %arg7[%get3A_612, %get3A_613] {strides = array<i32>} : memref<160x256xf32, #tpu.memory_space<vmem>>, vector<1x16xf32>,
        %get3A_615 = vector.shape_cast %get3A_614 : vector<1x16xf32> to vector<16xf32>
        %add3A_616 = arith.addf %add3A_609, %get3A_615 : vector<16xf32>
        %swap3A_617 = arith.index_cast %add3A_203 : i32 to index
        %swap3A_618 = arith.constant 208 : index
        %swap3A_619 = tpu.vector_load %arg9[%swap3A_617, %swap3A_618] {strides = array<i32>} : memref<40x256xf32, #tpu.memory_space<vmem>>, vector<1x16xf32>,
        %swap3A_620 = vector.shape_cast %swap3A_619 : vector<1x16xf32> to vector<16xf32>
        %swap3A_621 = vector.shape_cast %add3A_616 : vector<16xf32> to vector<1x16xf32>
        tpu.vector_store %arg9[%swap3A_617, %swap3A_618], %swap3A_621 {strides = array<i32>} : memref<40x256xf32, #tpu.memory_space<vmem>>, vector<1x16xf32>,
        %get3A_622 = arith.index_cast %add3A_203 : i32 to index
        %get3A_623 = arith.constant 224 : index
        %get3A_624 = tpu.vector_load %arg7[%get3A_622, %get3A_623] {strides = array<i32>} : memref<160x256xf32, #tpu.memory_space<vmem>>, vector<1x16xf32>,
        %get3A_625 = vector.shape_cast %get3A_624 : vector<1x16xf32> to vector<16xf32>
        %add3A_626 = arith.constant 40 : i32
        %add3A_627 = arith.addi %add3A_626, %add3A_203 : i32
        %get3A_628 = arith.index_cast %add3A_627 : i32 to index
        %get3A_629 = arith.constant 224 : index
        %get3A_630 = tpu.vector_load %arg7[%get3A_628, %get3A_629] {strides = array<i32>} : memref<160x256xf32, #tpu.memory_space<vmem>>, vector<1x16xf32>,
        %get3A_631 = vector.shape_cast %get3A_630 : vector<1x16xf32> to vector<16xf32>
        %add3A_632 = arith.addf %get3A_625, %get3A_631 : vector<16xf32>
        %add3A_633 = arith.constant 80 : i32
        %add3A_634 = arith.addi %add3A_633, %add3A_203 : i32
        %get3A_635 = arith.index_cast %add3A_634 : i32 to index
        %get3A_636 = arith.constant 224 : index
        %get3A_637 = tpu.vector_load %arg7[%get3A_635, %get3A_636] {strides = array<i32>} : memref<160x256xf32, #tpu.memory_space<vmem>>, vector<1x16xf32>,
        %get3A_638 = vector.shape_cast %get3A_637 : vector<1x16xf32> to vector<16xf32>
        %add3A_639 = arith.addf %add3A_632, %get3A_638 : vector<16xf32>
        %add3A_640 = arith.constant 120 : i32
        %add3A_641 = arith.addi %add3A_640, %add3A_203 : i32
        %get3A_642 = arith.index_cast %add3A_641 : i32 to index
        %get3A_643 = arith.constant 224 : index
        %get3A_644 = tpu.vector_load %arg7[%get3A_642, %get3A_643] {strides = array<i32>} : memref<160x256xf32, #tpu.memory_space<vmem>>, vector<1x16xf32>,
        %get3A_645 = vector.shape_cast %get3A_644 : vector<1x16xf32> to vector<16xf32>
        %add3A_646 = arith.addf %add3A_639, %get3A_645 : vector<16xf32>
        %swap3A_647 = arith.index_cast %add3A_203 : i32 to index
        %swap3A_648 = arith.constant 224 : index
        %swap3A_649 = tpu.vector_load %arg9[%swap3A_647, %swap3A_648] {strides = array<i32>} : memref<40x256xf32, #tpu.memory_space<vmem>>, vector<1x16xf32>,
        %swap3A_650 = vector.shape_cast %swap3A_649 : vector<1x16xf32> to vector<16xf32>
        %swap3A_651 = vector.shape_cast %add3A_646 : vector<16xf32> to vector<1x16xf32>
        tpu.vector_store %arg9[%swap3A_647, %swap3A_648], %swap3A_651 {strides = array<i32>} : memref<40x256xf32, #tpu.memory_space<vmem>>, vector<1x16xf32>,
        %get3A_652 = arith.index_cast %add3A_203 : i32 to index
        %get3A_653 = arith.constant 240 : index
        %get3A_654 = tpu.vector_load %arg7[%get3A_652, %get3A_653] {strides = array<i32>} : memref<160x256xf32, #tpu.memory_space<vmem>>, vector<1x16xf32>,
        %get3A_655 = vector.shape_cast %get3A_654 : vector<1x16xf32> to vector<16xf32>
        %add3A_656 = arith.constant 40 : i32
        %add3A_657 = arith.addi %add3A_656, %add3A_203 : i32
        %get3A_658 = arith.index_cast %add3A_657 : i32 to index
        %get3A_659 = arith.constant 240 : index
        %get3A_660 = tpu.vector_load %arg7[%get3A_658, %get3A_659] {strides = array<i32>} : memref<160x256xf32, #tpu.memory_space<vmem>>, vector<1x16xf32>,
        %get3A_661 = vector.shape_cast %get3A_660 : vector<1x16xf32> to vector<16xf32>
        %add3A_662 = arith.addf %get3A_655, %get3A_661 : vector<16xf32>
        %add3A_663 = arith.constant 80 : i32
        %add3A_664 = arith.addi %add3A_663, %add3A_203 : i32
        %get3A_665 = arith.index_cast %add3A_664 : i32 to index
        %get3A_666 = arith.constant 240 : index
        %get3A_667 = tpu.vector_load %arg7[%get3A_665, %get3A_666] {strides = array<i32>} : memref<160x256xf32, #tpu.memory_space<vmem>>, vector<1x16xf32>,
        %get3A_668 = vector.shape_cast %get3A_667 : vector<1x16xf32> to vector<16xf32>
        %add3A_669 = arith.addf %add3A_662, %get3A_668 : vector<16xf32>
        %add3A_670 = arith.constant 120 : i32
        %add3A_671 = arith.addi %add3A_670, %add3A_203 : i32
        %get3A_672 = arith.index_cast %add3A_671 : i32 to index
        %get3A_673 = arith.constant 240 : index
        %get3A_674 = tpu.vector_load %arg7[%get3A_672, %get3A_673] {strides = array<i32>} : memref<160x256xf32, #tpu.memory_space<vmem>>, vector<1x16xf32>,
        %get3A_675 = vector.shape_cast %get3A_674 : vector<1x16xf32> to vector<16xf32>
        %add3A_676 = arith.addf %add3A_669, %get3A_675 : vector<16xf32>
        %swap3A_677 = arith.index_cast %add3A_203 : i32 to index
        %swap3A_678 = arith.constant 240 : index
        %swap3A_679 = tpu.vector_load %arg9[%swap3A_677, %swap3A_678] {strides = array<i32>} : memref<40x256xf32, #tpu.memory_space<vmem>>, vector<1x16xf32>,
        %swap3A_680 = vector.shape_cast %swap3A_679 : vector<1x16xf32> to vector<16xf32>
        %swap3A_681 = vector.shape_cast %add3A_676 : vector<16xf32> to vector<1x16xf32>
        tpu.vector_store %arg9[%swap3A_677, %swap3A_678], %swap3A_681 {strides = array<i32>} : memref<40x256xf32, #tpu.memory_space<vmem>>, vector<1x16xf32>,
      }
      %scan3A_138 = arith.constant 40 : i32
      %add3A_139 = arith.constant 1 : i32
      %add3A_140 = arith.addi %add3A_90, %add3A_139 : i32
      %lt3A = arith.constant 40 : i32
      %lt3A_141 = arith.cmpi slt, %add3A_140, %lt3A : i32
      %convert_element_type3A = arith.extui %lt3A_141 : i1 to i32
      %cond3A = arith.constant 0 : i32
      %cond3A_142 = arith.cmpi ne, %convert_element_type3A, %cond3A : i32
      scf.if %cond3A_142 {
        %add3A_199 = arith.constant 1 : i32
        %add3A_200 = arith.addi %add3A_90, %add3A_199 : i32
        %mul3A_201 = arith.constant 40 : i32
        %mul3A_202 = arith.muli %add3A_200, %mul3A_201 : i32
        %add3A_203 = arith.constant 0 : i32
        %add3A_204 = arith.addi %add3A_203, %mul3A_202 : i32
        %dma_start3A_205 = arith.constant 0 : i32
        %dma_start3A_206 = arith.constant 0 : i32
        %dma_start3A_207 = tpu.memref_slice %arg7[%dma_start3A_205, %dma_start3A_206] : memref<160x256xf32, #tpu.memory_space<vmem>> -> memref<40x256xf32, #tpu.memory_space<vmem>>
        %dma_start3A_208 = tpu.memref_slice %arg6[%add3A_204] : memref<12800xi32, #tpu.memory_space<vmem>> -> memref<40xi32, #tpu.memory_space<vmem>>
        %dma_start3A_209 = arith.constant 0 : i32
        %dma_start3A_210 = arith.constant 0 : i32
        %dma_start3A_211 = tpu.memref_slice %arg3[%dma_start3A_209, %dma_start3A_210] : memref<100000x256xf32, #tpu.memory_space<hbm>> -> memref<100000x256xf32, #tpu.memory_space<hbm>>
        tpu.enqueue_indirect_dma source(%dma_start3A_211 : memref<100000x256xf32, #tpu.memory_space<hbm>>) target(%dma_start3A_207 : memref<40x256xf32, #tpu.memory_space<vmem>>) offsets(%dma_start3A_208 : memref<40xi32, #tpu.memory_space<vmem>>) semaphore(%arg11 : memref<!tpu.dma_semaphore, #tpu.memory_space<semaphore_mem>>)
        %mul3A_212 = arith.constant 40 : i32
        %mul3A_213 = arith.muli %add3A_200, %mul3A_212 : i32
        %add3A_214 = arith.constant 1600 : i32
        %add3A_215 = arith.addi %add3A_214, %mul3A_213 : i32
        %dma_start3A_216 = arith.constant 40 : i32
        %dma_start3A_217 = arith.constant 0 : i32
        %dma_start3A_218 = tpu.memref_slice %arg7[%dma_start3A_216, %dma_start3A_217] : memref<160x256xf32, #tpu.memory_space<vmem>> -> memref<40x256xf32, #tpu.memory_space<vmem>>
        %dma_start3A_219 = tpu.memref_slice %arg6[%add3A_215] : memref<12800xi32, #tpu.memory_space<vmem>> -> memref<40xi32, #tpu.memory_space<vmem>>
        %dma_start3A_220 = arith.constant 0 : i32
        %dma_start3A_221 = arith.constant 0 : i32
        %dma_start3A_222 = tpu.memref_slice %arg3[%dma_start3A_220, %dma_start3A_221] : memref<100000x256xf32, #tpu.memory_space<hbm>> -> memref<100000x256xf32, #tpu.memory_space<hbm>>
        tpu.enqueue_indirect_dma source(%dma_start3A_222 : memref<100000x256xf32, #tpu.memory_space<hbm>>) target(%dma_start3A_218 : memref<40x256xf32, #tpu.memory_space<vmem>>) offsets(%dma_start3A_219 : memref<40xi32, #tpu.memory_space<vmem>>) semaphore(%arg11 : memref<!tpu.dma_semaphore, #tpu.memory_space<semaphore_mem>>)
        %mul3A_223 = arith.constant 40 : i32
        %mul3A_224 = arith.muli %add3A_200, %mul3A_223 : i32
        %add3A_225 = arith.constant 3200 : i32
        %add3A_226 = arith.addi %add3A_225, %mul3A_224 : i32
        %dma_start3A_227 = arith.constant 80 : i32
        %dma_start3A_228 = arith.constant 0 : i32
        %dma_start3A_229 = tpu.memref_slice %arg7[%dma_start3A_227, %dma_start3A_228] : memref<160x256xf32, #tpu.memory_space<vmem>> -> memref<40x256xf32, #tpu.memory_space<vmem>>
        %dma_start3A_230 = tpu.memref_slice %arg6[%add3A_226] : memref<12800xi32, #tpu.memory_space<vmem>> -> memref<40xi32, #tpu.memory_space<vmem>>
        %dma_start3A_231 = arith.constant 0 : i32
        %dma_start3A_232 = arith.constant 0 : i32
        %dma_start3A_233 = tpu.memref_slice %arg3[%dma_start3A_231, %dma_start3A_232] : memref<100000x256xf32, #tpu.memory_space<hbm>> -> memref<100000x256xf32, #tpu.memory_space<hbm>>
        tpu.enqueue_indirect_dma source(%dma_start3A_233 : memref<100000x256xf32, #tpu.memory_space<hbm>>) target(%dma_start3A_229 : memref<40x256xf32, #tpu.memory_space<vmem>>) offsets(%dma_start3A_230 : memref<40xi32, #tpu.memory_space<vmem>>) semaphore(%arg11 : memref<!tpu.dma_semaphore, #tpu.memory_space<semaphore_mem>>)
        %mul3A_234 = arith.constant 40 : i32
        %mul3A_235 = arith.muli %add3A_200, %mul3A_234 : i32
        %add3A_236 = arith.constant 4800 : i32
        %add3A_237 = arith.addi %add3A_236, %mul3A_235 : i32
        %dma_start3A_238 = arith.constant 120 : i32
        %dma_start3A_239 = arith.constant 0 : i32
        %dma_start3A_240 = tpu.memref_slice %arg7[%dma_start3A_238, %dma_start3A_239] : memref<160x256xf32, #tpu.memory_space<vmem>> -> memref<40x256xf32, #tpu.memory_space<vmem>>
        %dma_start3A_241 = tpu.memref_slice %arg6[%add3A_237] : memref<12800xi32, #tpu.memory_space<vmem>> -> memref<40xi32, #tpu.memory_space<vmem>>
        %dma_start3A_242 = arith.constant 0 : i32
        %dma_start3A_243 = arith.constant 0 : i32
        %dma_start3A_244 = tpu.memref_slice %arg3[%dma_start3A_242, %dma_start3A_243] : memref<100000x256xf32, #tpu.memory_space<hbm>> -> memref<100000x256xf32, #tpu.memory_space<hbm>>
        tpu.enqueue_indirect_dma source(%dma_start3A_244 : memref<100000x256xf32, #tpu.memory_space<hbm>>) target(%dma_start3A_240 : memref<40x256xf32, #tpu.memory_space<vmem>>) offsets(%dma_start3A_241 : memref<40xi32, #tpu.memory_space<vmem>>) semaphore(%arg11 : memref<!tpu.dma_semaphore, #tpu.memory_space<semaphore_mem>>)
      } else {
      }
      %mul3A_143 = arith.constant 40 : i32
      %mul3A_144 = arith.muli %add3A_90, %mul3A_143 : i32
      %add3A_145 = arith.constant 6400 : i32
      %add3A_146 = arith.addi %add3A_145, %mul3A_144 : i32
      %dma_wait3A_147 = arith.constant 0 : i32
      %dma_wait3A_148 = arith.constant 0 : i32
      %dma_wait3A_149 = tpu.memref_slice %arg8[%dma_wait3A_147, %dma_wait3A_148] : memref<160x256xf32, #tpu.memory_space<vmem>> -> memref<40x256xf32, #tpu.memory_space<vmem>>
      %dma_wait3A_150 = tpu.memref_slice %arg6[%add3A_146] : memref<12800xi32, #tpu.memory_space<vmem>> -> memref<40xi32, #tpu.memory_space<vmem>>
      %dma_wait3A_151 = arith.constant 0 : i32
      %dma_wait3A_152 = arith.constant 0 : i32
      %dma_wait3A_153 = tpu.memref_slice %arg3[%dma_wait3A_151, %dma_wait3A_152] : memref<100000x256xf32, #tpu.memory_space<hbm>> -> memref<100000x256xf32, #tpu.memory_space<hbm>>
      tpu.wait_indirect_dma semaphore(%arg12 : memref<!tpu.dma_semaphore, #tpu.memory_space<semaphore_mem>>) src(%dma_wait3A_153 : memref<100000x256xf32, #tpu.memory_space<hbm>>) dst(%dma_wait3A_149 : memref<40x256xf32, #tpu.memory_space<vmem>>)
      %mul3A_154 = arith.constant 40 : i32
      %mul3A_155 = arith.muli %add3A_90, %mul3A_154 : i32
      %add3A_156 = arith.constant 8000 : i32
      %add3A_157 = arith.addi %add3A_156, %mul3A_155 : i32
      %dma_wait3A_158 = arith.constant 40 : i32
      %dma_wait3A_159 = arith.constant 0 : i32
      %dma_wait3A_160 = tpu.memref_slice %arg8[%dma_wait3A_158, %dma_wait3A_159] : memref<160x256xf32, #tpu.memory_space<vmem>> -> memref<40x256xf32, #tpu.memory_space<vmem>>
      %dma_wait3A_161 = tpu.memref_slice %arg6[%add3A_157] : memref<12800xi32, #tpu.memory_space<vmem>> -> memref<40xi32, #tpu.memory_space<vmem>>
      %dma_wait3A_162 = arith.constant 0 : i32
      %dma_wait3A_163 = arith.constant 0 : i32
      %dma_wait3A_164 = tpu.memref_slice %arg3[%dma_wait3A_162, %dma_wait3A_163] : memref<100000x256xf32, #tpu.memory_space<hbm>> -> memref<100000x256xf32, #tpu.memory_space<hbm>>
      tpu.wait_indirect_dma semaphore(%arg12 : memref<!tpu.dma_semaphore, #tpu.memory_space<semaphore_mem>>) src(%dma_wait3A_164 : memref<100000x256xf32, #tpu.memory_space<hbm>>) dst(%dma_wait3A_160 : memref<40x256xf32, #tpu.memory_space<vmem>>)
      %mul3A_165 = arith.constant 40 : i32
      %mul3A_166 = arith.muli %add3A_90, %mul3A_165 : i32
      %add3A_167 = arith.constant 9600 : i32
      %add3A_168 = arith.addi %add3A_167, %mul3A_166 : i32
      %dma_wait3A_169 = arith.constant 80 : i32
      %dma_wait3A_170 = arith.constant 0 : i32
      %dma_wait3A_171 = tpu.memref_slice %arg8[%dma_wait3A_169, %dma_wait3A_170] : memref<160x256xf32, #tpu.memory_space<vmem>> -> memref<40x256xf32, #tpu.memory_space<vmem>>
      %dma_wait3A_172 = tpu.memref_slice %arg6[%add3A_168] : memref<12800xi32, #tpu.memory_space<vmem>> -> memref<40xi32, #tpu.memory_space<vmem>>
      %dma_wait3A_173 = arith.constant 0 : i32
      %dma_wait3A_174 = arith.constant 0 : i32
      %dma_wait3A_175 = tpu.memref_slice %arg3[%dma_wait3A_173, %dma_wait3A_174] : memref<100000x256xf32, #tpu.memory_space<hbm>> -> memref<100000x256xf32, #tpu.memory_space<hbm>>
      tpu.wait_indirect_dma semaphore(%arg12 : memref<!tpu.dma_semaphore, #tpu.memory_space<semaphore_mem>>) src(%dma_wait3A_175 : memref<100000x256xf32, #tpu.memory_space<hbm>>) dst(%dma_wait3A_171 : memref<40x256xf32, #tpu.memory_space<vmem>>)
      %mul3A_176 = arith.constant 40 : i32
      %mul3A_177 = arith.muli %add3A_90, %mul3A_176 : i32
      %add3A_178 = arith.constant 11200 : i32
      %add3A_179 = arith.addi %add3A_178, %mul3A_177 : i32
      %dma_wait3A_180 = arith.constant 120 : i32
      %dma_wait3A_181 = arith.constant 0 : i32
      %dma_wait3A_182 = tpu.memref_slice %arg8[%dma_wait3A_180, %dma_wait3A_181] : memref<160x256xf32, #tpu.memory_space<vmem>> -> memref<40x256xf32, #tpu.memory_space<vmem>>
      %dma_wait3A_183 = tpu.memref_slice %arg6[%add3A_179] : memref<12800xi32, #tpu.memory_space<vmem>> -> memref<40xi32, #tpu.memory_space<vmem>>
      %dma_wait3A_184 = arith.constant 0 : i32
      %dma_wait3A_185 = arith.constant 0 : i32
      %dma_wait3A_186 = tpu.memref_slice %arg3[%dma_wait3A_184, %dma_wait3A_185] : memref<100000x256xf32, #tpu.memory_space<hbm>> -> memref<100000x256xf32, #tpu.memory_space<hbm>>
      tpu.wait_indirect_dma semaphore(%arg12 : memref<!tpu.dma_semaphore, #tpu.memory_space<semaphore_mem>>) src(%dma_wait3A_186 : memref<100000x256xf32, #tpu.memory_space<hbm>>) dst(%dma_wait3A_182 : memref<40x256xf32, #tpu.memory_space<vmem>>)
      %scan3A_187 = arith.constant 0 : i32
      %scan3A_188 = arith.constant 40 : i32
      %scan3A_189 = arith.addi %scan3A_187, %scan3A_188 : i32
      %scan3A_190 = arith.constant 1 : i32
      scf.for %scan3A_199 = %scan3A_187 to %scan3A_189 step %scan3A_190  : i32 {
        %mul3A_200 = arith.constant 1 : i32
        %mul3A_201 = arith.muli %scan3A_199, %mul3A_200 : i32
        %add3A_202 = arith.constant 0 : i32
        %add3A_203 = arith.addi %add3A_202, %mul3A_201 : i32
        %get3A = arith.index_cast %add3A_203 : i32 to index
        %get3A_204 = arith.constant 0 : index
        %get3A_205 = tpu.vector_load %arg9[%get3A, %get3A_204] {strides = array<i32>} : memref<40x256xf32, #tpu.memory_space<vmem>>, vector<1x16xf32>,
        %get3A_206 = vector.shape_cast %get3A_205 : vector<1x16xf32> to vector<16xf32>
        %get3A_207 = arith.index_cast %add3A_203 : i32 to index
        %get3A_208 = arith.constant 0 : index
        %get3A_209 = tpu.vector_load %arg8[%get3A_207, %get3A_208] {strides = array<i32>} : memref<160x256xf32, #tpu.memory_space<vmem>>, vector<1x16xf32>,
        %get3A_210 = vector.shape_cast %get3A_209 : vector<1x16xf32> to vector<16xf32>
        %add3A_211 = arith.addf %get3A_206, %get3A_210 : vector<16xf32>
        %add3A_212 = arith.constant 40 : i32
        %add3A_213 = arith.addi %add3A_212, %add3A_203 : i32
        %get3A_214 = arith.index_cast %add3A_213 : i32 to index
        %get3A_215 = arith.constant 0 : index
        %get3A_216 = tpu.vector_load %arg8[%get3A_214, %get3A_215] {strides = array<i32>} : memref<160x256xf32, #tpu.memory_space<vmem>>, vector<1x16xf32>,
        %get3A_217 = vector.shape_cast %get3A_216 : vector<1x16xf32> to vector<16xf32>
        %add3A_218 = arith.addf %add3A_211, %get3A_217 : vector<16xf32>
        %add3A_219 = arith.constant 80 : i32
        %add3A_220 = arith.addi %add3A_219, %add3A_203 : i32
        %get3A_221 = arith.index_cast %add3A_220 : i32 to index
        %get3A_222 = arith.constant 0 : index
        %get3A_223 = tpu.vector_load %arg8[%get3A_221, %get3A_222] {strides = array<i32>} : memref<160x256xf32, #tpu.memory_space<vmem>>, vector<1x16xf32>,
        %get3A_224 = vector.shape_cast %get3A_223 : vector<1x16xf32> to vector<16xf32>
        %add3A_225 = arith.addf %add3A_218, %get3A_224 : vector<16xf32>
        %add3A_226 = arith.constant 120 : i32
        %add3A_227 = arith.addi %add3A_226, %add3A_203 : i32
        %get3A_228 = arith.index_cast %add3A_227 : i32 to index
        %get3A_229 = arith.constant 0 : index
        %get3A_230 = tpu.vector_load %arg8[%get3A_228, %get3A_229] {strides = array<i32>} : memref<160x256xf32, #tpu.memory_space<vmem>>, vector<1x16xf32>,
        %get3A_231 = vector.shape_cast %get3A_230 : vector<1x16xf32> to vector<16xf32>
        %add3A_232 = arith.addf %add3A_225, %get3A_231 : vector<16xf32>
        %swap3A = arith.index_cast %add3A_203 : i32 to index
        %swap3A_233 = arith.constant 0 : index
        %swap3A_234 = tpu.vector_load %arg9[%swap3A, %swap3A_233] {strides = array<i32>} : memref<40x256xf32, #tpu.memory_space<vmem>>, vector<1x16xf32>,
        %swap3A_235 = vector.shape_cast %swap3A_234 : vector<1x16xf32> to vector<16xf32>
        %swap3A_236 = vector.shape_cast %add3A_232 : vector<16xf32> to vector<1x16xf32>
        tpu.vector_store %arg9[%swap3A, %swap3A_233], %swap3A_236 {strides = array<i32>} : memref<40x256xf32, #tpu.memory_space<vmem>>, vector<1x16xf32>,
        %get3A_237 = arith.index_cast %add3A_203 : i32 to index
        %get3A_238 = arith.constant 16 : index
        %get3A_239 = tpu.vector_load %arg9[%get3A_237, %get3A_238] {strides = array<i32>} : memref<40x256xf32, #tpu.memory_space<vmem>>, vector<1x16xf32>,
        %get3A_240 = vector.shape_cast %get3A_239 : vector<1x16xf32> to vector<16xf32>
        %get3A_241 = arith.index_cast %add3A_203 : i32 to index
        %get3A_242 = arith.constant 16 : index
        %get3A_243 = tpu.vector_load %arg8[%get3A_241, %get3A_242] {strides = array<i32>} : memref<160x256xf32, #tpu.memory_space<vmem>>, vector<1x16xf32>,
        %get3A_244 = vector.shape_cast %get3A_243 : vector<1x16xf32> to vector<16xf32>
        %add3A_245 = arith.addf %get3A_240, %get3A_244 : vector<16xf32>
        %add3A_246 = arith.constant 40 : i32
        %add3A_247 = arith.addi %add3A_246, %add3A_203 : i32
        %get3A_248 = arith.index_cast %add3A_247 : i32 to index
        %get3A_249 = arith.constant 16 : index
        %get3A_250 = tpu.vector_load %arg8[%get3A_248, %get3A_249] {strides = array<i32>} : memref<160x256xf32, #tpu.memory_space<vmem>>, vector<1x16xf32>,
        %get3A_251 = vector.shape_cast %get3A_250 : vector<1x16xf32> to vector<16xf32>
        %add3A_252 = arith.addf %add3A_245, %get3A_251 : vector<16xf32>
        %add3A_253 = arith.constant 80 : i32
        %add3A_254 = arith.addi %add3A_253, %add3A_203 : i32
        %get3A_255 = arith.index_cast %add3A_254 : i32 to index
        %get3A_256 = arith.constant 16 : index
        %get3A_257 = tpu.vector_load %arg8[%get3A_255, %get3A_256] {strides = array<i32>} : memref<160x256xf32, #tpu.memory_space<vmem>>, vector<1x16xf32>,
        %get3A_258 = vector.shape_cast %get3A_257 : vector<1x16xf32> to vector<16xf32>
        %add3A_259 = arith.addf %add3A_252, %get3A_258 : vector<16xf32>
        %add3A_260 = arith.constant 120 : i32
        %add3A_261 = arith.addi %add3A_260, %add3A_203 : i32
        %get3A_262 = arith.index_cast %add3A_261 : i32 to index
        %get3A_263 = arith.constant 16 : index
        %get3A_264 = tpu.vector_load %arg8[%get3A_262, %get3A_263] {strides = array<i32>} : memref<160x256xf32, #tpu.memory_space<vmem>>, vector<1x16xf32>,
        %get3A_265 = vector.shape_cast %get3A_264 : vector<1x16xf32> to vector<16xf32>
        %add3A_266 = arith.addf %add3A_259, %get3A_265 : vector<16xf32>
        %swap3A_267 = arith.index_cast %add3A_203 : i32 to index
        %swap3A_268 = arith.constant 16 : index
        %swap3A_269 = tpu.vector_load %arg9[%swap3A_267, %swap3A_268] {strides = array<i32>} : memref<40x256xf32, #tpu.memory_space<vmem>>, vector<1x16xf32>,
        %swap3A_270 = vector.shape_cast %swap3A_269 : vector<1x16xf32> to vector<16xf32>
        %swap3A_271 = vector.shape_cast %add3A_266 : vector<16xf32> to vector<1x16xf32>
        tpu.vector_store %arg9[%swap3A_267, %swap3A_268], %swap3A_271 {strides = array<i32>} : memref<40x256xf32, #tpu.memory_space<vmem>>, vector<1x16xf32>,
        %get3A_272 = arith.index_cast %add3A_203 : i32 to index
        %get3A_273 = arith.constant 32 : index
        %get3A_274 = tpu.vector_load %arg9[%get3A_272, %get3A_273] {strides = array<i32>} : memref<40x256xf32, #tpu.memory_space<vmem>>, vector<1x16xf32>,
        %get3A_275 = vector.shape_cast %get3A_274 : vector<1x16xf32> to vector<16xf32>
        %get3A_276 = arith.index_cast %add3A_203 : i32 to index
        %get3A_277 = arith.constant 32 : index
        %get3A_278 = tpu.vector_load %arg8[%get3A_276, %get3A_277] {strides = array<i32>} : memref<160x256xf32, #tpu.memory_space<vmem>>, vector<1x16xf32>,
        %get3A_279 = vector.shape_cast %get3A_278 : vector<1x16xf32> to vector<16xf32>
        %add3A_280 = arith.addf %get3A_275, %get3A_279 : vector<16xf32>
        %add3A_281 = arith.constant 40 : i32
        %add3A_282 = arith.addi %add3A_281, %add3A_203 : i32
        %get3A_283 = arith.index_cast %add3A_282 : i32 to index
        %get3A_284 = arith.constant 32 : index
        %get3A_285 = tpu.vector_load %arg8[%get3A_283, %get3A_284] {strides = array<i32>} : memref<160x256xf32, #tpu.memory_space<vmem>>, vector<1x16xf32>,
        %get3A_286 = vector.shape_cast %get3A_285 : vector<1x16xf32> to vector<16xf32>
        %add3A_287 = arith.addf %add3A_280, %get3A_286 : vector<16xf32>
        %add3A_288 = arith.constant 80 : i32
        %add3A_289 = arith.addi %add3A_288, %add3A_203 : i32
        %get3A_290 = arith.index_cast %add3A_289 : i32 to index
        %get3A_291 = arith.constant 32 : index
        %get3A_292 = tpu.vector_load %arg8[%get3A_290, %get3A_291] {strides = array<i32>} : memref<160x256xf32, #tpu.memory_space<vmem>>, vector<1x16xf32>,
        %get3A_293 = vector.shape_cast %get3A_292 : vector<1x16xf32> to vector<16xf32>
        %add3A_294 = arith.addf %add3A_287, %get3A_293 : vector<16xf32>
        %add3A_295 = arith.constant 120 : i32
        %add3A_296 = arith.addi %add3A_295, %add3A_203 : i32
        %get3A_297 = arith.index_cast %add3A_296 : i32 to index
        %get3A_298 = arith.constant 32 : index
        %get3A_299 = tpu.vector_load %arg8[%get3A_297, %get3A_298] {strides = array<i32>} : memref<160x256xf32, #tpu.memory_space<vmem>>, vector<1x16xf32>,
        %get3A_300 = vector.shape_cast %get3A_299 : vector<1x16xf32> to vector<16xf32>
        %add3A_301 = arith.addf %add3A_294, %get3A_300 : vector<16xf32>
        %swap3A_302 = arith.index_cast %add3A_203 : i32 to index
        %swap3A_303 = arith.constant 32 : index
        %swap3A_304 = tpu.vector_load %arg9[%swap3A_302, %swap3A_303] {strides = array<i32>} : memref<40x256xf32, #tpu.memory_space<vmem>>, vector<1x16xf32>,
        %swap3A_305 = vector.shape_cast %swap3A_304 : vector<1x16xf32> to vector<16xf32>
        %swap3A_306 = vector.shape_cast %add3A_301 : vector<16xf32> to vector<1x16xf32>
        tpu.vector_store %arg9[%swap3A_302, %swap3A_303], %swap3A_306 {strides = array<i32>} : memref<40x256xf32, #tpu.memory_space<vmem>>, vector<1x16xf32>,
        %get3A_307 = arith.index_cast %add3A_203 : i32 to index
        %get3A_308 = arith.constant 48 : index
        %get3A_309 = tpu.vector_load %arg9[%get3A_307, %get3A_308] {strides = array<i32>} : memref<40x256xf32, #tpu.memory_space<vmem>>, vector<1x16xf32>,
        %get3A_310 = vector.shape_cast %get3A_309 : vector<1x16xf32> to vector<16xf32>
        %get3A_311 = arith.index_cast %add3A_203 : i32 to index
        %get3A_312 = arith.constant 48 : index
        %get3A_313 = tpu.vector_load %arg8[%get3A_311, %get3A_312] {strides = array<i32>} : memref<160x256xf32, #tpu.memory_space<vmem>>, vector<1x16xf32>,
        %get3A_314 = vector.shape_cast %get3A_313 : vector<1x16xf32> to vector<16xf32>
        %add3A_315 = arith.addf %get3A_310, %get3A_314 : vector<16xf32>
        %add3A_316 = arith.constant 40 : i32
        %add3A_317 = arith.addi %add3A_316, %add3A_203 : i32
        %get3A_318 = arith.index_cast %add3A_317 : i32 to index
        %get3A_319 = arith.constant 48 : index
        %get3A_320 = tpu.vector_load %arg8[%get3A_318, %get3A_319] {strides = array<i32>} : memref<160x256xf32, #tpu.memory_space<vmem>>, vector<1x16xf32>,
        %get3A_321 = vector.shape_cast %get3A_320 : vector<1x16xf32> to vector<16xf32>
        %add3A_322 = arith.addf %add3A_315, %get3A_321 : vector<16xf32>
        %add3A_323 = arith.constant 80 : i32
        %add3A_324 = arith.addi %add3A_323, %add3A_203 : i32
        %get3A_325 = arith.index_cast %add3A_324 : i32 to index
        %get3A_326 = arith.constant 48 : index
        %get3A_327 = tpu.vector_load %arg8[%get3A_325, %get3A_326] {strides = array<i32>} : memref<160x256xf32, #tpu.memory_space<vmem>>, vector<1x16xf32>,
        %get3A_328 = vector.shape_cast %get3A_327 : vector<1x16xf32> to vector<16xf32>
        %add3A_329 = arith.addf %add3A_322, %get3A_328 : vector<16xf32>
        %add3A_330 = arith.constant 120 : i32
        %add3A_331 = arith.addi %add3A_330, %add3A_203 : i32
        %get3A_332 = arith.index_cast %add3A_331 : i32 to index
        %get3A_333 = arith.constant 48 : index
        %get3A_334 = tpu.vector_load %arg8[%get3A_332, %get3A_333] {strides = array<i32>} : memref<160x256xf32, #tpu.memory_space<vmem>>, vector<1x16xf32>,
        %get3A_335 = vector.shape_cast %get3A_334 : vector<1x16xf32> to vector<16xf32>
        %add3A_336 = arith.addf %add3A_329, %get3A_335 : vector<16xf32>
        %swap3A_337 = arith.index_cast %add3A_203 : i32 to index
        %swap3A_338 = arith.constant 48 : index
        %swap3A_339 = tpu.vector_load %arg9[%swap3A_337, %swap3A_338] {strides = array<i32>} : memref<40x256xf32, #tpu.memory_space<vmem>>, vector<1x16xf32>,
        %swap3A_340 = vector.shape_cast %swap3A_339 : vector<1x16xf32> to vector<16xf32>
        %swap3A_341 = vector.shape_cast %add3A_336 : vector<16xf32> to vector<1x16xf32>
        tpu.vector_store %arg9[%swap3A_337, %swap3A_338], %swap3A_341 {strides = array<i32>} : memref<40x256xf32, #tpu.memory_space<vmem>>, vector<1x16xf32>,
        %get3A_342 = arith.index_cast %add3A_203 : i32 to index
        %get3A_343 = arith.constant 64 : index
        %get3A_344 = tpu.vector_load %arg9[%get3A_342, %get3A_343] {strides = array<i32>} : memref<40x256xf32, #tpu.memory_space<vmem>>, vector<1x16xf32>,
        %get3A_345 = vector.shape_cast %get3A_344 : vector<1x16xf32> to vector<16xf32>
        %get3A_346 = arith.index_cast %add3A_203 : i32 to index
        %get3A_347 = arith.constant 64 : index
        %get3A_348 = tpu.vector_load %arg8[%get3A_346, %get3A_347] {strides = array<i32>} : memref<160x256xf32, #tpu.memory_space<vmem>>, vector<1x16xf32>,
        %get3A_349 = vector.shape_cast %get3A_348 : vector<1x16xf32> to vector<16xf32>
        %add3A_350 = arith.addf %get3A_345, %get3A_349 : vector<16xf32>
        %add3A_351 = arith.constant 40 : i32
        %add3A_352 = arith.addi %add3A_351, %add3A_203 : i32
        %get3A_353 = arith.index_cast %add3A_352 : i32 to index
        %get3A_354 = arith.constant 64 : index
        %get3A_355 = tpu.vector_load %arg8[%get3A_353, %get3A_354] {strides = array<i32>} : memref<160x256xf32, #tpu.memory_space<vmem>>, vector<1x16xf32>,
        %get3A_356 = vector.shape_cast %get3A_355 : vector<1x16xf32> to vector<16xf32>
        %add3A_357 = arith.addf %add3A_350, %get3A_356 : vector<16xf32>
        %add3A_358 = arith.constant 80 : i32
        %add3A_359 = arith.addi %add3A_358, %add3A_203 : i32
        %get3A_360 = arith.index_cast %add3A_359 : i32 to index
        %get3A_361 = arith.constant 64 : index
        %get3A_362 = tpu.vector_load %arg8[%get3A_360, %get3A_361] {strides = array<i32>} : memref<160x256xf32, #tpu.memory_space<vmem>>, vector<1x16xf32>,
        %get3A_363 = vector.shape_cast %get3A_362 : vector<1x16xf32> to vector<16xf32>
        %add3A_364 = arith.addf %add3A_357, %get3A_363 : vector<16xf32>
        %add3A_365 = arith.constant 120 : i32
        %add3A_366 = arith.addi %add3A_365, %add3A_203 : i32
        %get3A_367 = arith.index_cast %add3A_366 : i32 to index
        %get3A_368 = arith.constant 64 : index
        %get3A_369 = tpu.vector_load %arg8[%get3A_367, %get3A_368] {strides = array<i32>} : memref<160x256xf32, #tpu.memory_space<vmem>>, vector<1x16xf32>,
        %get3A_370 = vector.shape_cast %get3A_369 : vector<1x16xf32> to vector<16xf32>
        %add3A_371 = arith.addf %add3A_364, %get3A_370 : vector<16xf32>
        %swap3A_372 = arith.index_cast %add3A_203 : i32 to index
        %swap3A_373 = arith.constant 64 : index
        %swap3A_374 = tpu.vector_load %arg9[%swap3A_372, %swap3A_373] {strides = array<i32>} : memref<40x256xf32, #tpu.memory_space<vmem>>, vector<1x16xf32>,
        %swap3A_375 = vector.shape_cast %swap3A_374 : vector<1x16xf32> to vector<16xf32>
        %swap3A_376 = vector.shape_cast %add3A_371 : vector<16xf32> to vector<1x16xf32>
        tpu.vector_store %arg9[%swap3A_372, %swap3A_373], %swap3A_376 {strides = array<i32>} : memref<40x256xf32, #tpu.memory_space<vmem>>, vector<1x16xf32>,
        %get3A_377 = arith.index_cast %add3A_203 : i32 to index
        %get3A_378 = arith.constant 80 : index
        %get3A_379 = tpu.vector_load %arg9[%get3A_377, %get3A_378] {strides = array<i32>} : memref<40x256xf32, #tpu.memory_space<vmem>>, vector<1x16xf32>,
        %get3A_380 = vector.shape_cast %get3A_379 : vector<1x16xf32> to vector<16xf32>
        %get3A_381 = arith.index_cast %add3A_203 : i32 to index
        %get3A_382 = arith.constant 80 : index
        %get3A_383 = tpu.vector_load %arg8[%get3A_381, %get3A_382] {strides = array<i32>} : memref<160x256xf32, #tpu.memory_space<vmem>>, vector<1x16xf32>,
        %get3A_384 = vector.shape_cast %get3A_383 : vector<1x16xf32> to vector<16xf32>
        %add3A_385 = arith.addf %get3A_380, %get3A_384 : vector<16xf32>
        %add3A_386 = arith.constant 40 : i32
        %add3A_387 = arith.addi %add3A_386, %add3A_203 : i32
        %get3A_388 = arith.index_cast %add3A_387 : i32 to index
        %get3A_389 = arith.constant 80 : index
        %get3A_390 = tpu.vector_load %arg8[%get3A_388, %get3A_389] {strides = array<i32>} : memref<160x256xf32, #tpu.memory_space<vmem>>, vector<1x16xf32>,
        %get3A_391 = vector.shape_cast %get3A_390 : vector<1x16xf32> to vector<16xf32>
        %add3A_392 = arith.addf %add3A_385, %get3A_391 : vector<16xf32>
        %add3A_393 = arith.constant 80 : i32
        %add3A_394 = arith.addi %add3A_393, %add3A_203 : i32
        %get3A_395 = arith.index_cast %add3A_394 : i32 to index
        %get3A_396 = arith.constant 80 : index
        %get3A_397 = tpu.vector_load %arg8[%get3A_395, %get3A_396] {strides = array<i32>} : memref<160x256xf32, #tpu.memory_space<vmem>>, vector<1x16xf32>,
        %get3A_398 = vector.shape_cast %get3A_397 : vector<1x16xf32> to vector<16xf32>
        %add3A_399 = arith.addf %add3A_392, %get3A_398 : vector<16xf32>
        %add3A_400 = arith.constant 120 : i32
        %add3A_401 = arith.addi %add3A_400, %add3A_203 : i32
        %get3A_402 = arith.index_cast %add3A_401 : i32 to index
        %get3A_403 = arith.constant 80 : index
        %get3A_404 = tpu.vector_load %arg8[%get3A_402, %get3A_403] {strides = array<i32>} : memref<160x256xf32, #tpu.memory_space<vmem>>, vector<1x16xf32>,
        %get3A_405 = vector.shape_cast %get3A_404 : vector<1x16xf32> to vector<16xf32>
        %add3A_406 = arith.addf %add3A_399, %get3A_405 : vector<16xf32>
        %swap3A_407 = arith.index_cast %add3A_203 : i32 to index
        %swap3A_408 = arith.constant 80 : index
        %swap3A_409 = tpu.vector_load %arg9[%swap3A_407, %swap3A_408] {strides = array<i32>} : memref<40x256xf32, #tpu.memory_space<vmem>>, vector<1x16xf32>,
        %swap3A_410 = vector.shape_cast %swap3A_409 : vector<1x16xf32> to vector<16xf32>
        %swap3A_411 = vector.shape_cast %add3A_406 : vector<16xf32> to vector<1x16xf32>
        tpu.vector_store %arg9[%swap3A_407, %swap3A_408], %swap3A_411 {strides = array<i32>} : memref<40x256xf32, #tpu.memory_space<vmem>>, vector<1x16xf32>,
        %get3A_412 = arith.index_cast %add3A_203 : i32 to index
        %get3A_413 = arith.constant 96 : index
        %get3A_414 = tpu.vector_load %arg9[%get3A_412, %get3A_413] {strides = array<i32>} : memref<40x256xf32, #tpu.memory_space<vmem>>, vector<1x16xf32>,
        %get3A_415 = vector.shape_cast %get3A_414 : vector<1x16xf32> to vector<16xf32>
        %get3A_416 = arith.index_cast %add3A_203 : i32 to index
        %get3A_417 = arith.constant 96 : index
        %get3A_418 = tpu.vector_load %arg8[%get3A_416, %get3A_417] {strides = array<i32>} : memref<160x256xf32, #tpu.memory_space<vmem>>, vector<1x16xf32>,
        %get3A_419 = vector.shape_cast %get3A_418 : vector<1x16xf32> to vector<16xf32>
        %add3A_420 = arith.addf %get3A_415, %get3A_419 : vector<16xf32>
        %add3A_421 = arith.constant 40 : i32
        %add3A_422 = arith.addi %add3A_421, %add3A_203 : i32
        %get3A_423 = arith.index_cast %add3A_422 : i32 to index
        %get3A_424 = arith.constant 96 : index
        %get3A_425 = tpu.vector_load %arg8[%get3A_423, %get3A_424] {strides = array<i32>} : memref<160x256xf32, #tpu.memory_space<vmem>>, vector<1x16xf32>,
        %get3A_426 = vector.shape_cast %get3A_425 : vector<1x16xf32> to vector<16xf32>
        %add3A_427 = arith.addf %add3A_420, %get3A_426 : vector<16xf32>
        %add3A_428 = arith.constant 80 : i32
        %add3A_429 = arith.addi %add3A_428, %add3A_203 : i32
        %get3A_430 = arith.index_cast %add3A_429 : i32 to index
        %get3A_431 = arith.constant 96 : index
        %get3A_432 = tpu.vector_load %arg8[%get3A_430, %get3A_431] {strides = array<i32>} : memref<160x256xf32, #tpu.memory_space<vmem>>, vector<1x16xf32>,
        %get3A_433 = vector.shape_cast %get3A_432 : vector<1x16xf32> to vector<16xf32>
        %add3A_434 = arith.addf %add3A_427, %get3A_433 : vector<16xf32>
        %add3A_435 = arith.constant 120 : i32
        %add3A_436 = arith.addi %add3A_435, %add3A_203 : i32
        %get3A_437 = arith.index_cast %add3A_436 : i32 to index
        %get3A_438 = arith.constant 96 : index
        %get3A_439 = tpu.vector_load %arg8[%get3A_437, %get3A_438] {strides = array<i32>} : memref<160x256xf32, #tpu.memory_space<vmem>>, vector<1x16xf32>,
        %get3A_440 = vector.shape_cast %get3A_439 : vector<1x16xf32> to vector<16xf32>
        %add3A_441 = arith.addf %add3A_434, %get3A_440 : vector<16xf32>
        %swap3A_442 = arith.index_cast %add3A_203 : i32 to index
        %swap3A_443 = arith.constant 96 : index
        %swap3A_444 = tpu.vector_load %arg9[%swap3A_442, %swap3A_443] {strides = array<i32>} : memref<40x256xf32, #tpu.memory_space<vmem>>, vector<1x16xf32>,
        %swap3A_445 = vector.shape_cast %swap3A_444 : vector<1x16xf32> to vector<16xf32>
        %swap3A_446 = vector.shape_cast %add3A_441 : vector<16xf32> to vector<1x16xf32>
        tpu.vector_store %arg9[%swap3A_442, %swap3A_443], %swap3A_446 {strides = array<i32>} : memref<40x256xf32, #tpu.memory_space<vmem>>, vector<1x16xf32>,
        %get3A_447 = arith.index_cast %add3A_203 : i32 to index
        %get3A_448 = arith.constant 112 : index
        %get3A_449 = tpu.vector_load %arg9[%get3A_447, %get3A_448] {strides = array<i32>} : memref<40x256xf32, #tpu.memory_space<vmem>>, vector<1x16xf32>,
        %get3A_450 = vector.shape_cast %get3A_449 : vector<1x16xf32> to vector<16xf32>
        %get3A_451 = arith.index_cast %add3A_203 : i32 to index
        %get3A_452 = arith.constant 112 : index
        %get3A_453 = tpu.vector_load %arg8[%get3A_451, %get3A_452] {strides = array<i32>} : memref<160x256xf32, #tpu.memory_space<vmem>>, vector<1x16xf32>,
        %get3A_454 = vector.shape_cast %get3A_453 : vector<1x16xf32> to vector<16xf32>
        %add3A_455 = arith.addf %get3A_450, %get3A_454 : vector<16xf32>
        %add3A_456 = arith.constant 40 : i32
        %add3A_457 = arith.addi %add3A_456, %add3A_203 : i32
        %get3A_458 = arith.index_cast %add3A_457 : i32 to index
        %get3A_459 = arith.constant 112 : index
        %get3A_460 = tpu.vector_load %arg8[%get3A_458, %get3A_459] {strides = array<i32>} : memref<160x256xf32, #tpu.memory_space<vmem>>, vector<1x16xf32>,
        %get3A_461 = vector.shape_cast %get3A_460 : vector<1x16xf32> to vector<16xf32>
        %add3A_462 = arith.addf %add3A_455, %get3A_461 : vector<16xf32>
        %add3A_463 = arith.constant 80 : i32
        %add3A_464 = arith.addi %add3A_463, %add3A_203 : i32
        %get3A_465 = arith.index_cast %add3A_464 : i32 to index
        %get3A_466 = arith.constant 112 : index
        %get3A_467 = tpu.vector_load %arg8[%get3A_465, %get3A_466] {strides = array<i32>} : memref<160x256xf32, #tpu.memory_space<vmem>>, vector<1x16xf32>,
        %get3A_468 = vector.shape_cast %get3A_467 : vector<1x16xf32> to vector<16xf32>
        %add3A_469 = arith.addf %add3A_462, %get3A_468 : vector<16xf32>
        %add3A_470 = arith.constant 120 : i32
        %add3A_471 = arith.addi %add3A_470, %add3A_203 : i32
        %get3A_472 = arith.index_cast %add3A_471 : i32 to index
        %get3A_473 = arith.constant 112 : index
        %get3A_474 = tpu.vector_load %arg8[%get3A_472, %get3A_473] {strides = array<i32>} : memref<160x256xf32, #tpu.memory_space<vmem>>, vector<1x16xf32>,
        %get3A_475 = vector.shape_cast %get3A_474 : vector<1x16xf32> to vector<16xf32>
        %add3A_476 = arith.addf %add3A_469, %get3A_475 : vector<16xf32>
        %swap3A_477 = arith.index_cast %add3A_203 : i32 to index
        %swap3A_478 = arith.constant 112 : index
        %swap3A_479 = tpu.vector_load %arg9[%swap3A_477, %swap3A_478] {strides = array<i32>} : memref<40x256xf32, #tpu.memory_space<vmem>>, vector<1x16xf32>,
        %swap3A_480 = vector.shape_cast %swap3A_479 : vector<1x16xf32> to vector<16xf32>
        %swap3A_481 = vector.shape_cast %add3A_476 : vector<16xf32> to vector<1x16xf32>
        tpu.vector_store %arg9[%swap3A_477, %swap3A_478], %swap3A_481 {strides = array<i32>} : memref<40x256xf32, #tpu.memory_space<vmem>>, vector<1x16xf32>,
        %get3A_482 = arith.index_cast %add3A_203 : i32 to index
        %get3A_483 = arith.constant 128 : index
        %get3A_484 = tpu.vector_load %arg9[%get3A_482, %get3A_483] {strides = array<i32>} : memref<40x256xf32, #tpu.memory_space<vmem>>, vector<1x16xf32>,
        %get3A_485 = vector.shape_cast %get3A_484 : vector<1x16xf32> to vector<16xf32>
        %get3A_486 = arith.index_cast %add3A_203 : i32 to index
        %get3A_487 = arith.constant 128 : index
        %get3A_488 = tpu.vector_load %arg8[%get3A_486, %get3A_487] {strides = array<i32>} : memref<160x256xf32, #tpu.memory_space<vmem>>, vector<1x16xf32>,
        %get3A_489 = vector.shape_cast %get3A_488 : vector<1x16xf32> to vector<16xf32>
        %add3A_490 = arith.addf %get3A_485, %get3A_489 : vector<16xf32>
        %add3A_491 = arith.constant 40 : i32
        %add3A_492 = arith.addi %add3A_491, %add3A_203 : i32
        %get3A_493 = arith.index_cast %add3A_492 : i32 to index
        %get3A_494 = arith.constant 128 : index
        %get3A_495 = tpu.vector_load %arg8[%get3A_493, %get3A_494] {strides = array<i32>} : memref<160x256xf32, #tpu.memory_space<vmem>>, vector<1x16xf32>,
        %get3A_496 = vector.shape_cast %get3A_495 : vector<1x16xf32> to vector<16xf32>
        %add3A_497 = arith.addf %add3A_490, %get3A_496 : vector<16xf32>
        %add3A_498 = arith.constant 80 : i32
        %add3A_499 = arith.addi %add3A_498, %add3A_203 : i32
        %get3A_500 = arith.index_cast %add3A_499 : i32 to index
        %get3A_501 = arith.constant 128 : index
        %get3A_502 = tpu.vector_load %arg8[%get3A_500, %get3A_501] {strides = array<i32>} : memref<160x256xf32, #tpu.memory_space<vmem>>, vector<1x16xf32>,
        %get3A_503 = vector.shape_cast %get3A_502 : vector<1x16xf32> to vector<16xf32>
        %add3A_504 = arith.addf %add3A_497, %get3A_503 : vector<16xf32>
        %add3A_505 = arith.constant 120 : i32
        %add3A_506 = arith.addi %add3A_505, %add3A_203 : i32
        %get3A_507 = arith.index_cast %add3A_506 : i32 to index
        %get3A_508 = arith.constant 128 : index
        %get3A_509 = tpu.vector_load %arg8[%get3A_507, %get3A_508] {strides = array<i32>} : memref<160x256xf32, #tpu.memory_space<vmem>>, vector<1x16xf32>,
        %get3A_510 = vector.shape_cast %get3A_509 : vector<1x16xf32> to vector<16xf32>
        %add3A_511 = arith.addf %add3A_504, %get3A_510 : vector<16xf32>
        %swap3A_512 = arith.index_cast %add3A_203 : i32 to index
        %swap3A_513 = arith.constant 128 : index
        %swap3A_514 = tpu.vector_load %arg9[%swap3A_512, %swap3A_513] {strides = array<i32>} : memref<40x256xf32, #tpu.memory_space<vmem>>, vector<1x16xf32>,
        %swap3A_515 = vector.shape_cast %swap3A_514 : vector<1x16xf32> to vector<16xf32>
        %swap3A_516 = vector.shape_cast %add3A_511 : vector<16xf32> to vector<1x16xf32>
        tpu.vector_store %arg9[%swap3A_512, %swap3A_513], %swap3A_516 {strides = array<i32>} : memref<40x256xf32, #tpu.memory_space<vmem>>, vector<1x16xf32>,
        %get3A_517 = arith.index_cast %add3A_203 : i32 to index
        %get3A_518 = arith.constant 144 : index
        %get3A_519 = tpu.vector_load %arg9[%get3A_517, %get3A_518] {strides = array<i32>} : memref<40x256xf32, #tpu.memory_space<vmem>>, vector<1x16xf32>,
        %get3A_520 = vector.shape_cast %get3A_519 : vector<1x16xf32> to vector<16xf32>
        %get3A_521 = arith.index_cast %add3A_203 : i32 to index
        %get3A_522 = arith.constant 144 : index
        %get3A_523 = tpu.vector_load %arg8[%get3A_521, %get3A_522] {strides = array<i32>} : memref<160x256xf32, #tpu.memory_space<vmem>>, vector<1x16xf32>,
        %get3A_524 = vector.shape_cast %get3A_523 : vector<1x16xf32> to vector<16xf32>
        %add3A_525 = arith.addf %get3A_520, %get3A_524 : vector<16xf32>
        %add3A_526 = arith.constant 40 : i32
        %add3A_527 = arith.addi %add3A_526, %add3A_203 : i32
        %get3A_528 = arith.index_cast %add3A_527 : i32 to index
        %get3A_529 = arith.constant 144 : index
        %get3A_530 = tpu.vector_load %arg8[%get3A_528, %get3A_529] {strides = array<i32>} : memref<160x256xf32, #tpu.memory_space<vmem>>, vector<1x16xf32>,
        %get3A_531 = vector.shape_cast %get3A_530 : vector<1x16xf32> to vector<16xf32>
        %add3A_532 = arith.addf %add3A_525, %get3A_531 : vector<16xf32>
        %add3A_533 = arith.constant 80 : i32
        %add3A_534 = arith.addi %add3A_533, %add3A_203 : i32
        %get3A_535 = arith.index_cast %add3A_534 : i32 to index
        %get3A_536 = arith.constant 144 : index
        %get3A_537 = tpu.vector_load %arg8[%get3A_535, %get3A_536] {strides = array<i32>} : memref<160x256xf32, #tpu.memory_space<vmem>>, vector<1x16xf32>,
        %get3A_538 = vector.shape_cast %get3A_537 : vector<1x16xf32> to vector<16xf32>
        %add3A_539 = arith.addf %add3A_532, %get3A_538 : vector<16xf32>
        %add3A_540 = arith.constant 120 : i32
        %add3A_541 = arith.addi %add3A_540, %add3A_203 : i32
        %get3A_542 = arith.index_cast %add3A_541 : i32 to index
        %get3A_543 = arith.constant 144 : index
        %get3A_544 = tpu.vector_load %arg8[%get3A_542, %get3A_543] {strides = array<i32>} : memref<160x256xf32, #tpu.memory_space<vmem>>, vector<1x16xf32>,
        %get3A_545 = vector.shape_cast %get3A_544 : vector<1x16xf32> to vector<16xf32>
        %add3A_546 = arith.addf %add3A_539, %get3A_545 : vector<16xf32>
        %swap3A_547 = arith.index_cast %add3A_203 : i32 to index
        %swap3A_548 = arith.constant 144 : index
        %swap3A_549 = tpu.vector_load %arg9[%swap3A_547, %swap3A_548] {strides = array<i32>} : memref<40x256xf32, #tpu.memory_space<vmem>>, vector<1x16xf32>,
        %swap3A_550 = vector.shape_cast %swap3A_549 : vector<1x16xf32> to vector<16xf32>
        %swap3A_551 = vector.shape_cast %add3A_546 : vector<16xf32> to vector<1x16xf32>
        tpu.vector_store %arg9[%swap3A_547, %swap3A_548], %swap3A_551 {strides = array<i32>} : memref<40x256xf32, #tpu.memory_space<vmem>>, vector<1x16xf32>,
        %get3A_552 = arith.index_cast %add3A_203 : i32 to index
        %get3A_553 = arith.constant 160 : index
        %get3A_554 = tpu.vector_load %arg9[%get3A_552, %get3A_553] {strides = array<i32>} : memref<40x256xf32, #tpu.memory_space<vmem>>, vector<1x16xf32>,
        %get3A_555 = vector.shape_cast %get3A_554 : vector<1x16xf32> to vector<16xf32>
        %get3A_556 = arith.index_cast %add3A_203 : i32 to index
        %get3A_557 = arith.constant 160 : index
        %get3A_558 = tpu.vector_load %arg8[%get3A_556, %get3A_557] {strides = array<i32>} : memref<160x256xf32, #tpu.memory_space<vmem>>, vector<1x16xf32>,
        %get3A_559 = vector.shape_cast %get3A_558 : vector<1x16xf32> to vector<16xf32>
        %add3A_560 = arith.addf %get3A_555, %get3A_559 : vector<16xf32>
        %add3A_561 = arith.constant 40 : i32
        %add3A_562 = arith.addi %add3A_561, %add3A_203 : i32
        %get3A_563 = arith.index_cast %add3A_562 : i32 to index
        %get3A_564 = arith.constant 160 : index
        %get3A_565 = tpu.vector_load %arg8[%get3A_563, %get3A_564] {strides = array<i32>} : memref<160x256xf32, #tpu.memory_space<vmem>>, vector<1x16xf32>,
        %get3A_566 = vector.shape_cast %get3A_565 : vector<1x16xf32> to vector<16xf32>
        %add3A_567 = arith.addf %add3A_560, %get3A_566 : vector<16xf32>
        %add3A_568 = arith.constant 80 : i32
        %add3A_569 = arith.addi %add3A_568, %add3A_203 : i32
        %get3A_570 = arith.index_cast %add3A_569 : i32 to index
        %get3A_571 = arith.constant 160 : index
        %get3A_572 = tpu.vector_load %arg8[%get3A_570, %get3A_571] {strides = array<i32>} : memref<160x256xf32, #tpu.memory_space<vmem>>, vector<1x16xf32>,
        %get3A_573 = vector.shape_cast %get3A_572 : vector<1x16xf32> to vector<16xf32>
        %add3A_574 = arith.addf %add3A_567, %get3A_573 : vector<16xf32>
        %add3A_575 = arith.constant 120 : i32
        %add3A_576 = arith.addi %add3A_575, %add3A_203 : i32
        %get3A_577 = arith.index_cast %add3A_576 : i32 to index
        %get3A_578 = arith.constant 160 : index
        %get3A_579 = tpu.vector_load %arg8[%get3A_577, %get3A_578] {strides = array<i32>} : memref<160x256xf32, #tpu.memory_space<vmem>>, vector<1x16xf32>,
        %get3A_580 = vector.shape_cast %get3A_579 : vector<1x16xf32> to vector<16xf32>
        %add3A_581 = arith.addf %add3A_574, %get3A_580 : vector<16xf32>
        %swap3A_582 = arith.index_cast %add3A_203 : i32 to index
        %swap3A_583 = arith.constant 160 : index
        %swap3A_584 = tpu.vector_load %arg9[%swap3A_582, %swap3A_583] {strides = array<i32>} : memref<40x256xf32, #tpu.memory_space<vmem>>, vector<1x16xf32>,
        %swap3A_585 = vector.shape_cast %swap3A_584 : vector<1x16xf32> to vector<16xf32>
        %swap3A_586 = vector.shape_cast %add3A_581 : vector<16xf32> to vector<1x16xf32>
        tpu.vector_store %arg9[%swap3A_582, %swap3A_583], %swap3A_586 {strides = array<i32>} : memref<40x256xf32, #tpu.memory_space<vmem>>, vector<1x16xf32>,
        %get3A_587 = arith.index_cast %add3A_203 : i32 to index
        %get3A_588 = arith.constant 176 : index
        %get3A_589 = tpu.vector_load %arg9[%get3A_587, %get3A_588] {strides = array<i32>} : memref<40x256xf32, #tpu.memory_space<vmem>>, vector<1x16xf32>,
        %get3A_590 = vector.shape_cast %get3A_589 : vector<1x16xf32> to vector<16xf32>
        %get3A_591 = arith.index_cast %add3A_203 : i32 to index
        %get3A_592 = arith.constant 176 : index
        %get3A_593 = tpu.vector_load %arg8[%get3A_591, %get3A_592] {strides = array<i32>} : memref<160x256xf32, #tpu.memory_space<vmem>>, vector<1x16xf32>,
        %get3A_594 = vector.shape_cast %get3A_593 : vector<1x16xf32> to vector<16xf32>
        %add3A_595 = arith.addf %get3A_590, %get3A_594 : vector<16xf32>
        %add3A_596 = arith.constant 40 : i32
        %add3A_597 = arith.addi %add3A_596, %add3A_203 : i32
        %get3A_598 = arith.index_cast %add3A_597 : i32 to index
        %get3A_599 = arith.constant 176 : index
        %get3A_600 = tpu.vector_load %arg8[%get3A_598, %get3A_599] {strides = array<i32>} : memref<160x256xf32, #tpu.memory_space<vmem>>, vector<1x16xf32>,
        %get3A_601 = vector.shape_cast %get3A_600 : vector<1x16xf32> to vector<16xf32>
        %add3A_602 = arith.addf %add3A_595, %get3A_601 : vector<16xf32>
        %add3A_603 = arith.constant 80 : i32
        %add3A_604 = arith.addi %add3A_603, %add3A_203 : i32
        %get3A_605 = arith.index_cast %add3A_604 : i32 to index
        %get3A_606 = arith.constant 176 : index
        %get3A_607 = tpu.vector_load %arg8[%get3A_605, %get3A_606] {strides = array<i32>} : memref<160x256xf32, #tpu.memory_space<vmem>>, vector<1x16xf32>,
        %get3A_608 = vector.shape_cast %get3A_607 : vector<1x16xf32> to vector<16xf32>
        %add3A_609 = arith.addf %add3A_602, %get3A_608 : vector<16xf32>
        %add3A_610 = arith.constant 120 : i32
        %add3A_611 = arith.addi %add3A_610, %add3A_203 : i32
        %get3A_612 = arith.index_cast %add3A_611 : i32 to index
        %get3A_613 = arith.constant 176 : index
        %get3A_614 = tpu.vector_load %arg8[%get3A_612, %get3A_613] {strides = array<i32>} : memref<160x256xf32, #tpu.memory_space<vmem>>, vector<1x16xf32>,
        %get3A_615 = vector.shape_cast %get3A_614 : vector<1x16xf32> to vector<16xf32>
        %add3A_616 = arith.addf %add3A_609, %get3A_615 : vector<16xf32>
        %swap3A_617 = arith.index_cast %add3A_203 : i32 to index
        %swap3A_618 = arith.constant 176 : index
        %swap3A_619 = tpu.vector_load %arg9[%swap3A_617, %swap3A_618] {strides = array<i32>} : memref<40x256xf32, #tpu.memory_space<vmem>>, vector<1x16xf32>,
        %swap3A_620 = vector.shape_cast %swap3A_619 : vector<1x16xf32> to vector<16xf32>
        %swap3A_621 = vector.shape_cast %add3A_616 : vector<16xf32> to vector<1x16xf32>
        tpu.vector_store %arg9[%swap3A_617, %swap3A_618], %swap3A_621 {strides = array<i32>} : memref<40x256xf32, #tpu.memory_space<vmem>>, vector<1x16xf32>,
        %get3A_622 = arith.index_cast %add3A_203 : i32 to index
        %get3A_623 = arith.constant 192 : index
        %get3A_624 = tpu.vector_load %arg9[%get3A_622, %get3A_623] {strides = array<i32>} : memref<40x256xf32, #tpu.memory_space<vmem>>, vector<1x16xf32>,
        %get3A_625 = vector.shape_cast %get3A_624 : vector<1x16xf32> to vector<16xf32>
        %get3A_626 = arith.index_cast %add3A_203 : i32 to index
        %get3A_627 = arith.constant 192 : index
        %get3A_628 = tpu.vector_load %arg8[%get3A_626, %get3A_627] {strides = array<i32>} : memref<160x256xf32, #tpu.memory_space<vmem>>, vector<1x16xf32>,
        %get3A_629 = vector.shape_cast %get3A_628 : vector<1x16xf32> to vector<16xf32>
        %add3A_630 = arith.addf %get3A_625, %get3A_629 : vector<16xf32>
        %add3A_631 = arith.constant 40 : i32
        %add3A_632 = arith.addi %add3A_631, %add3A_203 : i32
        %get3A_633 = arith.index_cast %add3A_632 : i32 to index
        %get3A_634 = arith.constant 192 : index
        %get3A_635 = tpu.vector_load %arg8[%get3A_633, %get3A_634] {strides = array<i32>} : memref<160x256xf32, #tpu.memory_space<vmem>>, vector<1x16xf32>,
        %get3A_636 = vector.shape_cast %get3A_635 : vector<1x16xf32> to vector<16xf32>
        %add3A_637 = arith.addf %add3A_630, %get3A_636 : vector<16xf32>
        %add3A_638 = arith.constant 80 : i32
        %add3A_639 = arith.addi %add3A_638, %add3A_203 : i32
        %get3A_640 = arith.index_cast %add3A_639 : i32 to index
        %get3A_641 = arith.constant 192 : index
        %get3A_642 = tpu.vector_load %arg8[%get3A_640, %get3A_641] {strides = array<i32>} : memref<160x256xf32, #tpu.memory_space<vmem>>, vector<1x16xf32>,
        %get3A_643 = vector.shape_cast %get3A_642 : vector<1x16xf32> to vector<16xf32>
        %add3A_644 = arith.addf %add3A_637, %get3A_643 : vector<16xf32>
        %add3A_645 = arith.constant 120 : i32
        %add3A_646 = arith.addi %add3A_645, %add3A_203 : i32
        %get3A_647 = arith.index_cast %add3A_646 : i32 to index
        %get3A_648 = arith.constant 192 : index
        %get3A_649 = tpu.vector_load %arg8[%get3A_647, %get3A_648] {strides = array<i32>} : memref<160x256xf32, #tpu.memory_space<vmem>>, vector<1x16xf32>,
        %get3A_650 = vector.shape_cast %get3A_649 : vector<1x16xf32> to vector<16xf32>
        %add3A_651 = arith.addf %add3A_644, %get3A_650 : vector<16xf32>
        %swap3A_652 = arith.index_cast %add3A_203 : i32 to index
        %swap3A_653 = arith.constant 192 : index
        %swap3A_654 = tpu.vector_load %arg9[%swap3A_652, %swap3A_653] {strides = array<i32>} : memref<40x256xf32, #tpu.memory_space<vmem>>, vector<1x16xf32>,
        %swap3A_655 = vector.shape_cast %swap3A_654 : vector<1x16xf32> to vector<16xf32>
        %swap3A_656 = vector.shape_cast %add3A_651 : vector<16xf32> to vector<1x16xf32>
        tpu.vector_store %arg9[%swap3A_652, %swap3A_653], %swap3A_656 {strides = array<i32>} : memref<40x256xf32, #tpu.memory_space<vmem>>, vector<1x16xf32>,
        %get3A_657 = arith.index_cast %add3A_203 : i32 to index
        %get3A_658 = arith.constant 208 : index
        %get3A_659 = tpu.vector_load %arg9[%get3A_657, %get3A_658] {strides = array<i32>} : memref<40x256xf32, #tpu.memory_space<vmem>>, vector<1x16xf32>,
        %get3A_660 = vector.shape_cast %get3A_659 : vector<1x16xf32> to vector<16xf32>
        %get3A_661 = arith.index_cast %add3A_203 : i32 to index
        %get3A_662 = arith.constant 208 : index
        %get3A_663 = tpu.vector_load %arg8[%get3A_661, %get3A_662] {strides = array<i32>} : memref<160x256xf32, #tpu.memory_space<vmem>>, vector<1x16xf32>,
        %get3A_664 = vector.shape_cast %get3A_663 : vector<1x16xf32> to vector<16xf32>
        %add3A_665 = arith.addf %get3A_660, %get3A_664 : vector<16xf32>
        %add3A_666 = arith.constant 40 : i32
        %add3A_667 = arith.addi %add3A_666, %add3A_203 : i32
        %get3A_668 = arith.index_cast %add3A_667 : i32 to index
        %get3A_669 = arith.constant 208 : index
        %get3A_670 = tpu.vector_load %arg8[%get3A_668, %get3A_669] {strides = array<i32>} : memref<160x256xf32, #tpu.memory_space<vmem>>, vector<1x16xf32>,
        %get3A_671 = vector.shape_cast %get3A_670 : vector<1x16xf32> to vector<16xf32>
        %add3A_672 = arith.addf %add3A_665, %get3A_671 : vector<16xf32>
        %add3A_673 = arith.constant 80 : i32
        %add3A_674 = arith.addi %add3A_673, %add3A_203 : i32
        %get3A_675 = arith.index_cast %add3A_674 : i32 to index
        %get3A_676 = arith.constant 208 : index
        %get3A_677 = tpu.vector_load %arg8[%get3A_675, %get3A_676] {strides = array<i32>} : memref<160x256xf32, #tpu.memory_space<vmem>>, vector<1x16xf32>,
        %get3A_678 = vector.shape_cast %get3A_677 : vector<1x16xf32> to vector<16xf32>
        %add3A_679 = arith.addf %add3A_672, %get3A_678 : vector<16xf32>
        %add3A_680 = arith.constant 120 : i32
        %add3A_681 = arith.addi %add3A_680, %add3A_203 : i32
        %get3A_682 = arith.index_cast %add3A_681 : i32 to index
        %get3A_683 = arith.constant 208 : index
        %get3A_684 = tpu.vector_load %arg8[%get3A_682, %get3A_683] {strides = array<i32>} : memref<160x256xf32, #tpu.memory_space<vmem>>, vector<1x16xf32>,
        %get3A_685 = vector.shape_cast %get3A_684 : vector<1x16xf32> to vector<16xf32>
        %add3A_686 = arith.addf %add3A_679, %get3A_685 : vector<16xf32>
        %swap3A_687 = arith.index_cast %add3A_203 : i32 to index
        %swap3A_688 = arith.constant 208 : index
        %swap3A_689 = tpu.vector_load %arg9[%swap3A_687, %swap3A_688] {strides = array<i32>} : memref<40x256xf32, #tpu.memory_space<vmem>>, vector<1x16xf32>,
        %swap3A_690 = vector.shape_cast %swap3A_689 : vector<1x16xf32> to vector<16xf32>
        %swap3A_691 = vector.shape_cast %add3A_686 : vector<16xf32> to vector<1x16xf32>
        tpu.vector_store %arg9[%swap3A_687, %swap3A_688], %swap3A_691 {strides = array<i32>} : memref<40x256xf32, #tpu.memory_space<vmem>>, vector<1x16xf32>,
        %get3A_692 = arith.index_cast %add3A_203 : i32 to index
        %get3A_693 = arith.constant 224 : index
        %get3A_694 = tpu.vector_load %arg9[%get3A_692, %get3A_693] {strides = array<i32>} : memref<40x256xf32, #tpu.memory_space<vmem>>, vector<1x16xf32>,
        %get3A_695 = vector.shape_cast %get3A_694 : vector<1x16xf32> to vector<16xf32>
        %get3A_696 = arith.index_cast %add3A_203 : i32 to index
        %get3A_697 = arith.constant 224 : index
        %get3A_698 = tpu.vector_load %arg8[%get3A_696, %get3A_697] {strides = array<i32>} : memref<160x256xf32, #tpu.memory_space<vmem>>, vector<1x16xf32>,
        %get3A_699 = vector.shape_cast %get3A_698 : vector<1x16xf32> to vector<16xf32>
        %add3A_700 = arith.addf %get3A_695, %get3A_699 : vector<16xf32>
        %add3A_701 = arith.constant 40 : i32
        %add3A_702 = arith.addi %add3A_701, %add3A_203 : i32
        %get3A_703 = arith.index_cast %add3A_702 : i32 to index
        %get3A_704 = arith.constant 224 : index
        %get3A_705 = tpu.vector_load %arg8[%get3A_703, %get3A_704] {strides = array<i32>} : memref<160x256xf32, #tpu.memory_space<vmem>>, vector<1x16xf32>,
        %get3A_706 = vector.shape_cast %get3A_705 : vector<1x16xf32> to vector<16xf32>
        %add3A_707 = arith.addf %add3A_700, %get3A_706 : vector<16xf32>
        %add3A_708 = arith.constant 80 : i32
        %add3A_709 = arith.addi %add3A_708, %add3A_203 : i32
        %get3A_710 = arith.index_cast %add3A_709 : i32 to index
        %get3A_711 = arith.constant 224 : index
        %get3A_712 = tpu.vector_load %arg8[%get3A_710, %get3A_711] {strides = array<i32>} : memref<160x256xf32, #tpu.memory_space<vmem>>, vector<1x16xf32>,
        %get3A_713 = vector.shape_cast %get3A_712 : vector<1x16xf32> to vector<16xf32>
        %add3A_714 = arith.addf %add3A_707, %get3A_713 : vector<16xf32>
        %add3A_715 = arith.constant 120 : i32
        %add3A_716 = arith.addi %add3A_715, %add3A_203 : i32
        %get3A_717 = arith.index_cast %add3A_716 : i32 to index
        %get3A_718 = arith.constant 224 : index
        %get3A_719 = tpu.vector_load %arg8[%get3A_717, %get3A_718] {strides = array<i32>} : memref<160x256xf32, #tpu.memory_space<vmem>>, vector<1x16xf32>,
        %get3A_720 = vector.shape_cast %get3A_719 : vector<1x16xf32> to vector<16xf32>
        %add3A_721 = arith.addf %add3A_714, %get3A_720 : vector<16xf32>
        %swap3A_722 = arith.index_cast %add3A_203 : i32 to index
        %swap3A_723 = arith.constant 224 : index
        %swap3A_724 = tpu.vector_load %arg9[%swap3A_722, %swap3A_723] {strides = array<i32>} : memref<40x256xf32, #tpu.memory_space<vmem>>, vector<1x16xf32>,
        %swap3A_725 = vector.shape_cast %swap3A_724 : vector<1x16xf32> to vector<16xf32>
        %swap3A_726 = vector.shape_cast %add3A_721 : vector<16xf32> to vector<1x16xf32>
        tpu.vector_store %arg9[%swap3A_722, %swap3A_723], %swap3A_726 {strides = array<i32>} : memref<40x256xf32, #tpu.memory_space<vmem>>, vector<1x16xf32>,
        %get3A_727 = arith.index_cast %add3A_203 : i32 to index
        %get3A_728 = arith.constant 240 : index
        %get3A_729 = tpu.vector_load %arg9[%get3A_727, %get3A_728] {strides = array<i32>} : memref<40x256xf32, #tpu.memory_space<vmem>>, vector<1x16xf32>,
        %get3A_730 = vector.shape_cast %get3A_729 : vector<1x16xf32> to vector<16xf32>
        %get3A_731 = arith.index_cast %add3A_203 : i32 to index
        %get3A_732 = arith.constant 240 : index
        %get3A_733 = tpu.vector_load %arg8[%get3A_731, %get3A_732] {strides = array<i32>} : memref<160x256xf32, #tpu.memory_space<vmem>>, vector<1x16xf32>,
        %get3A_734 = vector.shape_cast %get3A_733 : vector<1x16xf32> to vector<16xf32>
        %add3A_735 = arith.addf %get3A_730, %get3A_734 : vector<16xf32>
        %add3A_736 = arith.constant 40 : i32
        %add3A_737 = arith.addi %add3A_736, %add3A_203 : i32
        %get3A_738 = arith.index_cast %add3A_737 : i32 to index
        %get3A_739 = arith.constant 240 : index
        %get3A_740 = tpu.vector_load %arg8[%get3A_738, %get3A_739] {strides = array<i32>} : memref<160x256xf32, #tpu.memory_space<vmem>>, vector<1x16xf32>,
        %get3A_741 = vector.shape_cast %get3A_740 : vector<1x16xf32> to vector<16xf32>
        %add3A_742 = arith.addf %add3A_735, %get3A_741 : vector<16xf32>
        %add3A_743 = arith.constant 80 : i32
        %add3A_744 = arith.addi %add3A_743, %add3A_203 : i32
        %get3A_745 = arith.index_cast %add3A_744 : i32 to index
        %get3A_746 = arith.constant 240 : index
        %get3A_747 = tpu.vector_load %arg8[%get3A_745, %get3A_746] {strides = array<i32>} : memref<160x256xf32, #tpu.memory_space<vmem>>, vector<1x16xf32>,
        %get3A_748 = vector.shape_cast %get3A_747 : vector<1x16xf32> to vector<16xf32>
        %add3A_749 = arith.addf %add3A_742, %get3A_748 : vector<16xf32>
        %add3A_750 = arith.constant 120 : i32
        %add3A_751 = arith.addi %add3A_750, %add3A_203 : i32
        %get3A_752 = arith.index_cast %add3A_751 : i32 to index
        %get3A_753 = arith.constant 240 : index
        %get3A_754 = tpu.vector_load %arg8[%get3A_752, %get3A_753] {strides = array<i32>} : memref<160x256xf32, #tpu.memory_space<vmem>>, vector<1x16xf32>,
        %get3A_755 = vector.shape_cast %get3A_754 : vector<1x16xf32> to vector<16xf32>
        %add3A_756 = arith.addf %add3A_749, %get3A_755 : vector<16xf32>
        %swap3A_757 = arith.index_cast %add3A_203 : i32 to index
        %swap3A_758 = arith.constant 240 : index
        %swap3A_759 = tpu.vector_load %arg9[%swap3A_757, %swap3A_758] {strides = array<i32>} : memref<40x256xf32, #tpu.memory_space<vmem>>, vector<1x16xf32>,
        %swap3A_760 = vector.shape_cast %swap3A_759 : vector<1x16xf32> to vector<16xf32>
        %swap3A_761 = vector.shape_cast %add3A_756 : vector<16xf32> to vector<1x16xf32>
        tpu.vector_store %arg9[%swap3A_757, %swap3A_758], %swap3A_761 {strides = array<i32>} : memref<40x256xf32, #tpu.memory_space<vmem>>, vector<1x16xf32>,
      }
      %scan3A_191 = arith.constant 40 : i32
      %add3A_192 = arith.constant 1 : i32
      %add3A_193 = arith.addi %add3A_90, %add3A_192 : i32
      %lt3A_194 = arith.constant 40 : i32
      %lt3A_195 = arith.cmpi slt, %add3A_193, %lt3A_194 : i32
      %convert_element_type3A_196 = arith.extui %lt3A_195 : i1 to i32
      %cond3A_197 = arith.constant 0 : i32
      %cond3A_198 = arith.cmpi ne, %convert_element_type3A_196, %cond3A_197 : i32
      scf.if %cond3A_198 {
        %add3A_199 = arith.constant 1 : i32
        %add3A_200 = arith.addi %add3A_90, %add3A_199 : i32
        %mul3A_201 = arith.constant 40 : i32
        %mul3A_202 = arith.muli %add3A_200, %mul3A_201 : i32
        %add3A_203 = arith.constant 6400 : i32
        %add3A_204 = arith.addi %add3A_203, %mul3A_202 : i32
        %dma_start3A_205 = arith.constant 0 : i32
        %dma_start3A_206 = arith.constant 0 : i32
        %dma_start3A_207 = tpu.memref_slice %arg8[%dma_start3A_205, %dma_start3A_206] : memref<160x256xf32, #tpu.memory_space<vmem>> -> memref<40x256xf32, #tpu.memory_space<vmem>>
        %dma_start3A_208 = tpu.memref_slice %arg6[%add3A_204] : memref<12800xi32, #tpu.memory_space<vmem>> -> memref<40xi32, #tpu.memory_space<vmem>>
        %dma_start3A_209 = arith.constant 0 : i32
        %dma_start3A_210 = arith.constant 0 : i32
        %dma_start3A_211 = tpu.memref_slice %arg3[%dma_start3A_209, %dma_start3A_210] : memref<100000x256xf32, #tpu.memory_space<hbm>> -> memref<100000x256xf32, #tpu.memory_space<hbm>>
        tpu.enqueue_indirect_dma source(%dma_start3A_211 : memref<100000x256xf32, #tpu.memory_space<hbm>>) target(%dma_start3A_207 : memref<40x256xf32, #tpu.memory_space<vmem>>) offsets(%dma_start3A_208 : memref<40xi32, #tpu.memory_space<vmem>>) semaphore(%arg12 : memref<!tpu.dma_semaphore, #tpu.memory_space<semaphore_mem>>)
        %mul3A_212 = arith.constant 40 : i32
        %mul3A_213 = arith.muli %add3A_200, %mul3A_212 : i32
        %add3A_214 = arith.constant 8000 : i32
        %add3A_215 = arith.addi %add3A_214, %mul3A_213 : i32
        %dma_start3A_216 = arith.constant 40 : i32
        %dma_start3A_217 = arith.constant 0 : i32
        %dma_start3A_218 = tpu.memref_slice %arg8[%dma_start3A_216, %dma_start3A_217] : memref<160x256xf32, #tpu.memory_space<vmem>> -> memref<40x256xf32, #tpu.memory_space<vmem>>
        %dma_start3A_219 = tpu.memref_slice %arg6[%add3A_215] : memref<12800xi32, #tpu.memory_space<vmem>> -> memref<40xi32, #tpu.memory_space<vmem>>
        %dma_start3A_220 = arith.constant 0 : i32
        %dma_start3A_221 = arith.constant 0 : i32
        %dma_start3A_222 = tpu.memref_slice %arg3[%dma_start3A_220, %dma_start3A_221] : memref<100000x256xf32, #tpu.memory_space<hbm>> -> memref<100000x256xf32, #tpu.memory_space<hbm>>
        tpu.enqueue_indirect_dma source(%dma_start3A_222 : memref<100000x256xf32, #tpu.memory_space<hbm>>) target(%dma_start3A_218 : memref<40x256xf32, #tpu.memory_space<vmem>>) offsets(%dma_start3A_219 : memref<40xi32, #tpu.memory_space<vmem>>) semaphore(%arg12 : memref<!tpu.dma_semaphore, #tpu.memory_space<semaphore_mem>>)
        %mul3A_223 = arith.constant 40 : i32
        %mul3A_224 = arith.muli %add3A_200, %mul3A_223 : i32
        %add3A_225 = arith.constant 9600 : i32
        %add3A_226 = arith.addi %add3A_225, %mul3A_224 : i32
        %dma_start3A_227 = arith.constant 80 : i32
        %dma_start3A_228 = arith.constant 0 : i32
        %dma_start3A_229 = tpu.memref_slice %arg8[%dma_start3A_227, %dma_start3A_228] : memref<160x256xf32, #tpu.memory_space<vmem>> -> memref<40x256xf32, #tpu.memory_space<vmem>>
        %dma_start3A_230 = tpu.memref_slice %arg6[%add3A_226] : memref<12800xi32, #tpu.memory_space<vmem>> -> memref<40xi32, #tpu.memory_space<vmem>>
        %dma_start3A_231 = arith.constant 0 : i32
        %dma_start3A_232 = arith.constant 0 : i32
        %dma_start3A_233 = tpu.memref_slice %arg3[%dma_start3A_231, %dma_start3A_232] : memref<100000x256xf32, #tpu.memory_space<hbm>> -> memref<100000x256xf32, #tpu.memory_space<hbm>>
        tpu.enqueue_indirect_dma source(%dma_start3A_233 : memref<100000x256xf32, #tpu.memory_space<hbm>>) target(%dma_start3A_229 : memref<40x256xf32, #tpu.memory_space<vmem>>) offsets(%dma_start3A_230 : memref<40xi32, #tpu.memory_space<vmem>>) semaphore(%arg12 : memref<!tpu.dma_semaphore, #tpu.memory_space<semaphore_mem>>)
        %mul3A_234 = arith.constant 40 : i32
        %mul3A_235 = arith.muli %add3A_200, %mul3A_234 : i32
        %add3A_236 = arith.constant 11200 : i32
        %add3A_237 = arith.addi %add3A_236, %mul3A_235 : i32
        %dma_start3A_238 = arith.constant 120 : i32
        %dma_start3A_239 = arith.constant 0 : i32
        %dma_start3A_240 = tpu.memref_slice %arg8[%dma_start3A_238, %dma_start3A_239] : memref<160x256xf32, #tpu.memory_space<vmem>> -> memref<40x256xf32, #tpu.memory_space<vmem>>
        %dma_start3A_241 = tpu.memref_slice %arg6[%add3A_237] : memref<12800xi32, #tpu.memory_space<vmem>> -> memref<40xi32, #tpu.memory_space<vmem>>
        %dma_start3A_242 = arith.constant 0 : i32
        %dma_start3A_243 = arith.constant 0 : i32
        %dma_start3A_244 = tpu.memref_slice %arg3[%dma_start3A_242, %dma_start3A_243] : memref<100000x256xf32, #tpu.memory_space<hbm>> -> memref<100000x256xf32, #tpu.memory_space<hbm>>
        tpu.enqueue_indirect_dma source(%dma_start3A_244 : memref<100000x256xf32, #tpu.memory_space<hbm>>) target(%dma_start3A_240 : memref<40x256xf32, #tpu.memory_space<vmem>>) offsets(%dma_start3A_241 : memref<40xi32, #tpu.memory_space<vmem>>) semaphore(%arg12 : memref<!tpu.dma_semaphore, #tpu.memory_space<semaphore_mem>>)
      } else {
      }
      "tpu.region"() ({
        %run_scoped3A = tpu.sem_alloc : memref<!tpu.dma_semaphore, #tpu.memory_space<semaphore_mem>>
        %dma_start3A_199 = arith.constant 0 : i32
        %dma_start3A_200 = tpu.memref_slice %arg10[%add3A_90, %dma_start3A_199] : memref<40x40xi32, #tpu.memory_space<vmem>> -> memref<1x40xi32, #tpu.memory_space<vmem>>
        %dma_start3A_201 = tpu.memref_squeeze %dma_start3A_200 : memref<1x40xi32, #tpu.memory_space<vmem>> -> memref<40xi32, #tpu.memory_space<vmem>>
        %dma_start3A_202 = arith.constant 0 : i32
        %dma_start3A_203 = arith.constant 0 : i32
        %dma_start3A_204 = tpu.memref_slice %arg5[%dma_start3A_202, %dma_start3A_203] : memref<51200x256xf32, #tpu.memory_space<hbm>> -> memref<51200x256xf32, #tpu.memory_space<hbm>>
        tpu.enqueue_indirect_dma source(%arg9 : memref<40x256xf32, #tpu.memory_space<vmem>>) target(%dma_start3A_204 : memref<51200x256xf32, #tpu.memory_space<hbm>>) offsets(%dma_start3A_201 : memref<40xi32, #tpu.memory_space<vmem>>) semaphore(%run_scoped3A : memref<!tpu.dma_semaphore, #tpu.memory_space<semaphore_mem>>)
        %dma_wait3A_205 = arith.constant 0 : i32
        %dma_wait3A_206 = tpu.memref_slice %arg10[%add3A_90, %dma_wait3A_205] : memref<40x40xi32, #tpu.memory_space<vmem>> -> memref<1x40xi32, #tpu.memory_space<vmem>>
        %dma_wait3A_207 = tpu.memref_squeeze %dma_wait3A_206 : memref<1x40xi32, #tpu.memory_space<vmem>> -> memref<40xi32, #tpu.memory_space<vmem>>
        %dma_wait3A_208 = arith.constant 0 : i32
        %dma_wait3A_209 = arith.constant 0 : i32
        %dma_wait3A_210 = tpu.memref_slice %arg5[%dma_wait3A_208, %dma_wait3A_209] : memref<51200x256xf32, #tpu.memory_space<hbm>> -> memref<51200x256xf32, #tpu.memory_space<hbm>>
        tpu.wait_indirect_dma semaphore(%run_scoped3A : memref<!tpu.dma_semaphore, #tpu.memory_space<semaphore_mem>>) src(%arg9 : memref<40x256xf32, #tpu.memory_space<vmem>>) dst(%dma_wait3A_210 : memref<51200x256xf32, #tpu.memory_space<hbm>>)
        tpu.yield
      }) : () -> ()
    }
    %scan3A_85 = arith.constant 40 : i32
    return
  }
}

</mosaic_0001>

<sc_bundles>
// kernel: _pool.3.cloned.1.call-start
scs
__scs_entry_jumppad:
0x0: {  	(pc) =	sbr.rel $0x88, $3  }
0x1: {  	(tag) =	ssettag $0x0;
	lr =	simm.s32 $0x1  }
0x2: {  	[smem:$0x3F9E] =	sst lr;
	_ =	strace $0xD0000000  }
0x3: {  	_ = 	snop  }
0x4: {  	_ = 	snop  }
0x5: {  	_ = 	snop  }
0x6: {  	_ = 	snop  }
0x7: {  	_ = 	snop  }
__scs_overlays_trampoline_lowered:
0x8: {  	[smem:$0x3FAD] =	sst s0  }
0x9: {  	[smem:$0x3FAE] =	sst s1  }
0xa: {  	[smem:$0x3FAF] =	sst s2  }
0xb: {  	[smem:$0x3FB0] =	sst s3  }
0xc: {  	[smem:$0x3FB1] =	sst s4  }
0xd: {  	[smem:$0x3FB2] =	sst s5  }
0xe: {  	[smem:$0x3FB3] =	sst s6  }
0xf: {  	[smem:$0x3FB4] =	sst s7  }
0x10: {  	[smem:$0x3FB5] =	sst s8  }
0x11: {  	[smem:$0x3FB6] =	sst s9;
	s0 =	simm.s32 @!p0 $0x0  }
0x12: {  	s1 =	sld [smem:$0x3F9C];
	s0 =	simm.s32 @p0 $0x1  }
0x13: {  	[smem:$0x3FB7] =	sst s0;
	s0 =	simm.s32 @!p1 $0x0  }
0x14: {  	s2 =	sld [smem:$0x3F9B];
	s0 =	simm.s32 @p1 $0x1  }
0x15: {  	[smem:$0x3FB8] =	sst s0;
	s0 =	simm.s32 @!p2 $0x0  }
0x16: {  	s3 =	sld [smem:$0x3FDB];
	s0 =	simm.s32 @p2 $0x1  }
0x17: {  	s4 =	simm.s32 $0x1BF5;
	[smem:$0x3FBA] =	sst s0  }
0x18: {  	s0 =	sld [smem:$0x3F9D];
	_ =	swait.ge [sflag:s4], $0x0  }
0x19: {  	s7 =	sld [smem:$0x3F9E]  }
0x1a: {  	s8 =	sadd.s32 $0xFFFFE003, lr  }
0x1b: {  	s9 =	sadd.s32 $0xFFFFFEF7, lr;
	s5 =	simm.s32 $0xFFFFFFFF;
	p2 =	slt.u32 s8, $0xFFFFF086  }
0x1c: {  	p1 =	slt.u32 s9, $0xF7A;
	s5 =	simm.s32 @!p2 $0x0  }
0x1d: {  	s5 =	simm.s32 @p1 $0x1;
	p0 =	seq.s32 s7, s2  }
0x1e: {  	s7 =	smul.u32 @!p0 $0xF7A, s2;
	p2 =	seq.s32 @!p0 s5, $0x0  }
0x1f: {  	s9 =	smul.u32 $0xF7A, s1;
	s8 =	simm.s32 @!p0 $0x1BF5;
	p2 =	por !p2, p0  }
0x20: {  	[sflag:s8] =	ssyncset.s32 @!p0 $0xFFFFF086;
	s6 =	sadd.s32 @!p0 s3, s7;
	s7 =	simm.s32 @!p0 $0x108  }
0x21: {  	s3 =	sadd.s32 s3, s9;
	s6 =	sadd.s32 @!p0 $0x88, s6;
	s7 =	simm.s32 @p2 $0x1082  }
0x22: {  	[simem:s7], [sflag:s8] =	dma.local @!p0 [hbm:s6], $0xF7A  }
0x23: {  	s9 =	sor.u32 $0xD0000000, s2;
	s6 =	simm.s32 $0x108;
	_ =	swait.ge @!p0 [sflag:s8], $0x0  }
0x24: {  	s3 =	sadd.s32 $0x88, s3;
	s6 =	simm.s32 @!p1 $0x1082;
	[sflag:s4] =	ssyncset.s32 $0xFFFFF086  }
0x25: {  	[simem:s6], [sflag:s4] =	dma.local [hbm:s3], $0xF7A  }
0x26: {  	[smem:$0x3F9E] =	sst s1;
	(tag) =	ssettag s2;
	_ =	strace s9  }
0x27: {  	s1 =	sld [smem:$0x3FAE]  }
0x28: {  	s2 =	sld [smem:$0x3FAF]  }
0x29: {  	s4 =	sld [smem:$0x3FB1]  }
0x2a: {  	p0 =	seq.s32 s5, $0x0;
	s5 =	sld [smem:$0x3FB2]  }
0x2b: {  	s6 =	sld [smem:$0x3FB3]  }
0x2c: {  	s7 =	sld [smem:$0x3FB4]  }
0x2d: {  	s3 =	simm.s32 $0x108;
	s8 =	sld [smem:$0x3FB5]  }
0x2e: {  	s3 =	simm.s32 @!p0 $0x1082;
	s9 =	sld [smem:$0x3FB6]  }
0x2f: {  	lr =	sadd.s32 s0, s3;
	s0 =	sld [smem:$0x3FAD]  }
0x30: {  	s3 =	sld [smem:$0x3FB0]  }
0x31: {  	[smem:$0x3FB9] =	sst s10  }
0x32: {  	s10 =	sld [smem:$0x3FB7];
	_ =	sdelay $0x3  }
0x33: {  	p0 =	seq.s32 s10, $0x1;
	s10 =	sld [smem:$0x3FB9];
	_ =	sdelay $0x3  }
0x34: {  	[smem:$0x3FB9] =	sst s10  }
0x35: {  	s10 =	sld [smem:$0x3FB8];
	_ =	sdelay $0x3  }
0x36: {  	p1 =	seq.s32 s10, $0x1;
	s10 =	sld [smem:$0x3FB9];
	_ =	sdelay $0x3  }
0x37: {  	[smem:$0x3FB9] =	sst s10  }
0x38: {  	s10 =	sld [smem:$0x3FBA]  }
0x39: {  	_ = 	snop;
	(pc) =	sbr.ind lr, $3  }
0x3a: {  	_ = 	snop  }
0x3b: {  	_ = 	snop  }
0x3c: {  	p2 =	seq.s32 s10, $0x1;
	s10 =	sld [smem:$0x3FB9]  }
0x3d: {  	_ =	shalt  }
0x3e: {  	_ =	shalt  }
0x3f: {  	_ =	shalt  }
0x40: {  	_ =	shalt  }
0x41: {  	_ =	shalt  }
0x42: {  	_ =	shalt  }
0x43: {  	_ =	shalt  }
0x44: {  	_ =	shalt  }
0x45: {  	_ =	shalt  }
0x46: {  	_ =	shalt  }
0x47: {  	_ =	shalt  }
0x48: {  	_ =	shalt  }
0x49: {  	_ =	shalt  }
0x4a: {  	_ =	shalt  }
0x4b: {  	_ =	shalt  }
0x4c: {  	_ =	shalt  }
0x4d: {  	_ =	shalt  }
0x4e: {  	_ =	shalt  }
0x4f: {  	_ =	shalt  }
0x50: {  	_ =	shalt  }
0x51: {  	_ =	shalt  }
0x52: {  	_ =	shalt  }
0x53: {  	_ =	shalt  }
0x54: {  	_ =	shalt  }
0x55: {  	_ =	shalt  }
0x56: {  	_ =	shalt  }
0x57: {  	_ =	shalt  }
0x58: {  	_ =	shalt  }
0x59: {  	_ =	shalt  }
0x5a: {  	_ =	shalt  }
0x5b: {  	_ =	shalt  }
0x5c: {  	_ =	shalt  }
0x5d: {  	_ =	shalt  }
0x5e: {  	_ =	shalt  }
0x5f: {  	_ =	shalt  }
0x60: {  	_ =	shalt  }
0x61: {  	_ =	shalt  }
0x62: {  	_ =	shalt  }
0x63: {  	_ =	shalt  }
0x64: {  	_ =	shalt  }
0x65: {  	_ =	shalt  }
0x66: {  	_ =	shalt  }
0x67: {  	_ =	shalt  }
0x68: {  	_ =	shalt  }
0x69: {  	_ =	shalt  }
0x6a: {  	_ =	shalt  }
0x6b: {  	_ =	shalt  }
0x6c: {  	_ =	shalt  }
0x6d: {  	_ =	shalt  }
0x6e: {  	_ =	shalt  }
0x6f: {  	_ =	shalt  }
0x70: {  	_ =	shalt  }
0x71: {  	_ =	shalt  }
0x72: {  	_ =	shalt  }
0x73: {  	_ =	shalt  }
0x74: {  	_ =	shalt  }
0x75: {  	_ =	shalt  }
0x76: {  	_ =	shalt  }
0x77: {  	_ =	shalt  }
0x78: {  	_ =	shalt  }
0x79: {  	_ =	shalt  }
0x7a: {  	_ =	shalt  }
0x7b: {  	_ =	shalt  }
0x7c: {  	_ =	shalt  }
0x7d: {  	_ =	shalt  }
0x7e: {  	_ =	shalt  }
0x7f: {  	_ =	shalt  }
0x80: {  	_ =	shalt  }
0x81: {  	_ =	shalt  }
0x82: {  	_ =	shalt  }
0x83: {  	_ =	shalt  }
0x84: {  	_ =	shalt  }
0x85: {  	_ =	shalt  }
0x86: {  	_ =	shalt  }
0x87: {  	_ =	shalt  }
.Lfunc_end0:
.L_simem_size_0:
called_computation_lowered:
.L_overlay_start_0:
0x88: {  	s2 =	sld [smem:$0x3FD9]  }
0x89: {  	s3 =	sld [smem:$0x3FFE];
	_ =	sdelay $0x1  }
0x8a: {  	s1 =	srdreg.scid  }
0x8b: {  	s0 =	sand.u32 $0x1, s1  }
0x8c: {  	s18 =	sshll.u32 s0, $0xA;
	s2 =	sadd.s32 s3, s2  }
0x8d: {  	s2 =	sadd.s32 s2, s18  }
0x8e: {  	[smem:$0x3FC5] =	sst s2  }
0x8f: {  	_ = 	snop  }
0x90: {  	s2 =	sld [smem:$0x3FC9]  }
0x91: {  	s19 =	sld [smem:$0x3FC8]  }
0x92: {  	s4 =	sld [smem:$0x3FC7]  }
0x93: {  	s5 =	sld [smem:$0x3FD0];
	(tm) =	ssettm $0x1  }
0x94: {  	s6 =	sld [smem:$0x3FFB];
	_ =	sdelay $0x3  }
0x95: {  	_ =	strace s6  }
0x96: {  	s6 =	sld [smem:$0x3FFC];
	_ =	sdelay $0x3  }
0x97: {  	_ =	strace s6  }
0x98: {  	s6 =	sld [smem:$0x3FFD];
	_ =	sdelay $0x3  }
0x99: {  	_ =	strace s6  }
0x9a: {  	_ =	strace $0x8FFFFFFF  }
0x9b: {  	s20 =	sld [smem:$0x3FDB];
	_ =	sdelay $0x1  }
0x9c: {  	s7 =	simm.s32 $_scs_section_size  }
0x9d: {  	s8 =	simm.s32 $_size__tile_overlayer_lowered;
	s9 =	simm.s32 $_tile_overlayer_lowered  }
0x9e: {  	s23 =	simm.s32 $0x1BFF;
	s22 =	sshll.u32 s9, $0x1;
	s6 =	sadd.s32 s7, s20  }
0x9f: {  	s10 =	simm.s32 $0x0;
	s21 =	sshll.u32 s8, $0x1;
	s8 =	sadd.s32 s22, s6  }
0xa0: {  	[timem:s10], [sflag:s23] =	dma.local [hbm:s8], s21  }
0xa1: {  	_ =	swait.ge [sflag:s23], s21  }
0xa2: {  	s7 =	ssub.s32 $0x0, s21;
	[sflag:s23] =	ssyncset.done $0x0  }
0xa3: {  	[sflag:s23] =	ssyncadd.s32 s7;
	_ =	sdelay $0x1  }
0xa4: {  	s24 =	simm.s32 $0x1B8B  }
0xa5: {  	_ =	swait.ge [sflag:s24], $0x1  }
0xa6: {  	[sflag:s24] =	ssyncset.done $0x0  }
0xa7: {  	s25 =	simm.s32 $0x1B8E;
	[sflag:s24] =	ssyncadd.s32 $0xFFFFFFFF  }
0xa8: {  	s26 =	simm.s32 $execute0_lowered;
	[smem:$0x3FD2] =	sst s25  }
0xa9: {  	s7 =	sshll.u32 s26, $0x1;
	_ =	strace $0x80000046;
	[dreg:$0x1] =	wrdreg $0xFFFFFFFF  }
0xaa: {  	s28 =	simm.s32 $_size_execute0_lowered;
	s6 =	sadd.s32 s6, s7;
	[dreg:$0x0] =	wrdreg $0x0  }
0xab: {  	s7 =	sshll.u32 s28, $0x1;
	[dreg:$0x2] =	wrdreg s6  }
0xac: {  	[dreg:$0x3] =	wrdreg s7  }
0xad: {  	[dreg:$0x4] =	wrdreg $0xC0  }
0xae: {  	_ =	task [dreg:s10], $0x5FFFF  }
0xaf: {  	[dreg:$0x1] =	wrdreg $0xFFFFFFFF  }
0xb0: {  	[dreg:$0x0] =	wrdreg $0x60  }
0xb1: {  	[dreg:$0x2] =	wrdreg s2  }
0xb2: {  	[dreg:$0x3] =	wrdreg s19  }
0xb3: {  	[dreg:$0x4] =	wrdreg s4  }
0xb4: {  	[dreg:$0x5] =	wrdreg s5  }
0xb5: {  	[dreg:$0x6] =	wrdreg $0x9  }
0xb6: {  	_ =	task.clear_ibuf [dreg:s10], $0x7FFFF;
	_ =	strace $0x90000046  }
0xb7: {  	s29 =	simm.s32 $0x9;
	_ =	strace $0x80000048  }
0xb8: {  	_ =	swait.ge [sflag:s29], $0x1  }
0xb9: {  	[sflag:s29] =	ssyncadd.s32 $0xFFFFFFFF  }
0xba: {  	_ =	strace $0x90000048  }
0xbb: {  	_ =	sfence  }
0xbc: {  	s30 =	sld [smem:$0x0];
	_ =	sdelay $0x2  }
0xbd: {  	s31 =	sshll.u32 s1, $0xD;
	s1 =	sshrl.u32 s1, $0x2  }
0xbe: {  	s3 =	sand.u32 $0x4000, s31;
	s1 =	sadd.s32 s1, s30  }
0xbf: {  	s0 =	sor.u32 s3, s0;
	s1 =	sshll.u32 s1, $0x11  }
0xc0: {  	s0 =	sor.u32 s1, s0  }
0xc1: {  	s0 =	sadd.s32 $0x8F2B, s0  }
0xc2: {  	[sflag:s0] =	ssyncadd.remote.s32 $0x1  }
0xc3: {  	_ =	sfence.sel $0xFFFF  }
0xc4: {  	[dreg:$0x0] =	wrdreg $0xFFFFFFFF;
	(pc) =	sbr.abs _section_cstart, $3  }
0xc5: {  	[dreg:$0x1] =	wrdreg $0xFFFFFFFF  }
0xc6: {  	_ =	task.clear_ibuf [dreg:s10], $0x2FFFF;
	_ =	strace $0x9FFFFFFF  }
0xc7: {  	(tm) =	ssettm $0x7FFFFFFF  }
tec
execute0_lowered:
.L_overlay_start_1:
0x0: {  	(tag) =	ssettag $0x1  }
0x1: {  	s2 =	rddreg [dreg:$0x0]  }
0x2: {  	s0 =	srdreg.scid;
	s1 =	rddreg [dreg:$0x1]  }
0x3: {  	s4 =	stileid.u32;
	s5 =	rddreg [dreg:$0x2]  }
0x4: {  	s15 =	simm.s32 $0x3;
	s28 =	simm.s32 $0x12200;
	s29 =	simm.s32 $0x12A00  }
0x5: {  	s30 =	simm.s32 $0x13200;
	s31 =	simm.s32 $0x13A00;
	s0 =	sand.u32 $0x1, s0  }
0x6: {  	s16 =	simm.s32 $0x15200;
	s17 =	simm.s32 $0x15A00;
	s3 =	sshll.u32 s0, $0x4  }
0x7: {  	s18 =	simm.s32 $0x16200;
	s0 =	ssub.s32 $0x2, s0;
	s6 =	sor.u32 s4, s3  }
0x8: {  	s19 =	simm.s32 $0x16A00;
	s8 =	sshrl.u32 s0, $0x1;
	s7 =	smul.u32 $0x640, s6  }
0x9: {  	s3 =	rddreg [dreg:$0x3];
	s4 =	simm.s32 $0x0;
	s0 =	ssub.s32 s0, s8  }
0xa: {  	[smem:$0x7FF] =	sst s4;
	s0 =	smax.u32 s0, $0x1;
	s7 =	sshrl.u32 s7, $0x3  }
0xb: {  	_ =	strace $0x80000047;
	[dreg:$0xe] =	wrdreg s0;
	s7 =	sadd.s32 s2, s7  }
0xc: {  	s9 =	simm.s32 $0x0;
	s2 =	sadd.s32 $0x1900, s7;
	[dreg:$0x5] =	wrdreg s7  }
0xd: {  	s22 =	smul.u32 $0x280, s6;
	s20 =	sadd.s32 $0x3200, s7;
	[dreg:$0x6] =	wrdreg s2  }
0xe: {  	s6 =	simm.s32 $0x18200;
	s21 =	sadd.s32 $0x4B00, s7;
	[dreg:$0x7] =	wrdreg s20  }
0xf: {  	s8 =	simm.s32 $0x19200;
	s23 =	sadd.s32 $0x6400, s7;
	[dreg:$0x8] =	wrdreg s21  }
0x10: {  	s0 =	simm.s32 $0x14A00;
	s24 =	sadd.s32 $0x7D00, s7;
	[dreg:$0x9] =	wrdreg s23  }
.Ltmp0:
0x11: {  	s25 =	sadd.s32 $0x9600, s7;
	[dreg:$0xa] =	wrdreg s24;
	(pc) =	sbr.rel .LBB2_1-.Ltmp0, $4  }
0x12: {  	s26 =	sadd.s32 $0xAF00, s7;
	s7 =	simm.s32 $0x18A00;
	[dreg:$0xb] =	wrdreg s25  }
0x13: {  	v2 =	vlaneseq.u32;
	[dreg:$0xc] =	wrdreg s26;
	s2 =	sadd.s32 s5, s22;
	s26 =	simm.s32 $0x11A00  }
0x14: {  	vm0 =	vmmov $0xffff;
	v1 =	vshrl.u32 v2, $0x3;
	s20 =	simm.s32 $0x1;
	s21 =	simm.s32 $0x2;
	s22 =	simm.s32 $0x17200  }
0x15: {  	v0 =	vand.u32 $0x7, v2;
	v2 =	vor.u32 $0x8, v2;
	v1 =	vmul.u32 $0x8, v1;
	s23 =	simm.s32 $0x17A00;
	[dreg:$0xd] =	wrdreg s2;
	s2 =	simm.s32 $0x14200  }
.LBB2_11:
0x16: {  	s9 =	rddreg [dreg:$0xf]  }
0x17: {  	s5 =	rddreg [dreg:$0xe];
	s9 =	sadd.s32 $0x1, s9  }
0x18: {  	p0 =	sne.s32 s9, s5  }
.Ltmp1:
0x19: {  	_ = 	snop;
	(pc) =	sbr.rel @!p0 .LBB2_12-.Ltmp1, $1  }
0x1a: {  	_ =	sdelay $0x3  }
.LBB2_1:
0x1b: {  	[dreg:$0xf] =	wrdreg s9  }
0x1c: {  	s5 =	rddreg [dreg:$0x5]  }
0x1d: {  	[tilespmem:s4], [sflag:$0x3] =	stream.linear.gather [hbm4b:s5+s4], $0x640, $0x38;
	[tilespmem:$0x1AE00] =	vst v63  }
0x1e: {  	_ =	swait.ge [sflag:s15], $0x640  }
0x1f: {  	[sflag:s15] =	ssyncset.done $0x0  }
0x20: {  	s12 =	simm.s32 $0x640;
	s11 =	rddreg [dreg:$0x6];
	[sflag:s15] =	ssyncadd.s32 $0xFFFFF9C0  }
0x21: {  	[tilespmem:s12], [sflag:$0x3] =	stream.linear.gather [hbm4b:s11+s4], $0x640, $0x38;
	[tilespmem:$0x1AE00] =	vst v63  }
0x22: {  	_ =	swait.ge [sflag:s15], $0x640  }
0x23: {  	[sflag:s15] =	ssyncset.done $0x0  }
0x24: {  	s14 =	simm.s32 $0xC80;
	s13 =	rddreg [dreg:$0x7];
	[sflag:s15] =	ssyncadd.s32 $0xFFFFF9C0  }
0x25: {  	[tilespmem:s14], [sflag:$0x3] =	stream.linear.gather [hbm4b:s13+s4], $0x640, $0x38;
	[tilespmem:$0x1AE00] =	vst v63  }
0x26: {  	_ =	swait.ge [sflag:s15], $0x640  }
0x27: {  	[sflag:s15] =	ssyncset.done $0x0  }
0x28: {  	s25 =	simm.s32 $0x12C0;
	s24 =	rddreg [dreg:$0x8];
	[sflag:s15] =	ssyncadd.s32 $0xFFFFF9C0  }
0x29: {  	[tilespmem:s25], [sflag:$0x3] =	stream.linear.gather [hbm4b:s24+s4], $0x640, $0x38;
	[tilespmem:$0x1AE00] =	vst v63  }
0x2a: {  	_ =	swait.ge [sflag:s15], $0x640  }
0x2b: {  	[sflag:s15] =	ssyncset.done $0x0  }
0x2c: {  	s10 =	simm.s32 $0x1900;
	s9 =	rddreg [dreg:$0x9];
	[sflag:s15] =	ssyncadd.s32 $0xFFFFF9C0  }
0x2d: {  	[tilespmem:s10], [sflag:$0x3] =	stream.linear.gather [hbm4b:s9+s4], $0x640, $0x38;
	[tilespmem:$0x1AE00] =	vst v63  }
0x2e: {  	_ =	swait.ge [sflag:s15], $0x640  }
0x2f: {  	[sflag:s15] =	ssyncset.done $0x0  }
0x30: {  	s12 =	simm.s32 $0x1F40;
	s11 =	rddreg [dreg:$0xa];
	[sflag:s15] =	ssyncadd.s32 $0xFFFFF9C0  }
0x31: {  	[tilespmem:s12], [sflag:$0x3] =	stream.linear.gather [hbm4b:s11+s4], $0x640, $0x38;
	[tilespmem:$0x1AE00] =	vst v63  }
0x32: {  	_ =	swait.ge [sflag:s15], $0x640  }
0x33: {  	[sflag:s15] =	ssyncset.done $0x0  }
0x34: {  	s14 =	simm.s32 $0x2580;
	s13 =	rddreg [dreg:$0xb];
	[sflag:s15] =	ssyncadd.s32 $0xFFFFF9C0  }
0x35: {  	[tilespmem:s14], [sflag:$0x3] =	stream.linear.gather [hbm4b:s13+s4], $0x640, $0x38;
	[tilespmem:$0x1AE00] =	vst v63  }
0x36: {  	_ =	swait.ge [sflag:s15], $0x640  }
0x37: {  	[sflag:s15] =	ssyncset.done $0x0  }
0x38: {  	s25 =	simm.s32 $0x2BC0;
	s24 =	rddreg [dreg:$0xc];
	[sflag:s15] =	ssyncadd.s32 $0xFFFFF9C0  }
0x39: {  	[tilespmem:s25], [sflag:$0x3] =	stream.linear.gather [hbm4b:s24+s4], $0x640, $0x38;
	[tilespmem:$0x1AE00] =	vst v63  }
0x3a: {  	_ =	swait.ge [sflag:s15], $0x640  }
0x3b: {  	[sflag:s15] =	ssyncset.done $0x0  }
0x3c: {  	s11 =	simm.s32 $0x19A00;
	s10 =	rddreg [dreg:$0xd];
	[sflag:s15] =	ssyncadd.s32 $0xFFFFF9C0  }
0x3d: {  	[tilespmem:s11], [sflag:$0x3] =	stream.linear.gather [hbm4b:s10+s4], $0x1400, $0x38;
	[tilespmem:$0x1AE00] =	vst v63  }
0x3e: {  	_ =	swait.ge [sflag:s15], $0x1400  }
0x3f: {  	[sflag:s15] =	ssyncset.done $0x0  }
0x40: {  	[sflag:s15] =	ssyncadd.s32 $0xFFFFEC00  }
0x41: {  	v3 =	vld [tilespmem:$0x0];
	_ =	sdelay $0x4  }
0x42: {  	v4 =	vshll.u32 v3, $0x1  }
0x43: {  	v3 =	vand.u32 $0x7, v3;
	v4 =	vand.u32 $0xFFFFFFF0, v4  }
0x44: {  	v3 =	vor.u32 v3, v4  }
0x45: {  	v4 =	vperm.xlane v3, v0;
	_ =	sdelay $0x1  }
0x46: {  	v3 =	vperm.xlane v3, v2;
	v4 =	vadd.s32 v1, v4;
	_ =	sdelay $0x1  }
0x47: {  	v3 =	vadd.s32 v1, v3;
	_ =	sdelay $0x1  }
0x48: {  	s12 =	simm.s32 $0x3200  }
0x49: {  	[tilespmem:s12], [sflag:$0x1] =	stream.indirect_vreg.gather [hbm4b:s1+s4], $0x80, v4, vm0, $0xb8;
	[tilespmem:$0x1AE00] =	vst v63  }
0x4a: {  	s13 =	simm.s32 $0x3A00  }
0x4b: {  	[tilespmem:s13], [sflag:$0x1] =	stream.indirect_vreg.gather [hbm4b:s1+s4], $0x80, v3, vm0, $0xb8;
	[tilespmem:$0x1AE00] =	vst v63  }
0x4c: {  	v3 =	vld [tilespmem:$0x10];
	_ =	sdelay $0x4  }
0x4d: {  	v41 =	vshll.u32 v3, $0x1  }
0x4e: {  	v3 =	vand.u32 $0x7, v3;
	v4 =	vand.u32 $0xFFFFFFF0, v41  }
0x4f: {  	v3 =	vor.u32 v3, v4  }
0x50: {  	v4 =	vperm.xlane v3, v0;
	_ =	sdelay $0x1  }
0x51: {  	v3 =	vperm.xlane v3, v2;
	v4 =	vadd.s32 v1, v4;
	_ =	sdelay $0x1  }
0x52: {  	v3 =	vadd.s32 v1, v3;
	_ =	sdelay $0x1  }
0x53: {  	s14 =	simm.s32 $0x4200  }
0x54: {  	[tilespmem:s14], [sflag:$0x1] =	stream.indirect_vreg.gather [hbm4b:s1+s4], $0x80, v4, vm0, $0xb8;
	[tilespmem:$0x1AE00] =	vst v63  }
0x55: {  	s24 =	simm.s32 $0x4A00  }
0x56: {  	[tilespmem:s24], [sflag:$0x1] =	stream.indirect_vreg.gather [hbm4b:s1+s4], $0x80, v3, vm0, $0xb8;
	[tilespmem:$0x1AE00] =	vst v63  }
0x57: {  	v3 =	vld.msk [tilespmem:$0x20], $0xff;
	_ =	sdelay $0x4  }
0x58: {  	v42 =	vshll.u32 v3, $0x1  }
0x59: {  	v3 =	vand.u32 $0x7, v3;
	v4 =	vand.u32 $0xFFFFFFF0, v42  }
0x5a: {  	v3 =	vor.u32 v3, v4  }
0x5b: {  	v3 =	vperm.xlane v3, v0;
	_ =	sdelay $0x1  }
0x5c: {  	v3 =	vadd.s32 v1, v3;
	_ =	sdelay $0x3  }
0x5d: {  	s25 =	simm.s32 $0x5200  }
0x5e: {  	[tilespmem:s25], [sflag:$0x1] =	stream.indirect_vreg.gather [hbm4b:s1+s4], $0x80, v3, vm0, $0xb8;
	[tilespmem:$0x1AE00] =	vst v63  }
0x5f: {  	v3 =	vld [tilespmem:$0x640];
	_ =	sdelay $0x4  }
0x60: {  	v43 =	vshll.u32 v3, $0x1  }
0x61: {  	v3 =	vand.u32 $0x7, v3;
	v4 =	vand.u32 $0xFFFFFFF0, v43  }
0x62: {  	v3 =	vor.u32 v3, v4  }
0x63: {  	v4 =	vperm.xlane v3, v0;
	_ =	sdelay $0x1  }
0x64: {  	v3 =	vperm.xlane v3, v2;
	v4 =	vadd.s32 v1, v4;
	_ =	sdelay $0x1  }
0x65: {  	v3 =	vadd.s32 v1, v3;
	_ =	sdelay $0x1  }
0x66: {  	s9 =	simm.s32 $0x5A00  }
0x67: {  	[tilespmem:s9], [sflag:$0x1] =	stream.indirect_vreg.gather [hbm4b:s1+s4], $0x80, v4, vm0, $0xb8;
	[tilespmem:$0x1AE00] =	vst v63  }
0x68: {  	s10 =	simm.s32 $0x6200  }
0x69: {  	[tilespmem:s10], [sflag:$0x1] =	stream.indirect_vreg.gather [hbm4b:s1+s4], $0x80, v3, vm0, $0xb8;
	[tilespmem:$0x1AE00] =	vst v63  }
0x6a: {  	v3 =	vld [tilespmem:$0x650];
	_ =	sdelay $0x4  }
0x6b: {  	v44 =	vshll.u32 v3, $0x1  }
0x6c: {  	v3 =	vand.u32 $0x7, v3;
	v4 =	vand.u32 $0xFFFFFFF0, v44  }
0x6d: {  	v3 =	vor.u32 v3, v4  }
0x6e: {  	v4 =	vperm.xlane v3, v0;
	_ =	sdelay $0x1  }
0x6f: {  	v3 =	vperm.xlane v3, v2;
	v4 =	vadd.s32 v1, v4;
	_ =	sdelay $0x1  }
0x70: {  	v3 =	vadd.s32 v1, v3;
	_ =	sdelay $0x1  }
0x71: {  	s11 =	simm.s32 $0x6A00  }
0x72: {  	[tilespmem:s11], [sflag:$0x1] =	stream.indirect_vreg.gather [hbm4b:s1+s4], $0x80, v4, vm0, $0xb8;
	[tilespmem:$0x1AE00] =	vst v63  }
0x73: {  	s12 =	simm.s32 $0x7200  }
0x74: {  	[tilespmem:s12], [sflag:$0x1] =	stream.indirect_vreg.gather [hbm4b:s1+s4], $0x80, v3, vm0, $0xb8;
	[tilespmem:$0x1AE00] =	vst v63  }
0x75: {  	v3 =	vld.msk [tilespmem:$0x660], $0xff;
	_ =	sdelay $0x4  }
0x76: {  	v45 =	vshll.u32 v3, $0x1  }
0x77: {  	v3 =	vand.u32 $0x7, v3;
	v4 =	vand.u32 $0xFFFFFFF0, v45  }
0x78: {  	v3 =	vor.u32 v3, v4  }
0x79: {  	v3 =	vperm.xlane v3, v0;
	_ =	sdelay $0x1  }
0x7a: {  	v3 =	vadd.s32 v1, v3;
	_ =	sdelay $0x3  }
0x7b: {  	s13 =	simm.s32 $0x7A00  }
0x7c: {  	[tilespmem:s13], [sflag:$0x1] =	stream.indirect_vreg.gather [hbm4b:s1+s4], $0x80, v3, vm0, $0xb8;
	[tilespmem:$0x1AE00] =	vst v63  }
0x7d: {  	v3 =	vld [tilespmem:$0xC80];
	_ =	sdelay $0x4  }
0x7e: {  	v46 =	vshll.u32 v3, $0x1  }
0x7f: {  	v3 =	vand.u32 $0x7, v3;
	v4 =	vand.u32 $0xFFFFFFF0, v46  }
0x80: {  	v3 =	vor.u32 v3, v4  }
0x81: {  	v4 =	vperm.xlane v3, v0;
	_ =	sdelay $0x1  }
0x82: {  	v3 =	vperm.xlane v3, v2;
	v4 =	vadd.s32 v1, v4;
	_ =	sdelay $0x1  }
0x83: {  	v3 =	vadd.s32 v1, v3;
	_ =	sdelay $0x1  }
0x84: {  	s14 =	simm.s32 $0x8200  }
0x85: {  	[tilespmem:s14], [sflag:$0x1] =	stream.indirect_vreg.gather [hbm4b:s1+s4], $0x80, v4, vm0, $0xb8;
	[tilespmem:$0x1AE00] =	vst v63  }
0x86: {  	s24 =	simm.s32 $0x8A00  }
0x87: {  	[tilespmem:s24], [sflag:$0x1] =	stream.indirect_vreg.gather [hbm4b:s1+s4], $0x80, v3, vm0, $0xb8;
	[tilespmem:$0x1AE00] =	vst v63  }
0x88: {  	v3 =	vld [tilespmem:$0xC90];
	_ =	sdelay $0x4  }
0x89: {  	v47 =	vshll.u32 v3, $0x1  }
0x8a: {  	v3 =	vand.u32 $0x7, v3;
	v4 =	vand.u32 $0xFFFFFFF0, v47  }
0x8b: {  	v3 =	vor.u32 v3, v4  }
0x8c: {  	v4 =	vperm.xlane v3, v0;
	_ =	sdelay $0x1  }
0x8d: {  	v3 =	vperm.xlane v3, v2;
	v4 =	vadd.s32 v1, v4;
	_ =	sdelay $0x1  }
0x8e: {  	v3 =	vadd.s32 v1, v3;
	_ =	sdelay $0x1  }
0x8f: {  	s25 =	simm.s32 $0x9200  }
0x90: {  	[tilespmem:s25], [sflag:$0x1] =	stream.indirect_vreg.gather [hbm4b:s1+s4], $0x80, v4, vm0, $0xb8;
	[tilespmem:$0x1AE00] =	vst v63  }
0x91: {  	s9 =	simm.s32 $0x9A00  }
0x92: {  	[tilespmem:s9], [sflag:$0x1] =	stream.indirect_vreg.gather [hbm4b:s1+s4], $0x80, v3, vm0, $0xb8;
	[tilespmem:$0x1AE00] =	vst v63  }
0x93: {  	v3 =	vld.msk [tilespmem:$0xCA0], $0xff;
	_ =	sdelay $0x4  }
0x94: {  	v48 =	vshll.u32 v3, $0x1  }
0x95: {  	v3 =	vand.u32 $0x7, v3;
	v4 =	vand.u32 $0xFFFFFFF0, v48  }
0x96: {  	v3 =	vor.u32 v3, v4  }
0x97: {  	v3 =	vperm.xlane v3, v0;
	_ =	sdelay $0x1  }
0x98: {  	v3 =	vadd.s32 v1, v3;
	_ =	sdelay $0x3  }
0x99: {  	s10 =	simm.s32 $0xA200  }
0x9a: {  	[tilespmem:s10], [sflag:$0x1] =	stream.indirect_vreg.gather [hbm4b:s1+s4], $0x80, v3, vm0, $0xb8;
	[tilespmem:$0x1AE00] =	vst v63  }
0x9b: {  	v3 =	vld [tilespmem:$0x12C0];
	_ =	sdelay $0x4  }
0x9c: {  	v49 =	vshll.u32 v3, $0x1  }
0x9d: {  	v3 =	vand.u32 $0x7, v3;
	v4 =	vand.u32 $0xFFFFFFF0, v49  }
0x9e: {  	v3 =	vor.u32 v3, v4  }
0x9f: {  	v4 =	vperm.xlane v3, v0;
	_ =	sdelay $0x1  }
0xa0: {  	v3 =	vperm.xlane v3, v2;
	v4 =	vadd.s32 v1, v4;
	_ =	sdelay $0x1  }
0xa1: {  	v3 =	vadd.s32 v1, v3;
	_ =	sdelay $0x1  }
0xa2: {  	s11 =	simm.s32 $0xAA00  }
0xa3: {  	[tilespmem:s11], [sflag:$0x1] =	stream.indirect_vreg.gather [hbm4b:s1+s4], $0x80, v4, vm0, $0xb8;
	[tilespmem:$0x1AE00] =	vst v63  }
0xa4: {  	s12 =	simm.s32 $0xB200  }
0xa5: {  	[tilespmem:s12], [sflag:$0x1] =	stream.indirect_vreg.gather [hbm4b:s1+s4], $0x80, v3, vm0, $0xb8;
	[tilespmem:$0x1AE00] =	vst v63  }
0xa6: {  	v3 =	vld [tilespmem:$0x12D0];
	_ =	sdelay $0x4  }
0xa7: {  	v50 =	vshll.u32 v3, $0x1  }
0xa8: {  	v3 =	vand.u32 $0x7, v3;
	v4 =	vand.u32 $0xFFFFFFF0, v50  }
0xa9: {  	v3 =	vor.u32 v3, v4  }
0xaa: {  	v4 =	vperm.xlane v3, v0;
	_ =	sdelay $0x1  }
0xab: {  	v3 =	vperm.xlane v3, v2;
	v4 =	vadd.s32 v1, v4;
	_ =	sdelay $0x1  }
0xac: {  	v3 =	vadd.s32 v1, v3;
	_ =	sdelay $0x1  }
0xad: {  	s13 =	simm.s32 $0xBA00  }
0xae: {  	[tilespmem:s13], [sflag:$0x1] =	stream.indirect_vreg.gather [hbm4b:s1+s4], $0x80, v4, vm0, $0xb8;
	[tilespmem:$0x1AE00] =	vst v63  }
0xaf: {  	s14 =	simm.s32 $0xC200  }
0xb0: {  	[tilespmem:s14], [sflag:$0x1] =	stream.indirect_vreg.gather [hbm4b:s1+s4], $0x80, v3, vm0, $0xb8;
	[tilespmem:$0x1AE00] =	vst v63  }
0xb1: {  	v3 =	vld.msk [tilespmem:$0x12E0], $0xff;
	_ =	sdelay $0x4  }
0xb2: {  	v51 =	vshll.u32 v3, $0x1  }
0xb3: {  	v3 =	vand.u32 $0x7, v3;
	v4 =	vand.u32 $0xFFFFFFF0, v51  }
0xb4: {  	v3 =	vor.u32 v3, v4  }
0xb5: {  	v3 =	vperm.xlane v3, v0;
	_ =	sdelay $0x1  }
0xb6: {  	v3 =	vadd.s32 v1, v3;
	_ =	sdelay $0x3  }
0xb7: {  	s24 =	simm.s32 $0xCA00  }
0xb8: {  	[tilespmem:s24], [sflag:$0x1] =	stream.indirect_vreg.gather [hbm4b:s1+s4], $0x80, v3, vm0, $0xb8;
	[tilespmem:$0x1AE00] =	vst v63  }
0xb9: {  	v3 =	vld [tilespmem:$0x1900];
	_ =	sdelay $0x4  }
0xba: {  	v52 =	vshll.u32 v3, $0x1  }
0xbb: {  	v3 =	vand.u32 $0x7, v3;
	v4 =	vand.u32 $0xFFFFFFF0, v52  }
0xbc: {  	v3 =	vor.u32 v3, v4  }
0xbd: {  	v4 =	vperm.xlane v3, v0;
	_ =	sdelay $0x1  }
0xbe: {  	v3 =	vperm.xlane v3, v2;
	v4 =	vadd.s32 v1, v4;
	_ =	sdelay $0x1  }
0xbf: {  	v3 =	vadd.s32 v1, v3;
	_ =	sdelay $0x1  }
0xc0: {  	s25 =	simm.s32 $0xD200  }
0xc1: {  	[tilespmem:s25], [sflag:$0x2] =	stream.indirect_vreg.gather [hbm4b:s1+s4], $0x80, v4, vm0, $0xb8;
	[tilespmem:$0x1AE00] =	vst v63  }
0xc2: {  	s9 =	simm.s32 $0xDA00  }
0xc3: {  	[tilespmem:s9], [sflag:$0x2] =	stream.indirect_vreg.gather [hbm4b:s1+s4], $0x80, v3, vm0, $0xb8;
	[tilespmem:$0x1AE00] =	vst v63  }
0xc4: {  	v3 =	vld [tilespmem:$0x1910];
	_ =	sdelay $0x4  }
0xc5: {  	v53 =	vshll.u32 v3, $0x1  }
0xc6: {  	v3 =	vand.u32 $0x7, v3;
	v4 =	vand.u32 $0xFFFFFFF0, v53  }
0xc7: {  	v3 =	vor.u32 v3, v4  }
0xc8: {  	v4 =	vperm.xlane v3, v0;
	_ =	sdelay $0x1  }
0xc9: {  	v3 =	vperm.xlane v3, v2;
	v4 =	vadd.s32 v1, v4;
	_ =	sdelay $0x1  }
0xca: {  	v3 =	vadd.s32 v1, v3;
	_ =	sdelay $0x1  }
0xcb: {  	s10 =	simm.s32 $0xE200  }
0xcc: {  	[tilespmem:s10], [sflag:$0x2] =	stream.indirect_vreg.gather [hbm4b:s1+s4], $0x80, v4, vm0, $0xb8;
	[tilespmem:$0x1AE00] =	vst v63  }
0xcd: {  	s11 =	simm.s32 $0xEA00  }
0xce: {  	[tilespmem:s11], [sflag:$0x2] =	stream.indirect_vreg.gather [hbm4b:s1+s4], $0x80, v3, vm0, $0xb8;
	[tilespmem:$0x1AE00] =	vst v63  }
0xcf: {  	v3 =	vld.msk [tilespmem:$0x1920], $0xff;
	_ =	sdelay $0x4  }
0xd0: {  	v54 =	vshll.u32 v3, $0x1  }
0xd1: {  	v3 =	vand.u32 $0x7, v3;
	v4 =	vand.u32 $0xFFFFFFF0, v54  }
0xd2: {  	v3 =	vor.u32 v3, v4  }
0xd3: {  	v3 =	vperm.xlane v3, v0;
	_ =	sdelay $0x1  }
0xd4: {  	v3 =	vadd.s32 v1, v3;
	_ =	sdelay $0x3  }
0xd5: {  	s12 =	simm.s32 $0xF200  }
0xd6: {  	[tilespmem:s12], [sflag:$0x2] =	stream.indirect_vreg.gather [hbm4b:s1+s4], $0x80, v3, vm0, $0xb8;
	[tilespmem:$0x1AE00] =	vst v63  }
0xd7: {  	v3 =	vld [tilespmem:$0x1F40];
	_ =	sdelay $0x4  }
0xd8: {  	v55 =	vshll.u32 v3, $0x1  }
0xd9: {  	v3 =	vand.u32 $0x7, v3;
	v4 =	vand.u32 $0xFFFFFFF0, v55  }
0xda: {  	v3 =	vor.u32 v3, v4  }
0xdb: {  	v4 =	vperm.xlane v3, v0;
	_ =	sdelay $0x1  }
0xdc: {  	v3 =	vperm.xlane v3, v2;
	v4 =	vadd.s32 v1, v4;
	_ =	sdelay $0x1  }
0xdd: {  	v3 =	vadd.s32 v1, v3;
	_ =	sdelay $0x1  }
0xde: {  	s13 =	simm.s32 $0xFA00  }
0xdf: {  	[tilespmem:s13], [sflag:$0x2] =	stream.indirect_vreg.gather [hbm4b:s1+s4], $0x80, v4, vm0, $0xb8;
	[tilespmem:$0x1AE00] =	vst v63  }
0xe0: {  	s14 =	simm.s32 $0x10200  }
0xe1: {  	[tilespmem:s14], [sflag:$0x2] =	stream.indirect_vreg.gather [hbm4b:s1+s4], $0x80, v3, vm0, $0xb8;
	[tilespmem:$0x1AE00] =	vst v63  }
0xe2: {  	v3 =	vld [tilespmem:$0x1F50];
	_ =	sdelay $0x4  }
0xe3: {  	v56 =	vshll.u32 v3, $0x1  }
0xe4: {  	v3 =	vand.u32 $0x7, v3;
	v4 =	vand.u32 $0xFFFFFFF0, v56  }
0xe5: {  	v3 =	vor.u32 v3, v4  }
0xe6: {  	v4 =	vperm.xlane v3, v0;
	_ =	sdelay $0x1  }
0xe7: {  	v3 =	vperm.xlane v3, v2;
	v4 =	vadd.s32 v1, v4;
	_ =	sdelay $0x1  }
0xe8: {  	v3 =	vadd.s32 v1, v3;
	_ =	sdelay $0x1  }
0xe9: {  	s24 =	simm.s32 $0x10A00  }
0xea: {  	[tilespmem:s24], [sflag:$0x2] =	stream.indirect_vreg.gather [hbm4b:s1+s4], $0x80, v4, vm0, $0xb8;
	[tilespmem:$0x1AE00] =	vst v63  }
0xeb: {  	s25 =	simm.s32 $0x11200  }
0xec: {  	[tilespmem:s25], [sflag:$0x2] =	stream.indirect_vreg.gather [hbm4b:s1+s4], $0x80, v3, vm0, $0xb8;
	[tilespmem:$0x1AE00] =	vst v63  }
0xed: {  	v3 =	vld.msk [tilespmem:$0x1F60], $0xff;
	_ =	sdelay $0x4  }
0xee: {  	v57 =	vshll.u32 v3, $0x1  }
0xef: {  	v3 =	vand.u32 $0x7, v3;
	v4 =	vand.u32 $0xFFFFFFF0, v57  }
0xf0: {  	v3 =	vor.u32 v3, v4  }
0xf1: {  	v3 =	vperm.xlane v3, v0;
	_ =	sdelay $0x1  }
0xf2: {  	v3 =	vadd.s32 v1, v3;
	_ =	sdelay $0x4  }
0xf3: {  	[tilespmem:s26], [sflag:$0x2] =	stream.indirect_vreg.gather [hbm4b:s1+s4], $0x80, v3, vm0, $0xb8;
	[tilespmem:$0x1AE00] =	vst v63  }
0xf4: {  	v3 =	vld [tilespmem:$0x2580];
	_ =	sdelay $0x4  }
0xf5: {  	v58 =	vshll.u32 v3, $0x1  }
0xf6: {  	v3 =	vand.u32 $0x7, v3;
	v4 =	vand.u32 $0xFFFFFFF0, v58  }
0xf7: {  	v3 =	vor.u32 v3, v4  }
0xf8: {  	v4 =	vperm.xlane v3, v0;
	_ =	sdelay $0x1  }
0xf9: {  	v3 =	vperm.xlane v3, v2;
	v4 =	vadd.s32 v1, v4;
	_ =	sdelay $0x1  }
0xfa: {  	v3 =	vadd.s32 v1, v3;
	_ =	sdelay $0x2  }
0xfb: {  	[tilespmem:s28], [sflag:$0x2] =	stream.indirect_vreg.gather [hbm4b:s1+s4], $0x80, v4, vm0, $0xb8;
	[tilespmem:$0x1AE00] =	vst v63  }
0xfc: {  	_ = 	snop  }
0xfd: {  	[tilespmem:s29], [sflag:$0x2] =	stream.indirect_vreg.gather [hbm4b:s1+s4], $0x80, v3, vm0, $0xb8;
	[tilespmem:$0x1AE00] =	vst v63  }
0xfe: {  	v3 =	vld [tilespmem:$0x2590];
	_ =	sdelay $0x4  }
0xff: {  	v59 =	vshll.u32 v3, $0x1  }
0x100: {  	v3 =	vand.u32 $0x7, v3;
	v4 =	vand.u32 $0xFFFFFFF0, v59  }
0x101: {  	v3 =	vor.u32 v3, v4  }
0x102: {  	v4 =	vperm.xlane v3, v0;
	_ =	sdelay $0x1  }
0x103: {  	v3 =	vperm.xlane v3, v2;
	v4 =	vadd.s32 v1, v4;
	_ =	sdelay $0x1  }
0x104: {  	v3 =	vadd.s32 v1, v3;
	_ =	sdelay $0x2  }
0x105: {  	[tilespmem:s30], [sflag:$0x2] =	stream.indirect_vreg.gather [hbm4b:s1+s4], $0x80, v4, vm0, $0xb8;
	[tilespmem:$0x1AE00] =	vst v63  }
0x106: {  	_ = 	snop  }
0x107: {  	[tilespmem:s31], [sflag:$0x2] =	stream.indirect_vreg.gather [hbm4b:s1+s4], $0x80, v3, vm0, $0xb8;
	[tilespmem:$0x1AE00] =	vst v63  }
0x108: {  	v3 =	vld.msk [tilespmem:$0x25A0], $0xff;
	_ =	sdelay $0x4  }
0x109: {  	v60 =	vshll.u32 v3, $0x1  }
0x10a: {  	v3 =	vand.u32 $0x7, v3;
	v4 =	vand.u32 $0xFFFFFFF0, v60  }
0x10b: {  	v3 =	vor.u32 v3, v4  }
0x10c: {  	v3 =	vperm.xlane v3, v0;
	_ =	sdelay $0x1  }
0x10d: {  	v3 =	vadd.s32 v1, v3;
	_ =	sdelay $0x4  }
0x10e: {  	[tilespmem:s2], [sflag:$0x2] =	stream.indirect_vreg.gather [hbm4b:s1+s4], $0x80, v3, vm0, $0xb8;
	[tilespmem:$0x1AE00] =	vst v63  }
0x10f: {  	v3 =	vld [tilespmem:$0x2BC0];
	_ =	sdelay $0x4  }
0x110: {  	v61 =	vshll.u32 v3, $0x1  }
0x111: {  	v3 =	vand.u32 $0x7, v3;
	v4 =	vand.u32 $0xFFFFFFF0, v61  }
0x112: {  	v3 =	vor.u32 v3, v4  }
0x113: {  	v4 =	vperm.xlane v3, v0;
	_ =	sdelay $0x1  }
0x114: {  	v3 =	vperm.xlane v3, v2;
	v4 =	vadd.s32 v1, v4;
	_ =	sdelay $0x1  }
0x115: {  	v3 =	vadd.s32 v1, v3;
	_ =	sdelay $0x2  }
0x116: {  	[tilespmem:s0], [sflag:$0x2] =	stream.indirect_vreg.gather [hbm4b:s1+s4], $0x80, v4, vm0, $0xb8;
	[tilespmem:$0x1AE00] =	vst v63  }
0x117: {  	_ = 	snop  }
0x118: {  	[tilespmem:s16], [sflag:$0x2] =	stream.indirect_vreg.gather [hbm4b:s1+s4], $0x80, v3, vm0, $0xb8;
	[tilespmem:$0x1AE00] =	vst v63  }
0x119: {  	v3 =	vld [tilespmem:$0x2BD0];
	_ =	sdelay $0x4  }
0x11a: {  	v62 =	vshll.u32 v3, $0x1  }
0x11b: {  	v3 =	vand.u32 $0x7, v3;
	v4 =	vand.u32 $0xFFFFFFF0, v62  }
0x11c: {  	v3 =	vor.u32 v3, v4  }
0x11d: {  	v4 =	vperm.xlane v3, v0;
	_ =	sdelay $0x1  }
0x11e: {  	v3 =	vperm.xlane v3, v2;
	v4 =	vadd.s32 v1, v4;
	_ =	sdelay $0x1  }
0x11f: {  	v3 =	vadd.s32 v1, v3;
	_ =	sdelay $0x2  }
0x120: {  	[tilespmem:s17], [sflag:$0x2] =	stream.indirect_vreg.gather [hbm4b:s1+s4], $0x80, v4, vm0, $0xb8;
	[tilespmem:$0x1AE00] =	vst v63  }
0x121: {  	_ = 	snop  }
0x122: {  	[tilespmem:s18], [sflag:$0x2] =	stream.indirect_vreg.gather [hbm4b:s1+s4], $0x80, v3, vm0, $0xb8;
	[tilespmem:$0x1AE00] =	vst v63  }
0x123: {  	v3 =	vld.msk [tilespmem:$0x2BE0], $0xff;
	_ =	sdelay $0x4  }
0x124: {  	v63 =	vshll.u32 v3, $0x1  }
0x125: {  	v3 =	vand.u32 $0x7, v3;
	v4 =	vand.u32 $0xFFFFFFF0, v63  }
0x126: {  	v3 =	vor.u32 v3, v4  }
0x127: {  	v3 =	vperm.xlane v3, v0;
	_ =	sdelay $0x1  }
0x128: {  	v3 =	vadd.s32 v1, v3  }
.Ltmp2:
0x129: {  	_ = 	snop;
	(pc) =	sbr.rel .LBB2_2-.Ltmp2, $3  }
0x12a: {  	_ =	sdelay $0x1  }
0x12b: {  	s9 =	simm.s32 $0x0  }
0x12c: {  	[tilespmem:s19], [sflag:$0x2] =	stream.indirect_vreg.gather [hbm4b:s1+s4], $0x80, v3, vm0, $0xb8;
	[tilespmem:$0x1AE00] =	vst v63  }
.LBB2_10:
0x12d: {  	s5 =	sshll.u32 s10, $0x7  }
0x12e: {  	s5 =	sand.u32 $0x3FFFFF80, s5  }
0x12f: {  	v3 =	vld [tilespmem:s5+$0x19A00];
	_ =	sdelay $0x4  }
0x130: {  	v4 =	vshll.u32 v3, $0x1  }
0x131: {  	v3 =	vand.u32 $0x7, v3;
	v4 =	vand.u32 $0xFFFFFFF0, v4  }
0x132: {  	v3 =	vor.u32 v3, v4  }
0x133: {  	v4 =	vperm.xlane v3, v0;
	_ =	sdelay $0x1  }
0x134: {  	v3 =	vperm.xlane v3, v2;
	v4 =	vadd.s32 v1, v4;
	_ =	sdelay $0x1  }
0x135: {  	v3 =	vadd.s32 v1, v3;
	_ =	sdelay $0x2  }
0x136: {  	[hbm4b:s3+s4] =	stream.indirect_vreg.scatter [tilespmem:s22], [sflag:$0x3], $0x80, v4, vm0, $0xb8;
	[tilespmem:$0x1AE00] =	vst v63  }
0x137: {  	_ = 	snop  }
0x138: {  	[hbm4b:s3+s4] =	stream.indirect_vreg.scatter [tilespmem:s23], [sflag:$0x3], $0x80, v3, vm0, $0xb8;
	[tilespmem:$0x1AE00] =	vst v63  }
0x139: {  	v3 =	vld [tilespmem:s5+$0x19A10];
	_ =	sdelay $0x4  }
0x13a: {  	v62 =	vshll.u32 v3, $0x1  }
0x13b: {  	v3 =	vand.u32 $0x7, v3;
	v4 =	vand.u32 $0xFFFFFFF0, v62  }
0x13c: {  	v3 =	vor.u32 v3, v4  }
0x13d: {  	v4 =	vperm.xlane v3, v0;
	_ =	sdelay $0x1  }
0x13e: {  	v3 =	vperm.xlane v3, v2;
	v4 =	vadd.s32 v1, v4;
	_ =	sdelay $0x1  }
0x13f: {  	v3 =	vadd.s32 v1, v3;
	_ =	sdelay $0x2  }
0x140: {  	[hbm4b:s3+s4] =	stream.indirect_vreg.scatter [tilespmem:s6], [sflag:$0x3], $0x80, v4, vm0, $0xb8;
	[tilespmem:$0x1AE00] =	vst v63  }
0x141: {  	_ = 	snop  }
0x142: {  	[hbm4b:s3+s4] =	stream.indirect_vreg.scatter [tilespmem:s7], [sflag:$0x3], $0x80, v3, vm0, $0xb8;
	[tilespmem:$0x1AE00] =	vst v63  }
0x143: {  	v3 =	vld.msk [tilespmem:s5+$0x19A20], $0xff;
	_ =	sdelay $0x4  }
0x144: {  	v63 =	vshll.u32 v3, $0x1  }
0x145: {  	v3 =	vand.u32 $0x7, v3;
	v4 =	vand.u32 $0xFFFFFFF0, v63  }
0x146: {  	v3 =	vor.u32 v3, v4  }
0x147: {  	v3 =	vperm.xlane v3, v0;
	_ =	sdelay $0x1  }
0x148: {  	v3 =	vadd.s32 v1, v3;
	_ =	sdelay $0x2  }
0x149: {  	p0 =	sne.s32 s9, $0x28  }
.Ltmp3:
0x14a: {  	_ = 	snop;
	(pc) =	sbr.rel @!p0 .LBB2_11-.Ltmp3, $4  }
0x14b: {  	[hbm4b:s3+s4] =	stream.indirect_vreg.scatter [tilespmem:s8], [sflag:$0x3], $0x80, v3, vm0, $0xb8;
	[tilespmem:$0x1AE00] =	vst v63  }
0x14c: {  	_ =	swait.ge [sflag:s15], $0x2800  }
0x14d: {  	[sflag:s15] =	ssyncset.done $0x0  }
0x14e: {  	[sflag:s15] =	ssyncadd.s32 $0xFFFFD800  }
.LBB2_2:
0x14f: {  	_ =	swait.ge [sflag:s20], $0x2800  }
0x150: {  	[sflag:s20] =	ssyncset.done $0x0  }
0x151: {  	[sflag:s20] =	ssyncadd.s32 $0xFFFFD800  }
0x152: {  	_ =	swait.ge [sflag:s20], $0x2800  }
0x153: {  	[sflag:s20] =	ssyncset.done $0x0  }
0x154: {  	[sflag:s20] =	ssyncadd.s32 $0xFFFFD800  }
0x155: {  	_ =	swait.ge [sflag:s20], $0x2800  }
0x156: {  	[sflag:s20] =	ssyncset.done $0x0  }
0x157: {  	[sflag:s20] =	ssyncadd.s32 $0xFFFFD800  }
0x158: {  	s5 =	simm.s32 $0x0;
	_ =	swait.ge [sflag:s20], $0x2800  }
0x159: {  	s10 =	sand.u32 $0x3800, s5;
	s5 =	sand.u32 $0x380, s5;
	[sflag:s20] =	ssyncset.done $0x0  }
0x15a: {  	s11 =	sor.u32 s5, s10;
	[sflag:s20] =	ssyncadd.s32 $0xFFFFD800  }
0x15b: {  	v3 =	vld [tilespmem:s11+$0x3670]  }
0x15c: {  	v4 =	vld [tilespmem:s11+$0x5E70]  }
0x15d: {  	v5 =	vld [tilespmem:s11+$0x3200]  }
0x15e: {  	v6 =	vld [tilespmem:s11+$0x8670]  }
0x15f: {  	v7 =	vld [tilespmem:s11+$0x5A00]  }
0x160: {  	v8 =	vld [tilespmem:s11+$0xAE70]  }
0x161: {  	v9 =	vld [tilespmem:s11+$0x3210]  }
0x162: {  	v10 =	vld [tilespmem:s11+$0x3220]  }
0x163: {  	v11 =	vld [tilespmem:s11+$0x3230]  }
0x164: {  	v12 =	vld [tilespmem:s11+$0x3240]  }
0x165: {  	v13 =	vld [tilespmem:s11+$0x3250]  }
0x166: {  	v14 =	vld [tilespmem:s11+$0x5A50]  }
0x167: {  	v15 =	vld [tilespmem:s11+$0x3260]  }
0x168: {  	v16 =	vld [tilespmem:s11+$0x5A60]  }
0x169: {  	v17 =	vld [tilespmem:s11+$0x3270]  }
0x16a: {  	v18 =	vld [tilespmem:s11+$0x5A70]  }
0x16b: {  	v19 =	vld [tilespmem:s11+$0x3600]  }
0x16c: {  	v20 =	vld [tilespmem:s11+$0x5E00]  }
0x16d: {  	v21 =	vld [tilespmem:s11+$0x3610]  }
0x16e: {  	v22 =	vld [tilespmem:s11+$0x5E10]  }
0x16f: {  	v23 =	vld [tilespmem:s11+$0x3620]  }
0x170: {  	v24 =	vld [tilespmem:s11+$0x5E20]  }
0x171: {  	v25 =	vld [tilespmem:s11+$0x3630]  }
0x172: {  	v26 =	vld [tilespmem:s11+$0x5E30]  }
0x173: {  	v27 =	vld [tilespmem:s11+$0x3640]  }
0x174: {  	v28 =	vld [tilespmem:s11+$0x5E40]  }
0x175: {  	v29 =	vld [tilespmem:s11+$0x3650]  }
0x176: {  	v30 =	vld [tilespmem:s11+$0x5E50]  }
0x177: {  	v31 =	vld [tilespmem:s11+$0x3660]  }
0x178: {  	v32 =	vld [tilespmem:s11+$0x5E60]  }
0x179: {  	v33 =	vld [tilespmem:s11+$0x8200]  }
0x17a: {  	v34 =	vld [tilespmem:s11+$0x8210]  }
0x17b: {  	v35 =	vld [tilespmem:s11+$0x8220]  }
0x17c: {  	v36 =	vld [tilespmem:s11+$0x8230]  }
0x17d: {  	v37 =	vld [tilespmem:s11+$0x8240]  }
0x17e: {  	v38 =	vld [tilespmem:s11+$0x8250]  }
0x17f: {  	v39 =	vld [tilespmem:s11+$0x8260]  }
0x180: {  	v40 =	vld [tilespmem:s11+$0x8270]  }
0x181: {  	v41 =	vld [tilespmem:s11+$0x8600]  }
0x182: {  	v42 =	vld [tilespmem:s11+$0x8610]  }
0x183: {  	v48 =	vld [tilespmem:s11+$0xAA00]  }
0x184: {  	v43 =	vld [tilespmem:s11+$0x8620];
	v3 =	vadd.f32 v4, v3;
	v5 =	vadd.f32 v7, v5  }
0x185: {  	v4 =	vld [tilespmem:s11+$0x5A10]  }
0x186: {  	v3 =	vadd.f32 v6, v3;
	v6 =	vld [tilespmem:s11+$0x5A20];
	v5 =	vadd.f32 v33, v5  }
0x187: {  	v44 =	vld [tilespmem:s11+$0x8630];
	v60 =	vadd.f32 v26, v25  }
0x188: {  	v3 =	vadd.f32 v8, v3;
	v8 =	vld [tilespmem:s11+$0x5A30];
	v5 =	vadd.f32 v48, v5  }
0x189: {  	v7 =	vld [tilespmem:s11+$0xAA10];
	v61 =	vadd.f32 v28, v27;
	v62 =	vadd.f32 v32, v31  }
0x18a: {  	v58 =	vld [tilespmem:s11+$0xAA50];
	v4 =	vadd.f32 v4, v9;
	[tilespmem:s11+$0x17200] =	vst v5;
	v5 =	vadd.f32 v14, v13  }
0x18b: {  	[tilespmem:s11+$0x17670] =	vst v3;
	v3 =	vld [tilespmem:s11+$0x5A40];
	v13 =	vadd.f32 v20, v19;
	v6 =	vadd.f32 v6, v10  }
0x18c: {  	v49 =	vld [tilespmem:s11+$0xAA20];
	v4 =	vadd.f32 v34, v4;
	v5 =	vadd.f32 v38, v5  }
0x18d: {  	v45 =	vld [tilespmem:s11+$0x8640];
	v13 =	vadd.f32 v41, v13;
	v8 =	vadd.f32 v8, v11  }
0x18e: {  	v14 =	vld [tilespmem:s11+$0xAE00];
	v6 =	vadd.f32 v35, v6;
	v4 =	vadd.f32 v7, v4  }
0x18f: {  	v9 =	vld [tilespmem:s11+$0xAA30];
	v7 =	vadd.f32 v16, v15;
	v15 =	vadd.f32 v24, v23  }
0x190: {  	v10 =	vld [tilespmem:s11+$0xAA40];
	v5 =	vadd.f32 v58, v5;
	v3 =	vadd.f32 v3, v12  }
0x191: {  	v11 =	vld [tilespmem:s11+$0xAA60];
	v8 =	vadd.f32 v36, v8;
	v6 =	vadd.f32 v49, v6  }
0x192: {  	v46 =	vld [tilespmem:s11+$0x8650];
	[tilespmem:s11+$0x17210] =	vst v4;
	v4 =	vadd.f32 v18, v17;
	v7 =	vadd.f32 v39, v7  }
0x193: {  	v12 =	vld [tilespmem:s11+$0xAA70];
	v13 =	vadd.f32 v14, v13;
	[tilespmem:s11+$0x17250] =	vst v5;
	v5 =	vadd.f32 v45, v61  }
0x194: {  	v59 =	vld [tilespmem:s11+$0xAE10];
	v3 =	vadd.f32 v37, v3;
	v8 =	vadd.f32 v9, v8  }
0x195: {  	v47 =	vld [tilespmem:s11+$0x8660];
	[tilespmem:s11+$0x17220] =	vst v6;
	v6 =	vadd.f32 v22, v21;
	v4 =	vadd.f32 v40, v4  }
0x196: {  	v7 =	vadd.f32 v11, v7;
	v3 =	vadd.f32 v10, v3;
	[tilespmem:s11+$0x17230] =	vst v8;
	v8 =	vld [tilespmem:s11+$0xAE20]  }
0x197: {  	v9 =	vld [tilespmem:s11+$0xAE30];
	v63 =	vadd.f32 v42, v6;
	v6 =	vadd.f32 v43, v15  }
0x198: {  	s25 =	simm.s32 $0x100;
	s5 =	simm.s32 $0x80;
	v10 =	vld [tilespmem:s11+$0xAE40];
	v12 =	vadd.f32 v12, v4;
	[tilespmem:s11+$0x17240] =	vst v3;
	v3 =	vadd.f32 v30, v29  }
0x199: {  	s12 =	sand.u32 $0x3800, s25;
	s13 =	sand.u32 $0x380, s5;
	v11 =	vld [tilespmem:s11+$0xAE50];
	[tilespmem:s11+$0x17260] =	vst v7;
	v7 =	vadd.f32 v44, v60;
	v14 =	vadd.f32 v59, v63  }
0x19a: {  	s10 =	smov.u32 s9;
	s9 =	simm.s32 $0x200;
	s12 =	sor.u32 s13, s12;
	[tilespmem:s11+$0x17270] =	vst v12;
	v12 =	vld [tilespmem:s11+$0xAE60];
	v4 =	vadd.f32 v46, v3;
	v3 =	vadd.f32 v47, v62  }
.LBB2_3:
0x19b: {  	p0 =	sne.s32 s9, $0x2700;
	v15 =	vld [tilespmem:s12+$0x3670];
	[tilespmem:s11+$0x17600] =	vst v13;
	v6 =	vadd.f32 v8, v6  }
0x19c: {  	v8 =	vld [tilespmem:s12+$0x5E70];
	[tilespmem:s11+$0x17610] =	vst v14;
	v7 =	vadd.f32 v9, v7  }
0x19d: {  	v9 =	vld [tilespmem:s12+$0x3200];
	[tilespmem:s11+$0x17620] =	vst v6;
	v5 =	vadd.f32 v10, v5  }
0x19e: {  	v6 =	vld [tilespmem:s12+$0x8670];
	[tilespmem:s11+$0x17630] =	vst v7;
	v4 =	vadd.f32 v11, v4  }
0x19f: {  	v7 =	vld [tilespmem:s12+$0x5A00];
	[tilespmem:s11+$0x17640] =	vst v5;
	v3 =	vadd.f32 v12, v3  }
0x1a0: {  	v5 =	vld [tilespmem:s12+$0xAE70];
	[tilespmem:s11+$0x17650] =	vst v4  }
0x1a1: {  	v4 =	vld [tilespmem:s12+$0x3210];
	v8 =	vadd.f32 v8, v15;
	[tilespmem:s11+$0x17660] =	vst v3;
	s11 =	smov.u32 s12  }
0x1a2: {  	v3 =	vld [tilespmem:s11+$0x5A10]  }
0x1a3: {  	v10 =	vld [tilespmem:s11+$0x3220];
	v6 =	vadd.f32 v6, v8  }
0x1a4: {  	v7 =	vadd.f32 v7, v9;
	v8 =	vld [tilespmem:s11+$0x5A20]  }
0x1a5: {  	v9 =	vld [tilespmem:s11+$0x3230];
	v5 =	vadd.f32 v5, v6  }
0x1a6: {  	v6 =	vld [tilespmem:s11+$0x5A30]  }
0x1a7: {  	v3 =	vadd.f32 v3, v4;
	v4 =	vld [tilespmem:s11+$0x3240];
	[tilespmem:s11+$0x17670] =	vst v5  }
0x1a8: {  	v5 =	vld [tilespmem:s11+$0x5A40]  }
0x1a9: {  	v8 =	vadd.f32 v8, v10;
	v10 =	vld [tilespmem:s11+$0x3250]  }
0x1aa: {  	v11 =	vld [tilespmem:s11+$0x5A50]  }
0x1ab: {  	v6 =	vadd.f32 v6, v9;
	v9 =	vld [tilespmem:s11+$0x3260]  }
0x1ac: {  	v12 =	vld [tilespmem:s11+$0x5A60]  }
0x1ad: {  	v4 =	vadd.f32 v5, v4;
	v5 =	vld [tilespmem:s11+$0x3270]  }
0x1ae: {  	v13 =	vld [tilespmem:s11+$0x5A70]  }
0x1af: {  	v10 =	vadd.f32 v11, v10;
	v11 =	vld [tilespmem:s11+$0x3600]  }
0x1b0: {  	v14 =	vld [tilespmem:s11+$0x5E00]  }
0x1b1: {  	v9 =	vadd.f32 v12, v9;
	v12 =	vld [tilespmem:s11+$0x3610]  }
0x1b2: {  	v15 =	vld [tilespmem:s11+$0x5E10]  }
0x1b3: {  	v5 =	vadd.f32 v13, v5;
	v13 =	vld [tilespmem:s11+$0x3620]  }
0x1b4: {  	v16 =	vld [tilespmem:s11+$0x5E20]  }
0x1b5: {  	v11 =	vadd.f32 v14, v11;
	v14 =	vld [tilespmem:s11+$0x3630]  }
0x1b6: {  	v17 =	vld [tilespmem:s11+$0x5E30]  }
0x1b7: {  	v12 =	vadd.f32 v15, v12;
	v15 =	vld [tilespmem:s11+$0x3640]  }
0x1b8: {  	v18 =	vld [tilespmem:s11+$0x5E40]  }
0x1b9: {  	v13 =	vadd.f32 v16, v13;
	v16 =	vld [tilespmem:s11+$0x3650]  }
0x1ba: {  	v19 =	vld [tilespmem:s11+$0x5E50]  }
0x1bb: {  	v14 =	vadd.f32 v17, v14;
	v17 =	vld [tilespmem:s11+$0x3660]  }
0x1bc: {  	v20 =	vld [tilespmem:s11+$0x5E60]  }
0x1bd: {  	v21 =	vld [tilespmem:s11+$0x8200];
	v15 =	vadd.f32 v18, v15  }
0x1be: {  	v18 =	vld [tilespmem:s11+$0x8210]  }
0x1bf: {  	v22 =	vld [tilespmem:s11+$0x8220];
	v16 =	vadd.f32 v19, v16  }
0x1c0: {  	v19 =	vld [tilespmem:s11+$0x8230]  }
0x1c1: {  	v23 =	vld [tilespmem:s11+$0x8240];
	v17 =	vadd.f32 v20, v17  }
0x1c2: {  	v20 =	vadd.f32 v21, v7;
	v7 =	vld [tilespmem:s11+$0x8250]  }
0x1c3: {  	v18 =	vadd.f32 v18, v3;
	v3 =	vld [tilespmem:s11+$0x8260]  }
0x1c4: {  	v8 =	vadd.f32 v22, v8;
	v21 =	vld [tilespmem:s11+$0x8270]  }
0x1c5: {  	v19 =	vadd.f32 v19, v6;
	v6 =	vld [tilespmem:s11+$0x8600]  }
0x1c6: {  	v22 =	vadd.f32 v23, v4;
	v4 =	vld [tilespmem:s11+$0x8610]  }
0x1c7: {  	v10 =	vadd.f32 v7, v10;
	v7 =	vld [tilespmem:s11+$0x8620]  }
0x1c8: {  	v9 =	vadd.f32 v3, v9;
	v3 =	vld [tilespmem:s11+$0x8630]  }
0x1c9: {  	v21 =	vadd.f32 v21, v5;
	v5 =	vld [tilespmem:s11+$0x8640]  }
0x1ca: {  	v11 =	vadd.f32 v6, v11;
	v23 =	vld [tilespmem:s11+$0x8650]  }
0x1cb: {  	v12 =	vadd.f32 v4, v12;
	v24 =	vld [tilespmem:s11+$0x8660]  }
0x1cc: {  	v25 =	vld [tilespmem:s11+$0xAA00];
	v6 =	vadd.f32 v7, v13  }
0x1cd: {  	v13 =	vld [tilespmem:s11+$0xAA10];
	v7 =	vadd.f32 v3, v14  }
0x1ce: {  	v14 =	vld [tilespmem:s11+$0xAA20];
	v5 =	vadd.f32 v5, v15  }
0x1cf: {  	v15 =	vld [tilespmem:s11+$0xAA30];
	v4 =	vadd.f32 v23, v16  }
0x1d0: {  	v16 =	vld [tilespmem:s11+$0xAA40];
	v3 =	vadd.f32 v24, v17  }
0x1d1: {  	v17 =	vadd.f32 v25, v20;
	v20 =	vld [tilespmem:s11+$0xAA50]  }
0x1d2: {  	v13 =	vadd.f32 v13, v18;
	v18 =	vld [tilespmem:s11+$0xAA60]  }
0x1d3: {  	[tilespmem:s11+$0x17200] =	vst v17;
	v8 =	vadd.f32 v14, v8;
	v14 =	vld [tilespmem:s11+$0xAA70]  }
0x1d4: {  	[tilespmem:s11+$0x17210] =	vst v13;
	v13 =	vadd.f32 v15, v19;
	v15 =	vld [tilespmem:s11+$0xAE00]  }
0x1d5: {  	[tilespmem:s11+$0x17220] =	vst v8;
	v16 =	vadd.f32 v16, v22;
	v17 =	vld [tilespmem:s11+$0xAE10]  }
.Ltmp4:
0x1d6: {  	[tilespmem:s11+$0x17230] =	vst v13;
	v10 =	vadd.f32 v20, v10;
	v8 =	vld [tilespmem:s11+$0xAE20];
	(pc) =	sbr.rel @p0 .LBB2_3-.Ltmp4, $4  }
0x1d7: {  	[tilespmem:s11+$0x17240] =	vst v16;
	v13 =	vadd.f32 v18, v9;
	v9 =	vld [tilespmem:s11+$0xAE30]  }
0x1d8: {  	s5 =	sadd.s32 $0x80, s5;
	[tilespmem:s11+$0x17250] =	vst v10;
	v14 =	vadd.f32 v14, v21;
	v10 =	vld [tilespmem:s11+$0xAE40]  }
0x1d9: {  	s13 =	sand.u32 $0x380, s5;
	s12 =	sand.u32 $0x3800, s9;
	[tilespmem:s11+$0x17260] =	vst v13;
	v13 =	vadd.f32 v15, v11;
	v11 =	vld [tilespmem:s11+$0xAE50]  }
0x1da: {  	s9 =	sadd.s32 $0x100, s9;
	s12 =	sor.u32 s13, s12;
	[tilespmem:s11+$0x17270] =	vst v14;
	v14 =	vadd.f32 v17, v12;
	v12 =	vld [tilespmem:s11+$0xAE60]  }
0x1db: {  	v15 =	vld [tilespmem:s12+$0x3670];
	[tilespmem:s11+$0x17600] =	vst v13;
	v6 =	vadd.f32 v8, v6  }
0x1dc: {  	v13 =	vld [tilespmem:s12+$0x5E70];
	[tilespmem:s11+$0x17610] =	vst v14;
	v7 =	vadd.f32 v9, v7  }
0x1dd: {  	v60 =	vld [tilespmem:s12+$0x3200];
	[tilespmem:s11+$0x17620] =	vst v6;
	v5 =	vadd.f32 v10, v5  }
0x1de: {  	v6 =	vld [tilespmem:s12+$0x8670];
	[tilespmem:s11+$0x17630] =	vst v7;
	v4 =	vadd.f32 v11, v4  }
0x1df: {  	v7 =	vld [tilespmem:s12+$0x5A00];
	[tilespmem:s11+$0x17640] =	vst v5;
	v3 =	vadd.f32 v12, v3  }
0x1e0: {  	v5 =	vld [tilespmem:s12+$0xAE70];
	[tilespmem:s11+$0x17650] =	vst v4  }
0x1e1: {  	v4 =	vld [tilespmem:s12+$0x3210];
	[tilespmem:s11+$0x17660] =	vst v3  }
0x1e2: {  	v61 =	vld [tilespmem:s12+$0x5A10]  }
0x1e3: {  	v62 =	vld [tilespmem:s12+$0x3220]  }
0x1e4: {  	v63 =	vld [tilespmem:s12+$0x5A20]  }
0x1e5: {  	v52 =	vld [tilespmem:s12+$0x3230]  }
0x1e6: {  	v53 =	vld [tilespmem:s12+$0x5A30]  }
0x1e7: {  	v54 =	vld [tilespmem:s12+$0x3240]  }
0x1e8: {  	v55 =	vld [tilespmem:s12+$0x3250]  }
0x1e9: {  	v14 =	vld [tilespmem:s12+$0x5A50]  }
0x1ea: {  	v56 =	vld [tilespmem:s12+$0x3260]  }
0x1eb: {  	v16 =	vld [tilespmem:s12+$0x5A60]  }
0x1ec: {  	v17 =	vld [tilespmem:s12+$0x3270]  }
0x1ed: {  	v18 =	vld [tilespmem:s12+$0x5A70]  }
0x1ee: {  	v19 =	vld [tilespmem:s12+$0x3600]  }
0x1ef: {  	v20 =	vld [tilespmem:s12+$0x5E00]  }
0x1f0: {  	v21 =	vld [tilespmem:s12+$0x3610]  }
0x1f1: {  	v22 =	vld [tilespmem:s12+$0x5E10]  }
0x1f2: {  	v23 =	vld [tilespmem:s12+$0x3620]  }
0x1f3: {  	v24 =	vld [tilespmem:s12+$0x5E20]  }
0x1f4: {  	v25 =	vld [tilespmem:s12+$0x3630]  }
0x1f5: {  	v26 =	vld [tilespmem:s12+$0x5E30]  }
0x1f6: {  	v27 =	vld [tilespmem:s12+$0x3640]  }
0x1f7: {  	v28 =	vld [tilespmem:s12+$0x5E40]  }
0x1f8: {  	v29 =	vld [tilespmem:s12+$0x3650]  }
0x1f9: {  	v30 =	vld [tilespmem:s12+$0x5E50]  }
0x1fa: {  	v31 =	vld [tilespmem:s12+$0x3660]  }
0x1fb: {  	v32 =	vld [tilespmem:s12+$0x5E60]  }
0x1fc: {  	v33 =	vld [tilespmem:s12+$0x8200]  }
0x1fd: {  	v34 =	vld [tilespmem:s12+$0x8210]  }
0x1fe: {  	v35 =	vld [tilespmem:s12+$0x8220]  }
0x1ff: {  	v36 =	vld [tilespmem:s12+$0x8230]  }
0x200: {  	v37 =	vld [tilespmem:s12+$0x8240]  }
0x201: {  	v38 =	vld [tilespmem:s12+$0x8250]  }
0x202: {  	v39 =	vld [tilespmem:s12+$0x8260]  }
0x203: {  	v40 =	vld [tilespmem:s12+$0x8270]  }
0x204: {  	v3 =	vadd.f32 v13, v15;
	v41 =	vld [tilespmem:s12+$0x8600]  }
0x205: {  	v42 =	vld [tilespmem:s12+$0x8610]  }
0x206: {  	v43 =	vld [tilespmem:s12+$0x8620];
	v3 =	vadd.f32 v6, v3  }
0x207: {  	v44 =	vld [tilespmem:s12+$0x8630];
	v7 =	vadd.f32 v7, v60  }
0x208: {  	v48 =	vld [tilespmem:s12+$0xAA00];
	v3 =	vadd.f32 v5, v3  }
0x209: {  	v45 =	vld [tilespmem:s12+$0x8640];
	v4 =	vadd.f32 v61, v4;
	v7 =	vadd.f32 v33, v7  }
0x20a: {  	v57 =	vld [tilespmem:s12+$0xAA10];
	v6 =	vadd.f32 v63, v62;
	v5 =	vadd.f32 v53, v52  }
0x20b: {  	v49 =	vld [tilespmem:s12+$0xAA20];
	v63 =	vadd.f32 v14, v55;
	v51 =	vadd.f32 v26, v25  }
0x20c: {  	[tilespmem:s12+$0x17670] =	vst v3;
	v3 =	vld [tilespmem:s12+$0x5A40];
	v53 =	vadd.f32 v28, v27;
	v4 =	vadd.f32 v34, v4  }
0x20d: {  	v58 =	vld [tilespmem:s12+$0xAA30];
	v7 =	vadd.f32 v48, v7;
	v6 =	vadd.f32 v35, v6  }
0x20e: {  	v46 =	vld [tilespmem:s12+$0x8650];
	v5 =	vadd.f32 v36, v5;
	v35 =	vadd.f32 v16, v56  }
0x20f: {  	v47 =	vld [tilespmem:s12+$0x8660];
	v36 =	vadd.f32 v18, v17;
	v48 =	vadd.f32 v20, v19  }
0x210: {  	v59 =	vld [tilespmem:s12+$0xAA40];
	v56 =	vadd.f32 v32, v31;
	v4 =	vadd.f32 v57, v4  }
0x211: {  	v62 =	vld [tilespmem:s12+$0xAA70];
	v6 =	vadd.f32 v49, v6;
	v3 =	vadd.f32 v3, v54  }
0x212: {  	v60 =	vld [tilespmem:s12+$0xAA50];
	v5 =	vadd.f32 v58, v5;
	v49 =	vadd.f32 v22, v21  }
0x213: {  	v61 =	vld [tilespmem:s12+$0xAA60];
	[tilespmem:s12+$0x17200] =	vst v7;
	v9 =	vadd.f32 v40, v36;
	v3 =	vadd.f32 v37, v3  }
0x214: {  	v34 =	vld [tilespmem:s12+$0xAE00];
	v54 =	vadd.f32 v30, v29;
	[tilespmem:s12+$0x17210] =	vst v4;
	v4 =	vadd.f32 v38, v63  }
0x215: {  	v58 =	vld [tilespmem:s12+$0xAE50];
	[tilespmem:s12+$0x17220] =	vst v6;
	v6 =	vadd.f32 v39, v35;
	v3 =	vadd.f32 v59, v3  }
0x216: {  	v50 =	vld [tilespmem:s12+$0xAE20];
	[tilespmem:s12+$0x17230] =	vst v5;
	v5 =	vadd.f32 v41, v48;
	v7 =	vadd.f32 v62, v9  }
0x217: {  	v52 =	vld [tilespmem:s12+$0xAE30];
	v4 =	vadd.f32 v60, v4;
	[tilespmem:s12+$0x17240] =	vst v3;
	v3 =	vadd.f32 v24, v23  }
0x218: {  	v55 =	vld [tilespmem:s12+$0xAE40];
	v62 =	vadd.f32 v46, v54;
	v6 =	vadd.f32 v61, v6;
	[tilespmem:s12+$0x17270] =	vst v7  }
0x219: {  	v37 =	vld [tilespmem:s12+$0xAE10];
	v5 =	vadd.f32 v34, v5;
	[tilespmem:s12+$0x17250] =	vst v4;
	v3 =	vadd.f32 v43, v3  }
0x21a: {  	v61 =	vld [tilespmem:s12+$0xAE60];
	v59 =	vadd.f32 v44, v51;
	v63 =	vadd.f32 v58, v62;
	[tilespmem:s12+$0x17260] =	vst v6  }
0x21b: {  	v4 =	vadd.f32 v45, v53;
	[tilespmem:s12+$0x17600] =	vst v5;
	v3 =	vadd.f32 v50, v3  }
0x21c: {  	p0 =	seq.s32 s10, $0x27;
	v57 =	vadd.f32 v42, v49;
	v7 =	vadd.f32 v52, v59;
	[tilespmem:s12+$0x17650] =	vst v63  }
.Ltmp5:
0x21d: {  	v6 =	vadd.f32 v47, v56;
	[tilespmem:s12+$0x17620] =	vst v3;
	v3 =	vadd.f32 v55, v4;
	(pc) =	sbr.rel @p0 .LBB2_6-.Ltmp5, $4  }
0x21e: {  	v60 =	vadd.f32 v37, v57;
	[tilespmem:s12+$0x17630] =	vst v7  }
0x21f: {  	[tilespmem:s12+$0x17640] =	vst v3;
	v3 =	vadd.f32 v61, v6  }
0x220: {  	[tilespmem:s12+$0x17610] =	vst v60  }
0x221: {  	s9 =	sadd.s32 $0x1, s10;
	[tilespmem:s12+$0x17660] =	vst v3  }
0x222: {  	s5 =	smul.u32 $0xA0, s9;
	_ =	sdelay $0x1  }
0x223: {  	s5 =	sshra.s32 s5, $0x2  }
0x224: {  	v3 =	vld [tilespmem:s5+$0x0];
	_ =	sdelay $0x4  }
0x225: {  	v4 =	vshll.u32 v3, $0x1  }
0x226: {  	v3 =	vand.u32 $0x7, v3;
	v4 =	vand.u32 $0xFFFFFFF0, v4  }
0x227: {  	v3 =	vor.u32 v3, v4  }
0x228: {  	v4 =	vperm.xlane v3, v0;
	_ =	sdelay $0x1  }
0x229: {  	v3 =	vperm.xlane v3, v2;
	v4 =	vadd.s32 v1, v4;
	_ =	sdelay $0x1  }
0x22a: {  	v3 =	vadd.s32 v1, v3;
	_ =	sdelay $0x1  }
0x22b: {  	s11 =	simm.s32 $0x3200  }
0x22c: {  	[tilespmem:s11], [sflag:$0x1] =	stream.indirect_vreg.gather [hbm4b:s1+s4], $0x80, v4, vm0, $0xb8;
	[tilespmem:$0x1AE00] =	vst v63  }
0x22d: {  	s13 =	simm.s32 $0x3A00  }
0x22e: {  	[tilespmem:s13], [sflag:$0x1] =	stream.indirect_vreg.gather [hbm4b:s1+s4], $0x80, v3, vm0, $0xb8;
	[tilespmem:$0x1AE00] =	vst v63  }
0x22f: {  	v3 =	vld [tilespmem:s5+$0x10];
	_ =	sdelay $0x4  }
0x230: {  	v53 =	vshll.u32 v3, $0x1  }
0x231: {  	v3 =	vand.u32 $0x7, v3;
	v4 =	vand.u32 $0xFFFFFFF0, v53  }
0x232: {  	v3 =	vor.u32 v3, v4  }
0x233: {  	v4 =	vperm.xlane v3, v0;
	_ =	sdelay $0x1  }
0x234: {  	v3 =	vperm.xlane v3, v2;
	v4 =	vadd.s32 v1, v4;
	_ =	sdelay $0x1  }
0x235: {  	v3 =	vadd.s32 v1, v3;
	_ =	sdelay $0x1  }
0x236: {  	s14 =	simm.s32 $0x4200  }
0x237: {  	[tilespmem:s14], [sflag:$0x1] =	stream.indirect_vreg.gather [hbm4b:s1+s4], $0x80, v4, vm0, $0xb8;
	[tilespmem:$0x1AE00] =	vst v63  }
0x238: {  	s24 =	simm.s32 $0x4A00  }
0x239: {  	[tilespmem:s24], [sflag:$0x1] =	stream.indirect_vreg.gather [hbm4b:s1+s4], $0x80, v3, vm0, $0xb8;
	[tilespmem:$0x1AE00] =	vst v63  }
0x23a: {  	v3 =	vld.msk [tilespmem:s5+$0x20], $0xff;
	_ =	sdelay $0x4  }
0x23b: {  	v54 =	vshll.u32 v3, $0x1  }
0x23c: {  	v3 =	vand.u32 $0x7, v3;
	v4 =	vand.u32 $0xFFFFFFF0, v54  }
0x23d: {  	v3 =	vor.u32 v3, v4  }
0x23e: {  	v3 =	vperm.xlane v3, v0;
	_ =	sdelay $0x1  }
0x23f: {  	v3 =	vadd.s32 v1, v3;
	_ =	sdelay $0x3  }
0x240: {  	s25 =	simm.s32 $0x5200  }
0x241: {  	[tilespmem:s25], [sflag:$0x1] =	stream.indirect_vreg.gather [hbm4b:s1+s4], $0x80, v3, vm0, $0xb8;
	[tilespmem:$0x1AE00] =	vst v63  }
0x242: {  	v3 =	vld [tilespmem:s5+$0x640];
	_ =	sdelay $0x4  }
0x243: {  	v55 =	vshll.u32 v3, $0x1  }
0x244: {  	v3 =	vand.u32 $0x7, v3;
	v4 =	vand.u32 $0xFFFFFFF0, v55  }
0x245: {  	v3 =	vor.u32 v3, v4  }
0x246: {  	v4 =	vperm.xlane v3, v0;
	_ =	sdelay $0x1  }
0x247: {  	v3 =	vperm.xlane v3, v2;
	v4 =	vadd.s32 v1, v4;
	_ =	sdelay $0x1  }
0x248: {  	v3 =	vadd.s32 v1, v3;
	_ =	sdelay $0x1  }
0x249: {  	s12 =	simm.s32 $0x5A00  }
0x24a: {  	[tilespmem:s12], [sflag:$0x1] =	stream.indirect_vreg.gather [hbm4b:s1+s4], $0x80, v4, vm0, $0xb8;
	[tilespmem:$0x1AE00] =	vst v63  }
0x24b: {  	s13 =	simm.s32 $0x6200  }
0x24c: {  	[tilespmem:s13], [sflag:$0x1] =	stream.indirect_vreg.gather [hbm4b:s1+s4], $0x80, v3, vm0, $0xb8;
	[tilespmem:$0x1AE00] =	vst v63  }
0x24d: {  	v3 =	vld [tilespmem:s5+$0x650];
	_ =	sdelay $0x4  }
0x24e: {  	v56 =	vshll.u32 v3, $0x1  }
0x24f: {  	v3 =	vand.u32 $0x7, v3;
	v4 =	vand.u32 $0xFFFFFFF0, v56  }
0x250: {  	v3 =	vor.u32 v3, v4  }
0x251: {  	v4 =	vperm.xlane v3, v0;
	_ =	sdelay $0x1  }
0x252: {  	v3 =	vperm.xlane v3, v2;
	v4 =	vadd.s32 v1, v4;
	_ =	sdelay $0x1  }
0x253: {  	v3 =	vadd.s32 v1, v3;
	_ =	sdelay $0x1  }
0x254: {  	s14 =	simm.s32 $0x6A00  }
0x255: {  	[tilespmem:s14], [sflag:$0x1] =	stream.indirect_vreg.gather [hbm4b:s1+s4], $0x80, v4, vm0, $0xb8;
	[tilespmem:$0x1AE00] =	vst v63  }
0x256: {  	s24 =	simm.s32 $0x7200  }
0x257: {  	[tilespmem:s24], [sflag:$0x1] =	stream.indirect_vreg.gather [hbm4b:s1+s4], $0x80, v3, vm0, $0xb8;
	[tilespmem:$0x1AE00] =	vst v63  }
0x258: {  	v3 =	vld.msk [tilespmem:s5+$0x660], $0xff;
	_ =	sdelay $0x4  }
0x259: {  	v57 =	vshll.u32 v3, $0x1  }
0x25a: {  	v3 =	vand.u32 $0x7, v3;
	v4 =	vand.u32 $0xFFFFFFF0, v57  }
0x25b: {  	v3 =	vor.u32 v3, v4  }
0x25c: {  	v3 =	vperm.xlane v3, v0;
	_ =	sdelay $0x1  }
0x25d: {  	v3 =	vadd.s32 v1, v3;
	_ =	sdelay $0x3  }
0x25e: {  	s25 =	simm.s32 $0x7A00  }
0x25f: {  	[tilespmem:s25], [sflag:$0x1] =	stream.indirect_vreg.gather [hbm4b:s1+s4], $0x80, v3, vm0, $0xb8;
	[tilespmem:$0x1AE00] =	vst v63  }
0x260: {  	v3 =	vld [tilespmem:s5+$0xC80];
	_ =	sdelay $0x4  }
0x261: {  	v58 =	vshll.u32 v3, $0x1  }
0x262: {  	v3 =	vand.u32 $0x7, v3;
	v4 =	vand.u32 $0xFFFFFFF0, v58  }
0x263: {  	v3 =	vor.u32 v3, v4  }
0x264: {  	v4 =	vperm.xlane v3, v0;
	_ =	sdelay $0x1  }
0x265: {  	v3 =	vperm.xlane v3, v2;
	v4 =	vadd.s32 v1, v4;
	_ =	sdelay $0x1  }
0x266: {  	v3 =	vadd.s32 v1, v3;
	_ =	sdelay $0x1  }
0x267: {  	s12 =	simm.s32 $0x8200  }
0x268: {  	[tilespmem:s12], [sflag:$0x1] =	stream.indirect_vreg.gather [hbm4b:s1+s4], $0x80, v4, vm0, $0xb8;
	[tilespmem:$0x1AE00] =	vst v63  }
0x269: {  	s13 =	simm.s32 $0x8A00  }
0x26a: {  	[tilespmem:s13], [sflag:$0x1] =	stream.indirect_vreg.gather [hbm4b:s1+s4], $0x80, v3, vm0, $0xb8;
	[tilespmem:$0x1AE00] =	vst v63  }
0x26b: {  	v3 =	vld [tilespmem:s5+$0xC90];
	_ =	sdelay $0x4  }
0x26c: {  	v59 =	vshll.u32 v3, $0x1  }
0x26d: {  	v3 =	vand.u32 $0x7, v3;
	v4 =	vand.u32 $0xFFFFFFF0, v59  }
0x26e: {  	v3 =	vor.u32 v3, v4  }
0x26f: {  	v4 =	vperm.xlane v3, v0;
	_ =	sdelay $0x1  }
0x270: {  	v3 =	vperm.xlane v3, v2;
	v4 =	vadd.s32 v1, v4;
	_ =	sdelay $0x1  }
0x271: {  	v3 =	vadd.s32 v1, v3;
	_ =	sdelay $0x1  }
0x272: {  	s14 =	simm.s32 $0x9200  }
0x273: {  	[tilespmem:s14], [sflag:$0x1] =	stream.indirect_vreg.gather [hbm4b:s1+s4], $0x80, v4, vm0, $0xb8;
	[tilespmem:$0x1AE00] =	vst v63  }
0x274: {  	s24 =	simm.s32 $0x9A00  }
0x275: {  	[tilespmem:s24], [sflag:$0x1] =	stream.indirect_vreg.gather [hbm4b:s1+s4], $0x80, v3, vm0, $0xb8;
	[tilespmem:$0x1AE00] =	vst v63  }
0x276: {  	v3 =	vld.msk [tilespmem:s5+$0xCA0], $0xff;
	_ =	sdelay $0x4  }
0x277: {  	v60 =	vshll.u32 v3, $0x1  }
0x278: {  	v3 =	vand.u32 $0x7, v3;
	v4 =	vand.u32 $0xFFFFFFF0, v60  }
0x279: {  	v3 =	vor.u32 v3, v4  }
0x27a: {  	v3 =	vperm.xlane v3, v0;
	_ =	sdelay $0x1  }
0x27b: {  	v3 =	vadd.s32 v1, v3;
	_ =	sdelay $0x3  }
0x27c: {  	s25 =	simm.s32 $0xA200  }
0x27d: {  	[tilespmem:s25], [sflag:$0x1] =	stream.indirect_vreg.gather [hbm4b:s1+s4], $0x80, v3, vm0, $0xb8;
	[tilespmem:$0x1AE00] =	vst v63  }
0x27e: {  	v3 =	vld [tilespmem:s5+$0x12C0];
	_ =	sdelay $0x4  }
0x27f: {  	v61 =	vshll.u32 v3, $0x1  }
0x280: {  	v3 =	vand.u32 $0x7, v3;
	v4 =	vand.u32 $0xFFFFFFF0, v61  }
0x281: {  	v3 =	vor.u32 v3, v4  }
0x282: {  	v4 =	vperm.xlane v3, v0;
	_ =	sdelay $0x1  }
0x283: {  	v3 =	vperm.xlane v3, v2;
	v4 =	vadd.s32 v1, v4;
	_ =	sdelay $0x1  }
0x284: {  	v3 =	vadd.s32 v1, v3;
	_ =	sdelay $0x1  }
0x285: {  	s12 =	simm.s32 $0xAA00  }
0x286: {  	[tilespmem:s12], [sflag:$0x1] =	stream.indirect_vreg.gather [hbm4b:s1+s4], $0x80, v4, vm0, $0xb8;
	[tilespmem:$0x1AE00] =	vst v63  }
0x287: {  	s13 =	simm.s32 $0xB200  }
0x288: {  	[tilespmem:s13], [sflag:$0x1] =	stream.indirect_vreg.gather [hbm4b:s1+s4], $0x80, v3, vm0, $0xb8;
	[tilespmem:$0x1AE00] =	vst v63  }
0x289: {  	v3 =	vld [tilespmem:s5+$0x12D0];
	_ =	sdelay $0x4  }
0x28a: {  	v62 =	vshll.u32 v3, $0x1  }
0x28b: {  	v3 =	vand.u32 $0x7, v3;
	v4 =	vand.u32 $0xFFFFFFF0, v62  }
0x28c: {  	v3 =	vor.u32 v3, v4  }
0x28d: {  	v4 =	vperm.xlane v3, v0;
	_ =	sdelay $0x1  }
0x28e: {  	v3 =	vperm.xlane v3, v2;
	v4 =	vadd.s32 v1, v4;
	_ =	sdelay $0x1  }
0x28f: {  	v3 =	vadd.s32 v1, v3;
	_ =	sdelay $0x1  }
0x290: {  	s14 =	simm.s32 $0xBA00  }
0x291: {  	[tilespmem:s14], [sflag:$0x1] =	stream.indirect_vreg.gather [hbm4b:s1+s4], $0x80, v4, vm0, $0xb8;
	[tilespmem:$0x1AE00] =	vst v63  }
0x292: {  	s24 =	simm.s32 $0xC200  }
0x293: {  	[tilespmem:s24], [sflag:$0x1] =	stream.indirect_vreg.gather [hbm4b:s1+s4], $0x80, v3, vm0, $0xb8;
	[tilespmem:$0x1AE00] =	vst v63  }
0x294: {  	v3 =	vld.msk [tilespmem:s5+$0x12E0], $0xff;
	_ =	sdelay $0x4  }
0x295: {  	v63 =	vshll.u32 v3, $0x1  }
0x296: {  	v3 =	vand.u32 $0x7, v3;
	v4 =	vand.u32 $0xFFFFFFF0, v63  }
0x297: {  	v3 =	vor.u32 v3, v4  }
0x298: {  	v3 =	vperm.xlane v3, v0;
	_ =	sdelay $0x1  }
0x299: {  	v3 =	vadd.s32 v1, v3;
	_ =	sdelay $0x3  }
0x29a: {  	s25 =	simm.s32 $0xCA00  }
0x29b: {  	[tilespmem:s25], [sflag:$0x1] =	stream.indirect_vreg.gather [hbm4b:s1+s4], $0x80, v3, vm0, $0xb8;
	[tilespmem:$0x1AE00] =	vst v63  }
.LBB2_6:
0x29c: {  	_ =	swait.ge [sflag:s21], $0x2800  }
0x29d: {  	[sflag:s21] =	ssyncset.done $0x0  }
0x29e: {  	[sflag:s21] =	ssyncadd.s32 $0xFFFFD800  }
0x29f: {  	_ =	swait.ge [sflag:s21], $0x2800  }
0x2a0: {  	[sflag:s21] =	ssyncset.done $0x0  }
0x2a1: {  	[sflag:s21] =	ssyncadd.s32 $0xFFFFD800  }
0x2a2: {  	_ =	swait.ge [sflag:s21], $0x2800  }
0x2a3: {  	[sflag:s21] =	ssyncset.done $0x0  }
0x2a4: {  	[sflag:s21] =	ssyncadd.s32 $0xFFFFD800  }
0x2a5: {  	s5 =	simm.s32 $0x0;
	_ =	swait.ge [sflag:s21], $0x2800  }
0x2a6: {  	s11 =	sand.u32 $0x3800, s5;
	s5 =	sand.u32 $0x380, s5;
	[sflag:s21] =	ssyncset.done $0x0  }
0x2a7: {  	s11 =	sor.u32 s5, s11;
	[sflag:s21] =	ssyncadd.s32 $0xFFFFD800  }
0x2a8: {  	v3 =	vld [tilespmem:s11+$0x17200]  }
0x2a9: {  	v4 =	vld [tilespmem:s11+$0xD200];
	_ =	sdelay $0x1  }
0x2aa: {  	v5 =	vld [tilespmem:s11+$0xFA00];
	_ =	sdelay $0x1  }
0x2ab: {  	v6 =	vld [tilespmem:s11+$0x12200]  }
0x2ac: {  	v3 =	vadd.f32 v4, v3  }
0x2ad: {  	v4 =	vld [tilespmem:s11+$0x14A00]  }
0x2ae: {  	v3 =	vadd.f32 v5, v3;
	_ =	sdelay $0x1  }
0x2af: {  	v3 =	vadd.f32 v6, v3  }
0x2b0: {  	v7 =	vld [tilespmem:s11+$0xD210]  }
0x2b1: {  	v3 =	vadd.f32 v4, v3;
	v4 =	vld [tilespmem:s11+$0x17210];
	_ =	sdelay $0x1  }
0x2b2: {  	[tilespmem:s11+$0x17200] =	vst v3;
	v3 =	vld [tilespmem:s11+$0xFA10]  }
0x2b3: {  	s5 =	sadd.s32 $0x12200, s11  }
0x2b4: {  	v11 =	vld [tilespmem:s5+$0x10]  }
0x2b5: {  	s12 =	sadd.s32 $0x14A00, s11;
	v4 =	vadd.f32 v7, v4  }
0x2b6: {  	v7 =	vld [tilespmem:s12+$0x10]  }
0x2b7: {  	v3 =	vadd.f32 v3, v4;
	_ =	sdelay $0x1  }
0x2b8: {  	v5 =	vld [tilespmem:s11+$0xD220];
	v3 =	vadd.f32 v11, v3  }
0x2b9: {  	v11 =	vld [tilespmem:s11+$0x17220]  }
0x2ba: {  	v3 =	vadd.f32 v7, v3  }
0x2bb: {  	v7 =	vld [tilespmem:s11+$0xFA20]  }
0x2bc: {  	[tilespmem:s11+$0x17210] =	vst v3  }
0x2bd: {  	v3 =	vld [tilespmem:s5+$0x20]  }
0x2be: {  	v5 =	vadd.f32 v5, v11  }
0x2bf: {  	v11 =	vld [tilespmem:s12+$0x20]  }
0x2c0: {  	v5 =	vadd.f32 v7, v5;
	_ =	sdelay $0x1  }
0x2c1: {  	v8 =	vld [tilespmem:s11+$0xD230];
	v3 =	vadd.f32 v3, v5  }
0x2c2: {  	v5 =	vld [tilespmem:s11+$0x17230]  }
0x2c3: {  	v3 =	vadd.f32 v11, v3  }
0x2c4: {  	v7 =	vld [tilespmem:s11+$0xFA30]  }
0x2c5: {  	[tilespmem:s11+$0x17220] =	vst v3  }
0x2c6: {  	v3 =	vld [tilespmem:s5+$0x30]  }
0x2c7: {  	v5 =	vadd.f32 v8, v5  }
0x2c8: {  	v8 =	vld [tilespmem:s12+$0x30]  }
0x2c9: {  	v5 =	vadd.f32 v7, v5;
	_ =	sdelay $0x1  }
0x2ca: {  	v6 =	vld [tilespmem:s11+$0xD240];
	v3 =	vadd.f32 v3, v5  }
0x2cb: {  	v5 =	vld [tilespmem:s11+$0x17240]  }
0x2cc: {  	v3 =	vadd.f32 v8, v3  }
0x2cd: {  	v7 =	vld [tilespmem:s11+$0xFA40]  }
0x2ce: {  	[tilespmem:s11+$0x17230] =	vst v3  }
0x2cf: {  	v3 =	vld [tilespmem:s5+$0x40]  }
0x2d0: {  	v5 =	vadd.f32 v6, v5  }
0x2d1: {  	v6 =	vld [tilespmem:s12+$0x40]  }
0x2d2: {  	v5 =	vadd.f32 v7, v5;
	_ =	sdelay $0x1  }
0x2d3: {  	v9 =	vld [tilespmem:s11+$0xD250];
	v3 =	vadd.f32 v3, v5  }
0x2d4: {  	v5 =	vld [tilespmem:s11+$0x17250]  }
0x2d5: {  	v3 =	vadd.f32 v6, v3  }
0x2d6: {  	v6 =	vld [tilespmem:s11+$0xFA50]  }
0x2d7: {  	[tilespmem:s11+$0x17240] =	vst v3  }
0x2d8: {  	v3 =	vld [tilespmem:s5+$0x50]  }
0x2d9: {  	v5 =	vadd.f32 v9, v5  }
0x2da: {  	v7 =	vld [tilespmem:s12+$0x50]  }
0x2db: {  	v5 =	vadd.f32 v6, v5;
	_ =	sdelay $0x1  }
0x2dc: {  	v10 =	vld [tilespmem:s11+$0xD260];
	v3 =	vadd.f32 v3, v5  }
0x2dd: {  	v5 =	vld [tilespmem:s11+$0x17260]  }
0x2de: {  	v3 =	vadd.f32 v7, v3  }
0x2df: {  	v6 =	vld [tilespmem:s11+$0xFA60]  }
0x2e0: {  	[tilespmem:s11+$0x17250] =	vst v3  }
0x2e1: {  	v3 =	vld [tilespmem:s5+$0x60]  }
0x2e2: {  	v5 =	vadd.f32 v10, v5  }
0x2e3: {  	v8 =	vld [tilespmem:s12+$0x60]  }
0x2e4: {  	v12 =	vld [tilespmem:s11+$0xD600];
	v5 =	vadd.f32 v6, v5  }
0x2e5: {  	v13 =	vld [tilespmem:s11+$0xD270]  }
0x2e6: {  	v7 =	vld [tilespmem:s11+$0x17600];
	v3 =	vadd.f32 v3, v5  }
0x2e7: {  	v5 =	vld [tilespmem:s11+$0x17270]  }
0x2e8: {  	v6 =	vld [tilespmem:s11+$0xFE00];
	v3 =	vadd.f32 v8, v3  }
0x2e9: {  	v8 =	vld [tilespmem:s11+$0xFA70]  }
0x2ea: {  	v9 =	vld [tilespmem:s11+$0x12600];
	[tilespmem:s11+$0x17260] =	vst v3  }
0x2eb: {  	v7 =	vadd.f32 v12, v7;
	v3 =	vld [tilespmem:s5+$0x70]  }
0x2ec: {  	v10 =	vld [tilespmem:s11+$0x14E00];
	v5 =	vadd.f32 v13, v5  }
0x2ed: {  	v6 =	vadd.f32 v6, v7;
	v7 =	vld [tilespmem:s12+$0x70]  }
0x2ee: {  	v5 =	vadd.f32 v8, v5  }
0x2ef: {  	v6 =	vadd.f32 v9, v6  }
0x2f0: {  	v4 =	vld [tilespmem:s11+$0xD610];
	v3 =	vadd.f32 v3, v5  }
0x2f1: {  	v6 =	vadd.f32 v10, v6;
	v5 =	vld [tilespmem:s11+$0x17610]  }
0x2f2: {  	v3 =	vadd.f32 v7, v3  }
0x2f3: {  	[tilespmem:s11+$0x17600] =	vst v6;
	v6 =	vld [tilespmem:s11+$0xFE10]  }
0x2f4: {  	s13 =	sadd.s32 $0x12600, s11;
	[tilespmem:s11+$0x17270] =	vst v3  }
0x2f5: {  	v3 =	vld [tilespmem:s13+$0x10]  }
0x2f6: {  	s14 =	sadd.s32 $0x14E00, s11;
	v4 =	vadd.f32 v4, v5  }
0x2f7: {  	v5 =	vld [tilespmem:s14+$0x10]  }
0x2f8: {  	v4 =	vadd.f32 v6, v4;
	_ =	sdelay $0x1  }
0x2f9: {  	v6 =	vld [tilespmem:s11+$0x17620];
	v3 =	vadd.f32 v3, v4  }
0x2fa: {  	v4 =	vld [tilespmem:s11+$0xD620]  }
0x2fb: {  	v3 =	vadd.f32 v5, v3  }
0x2fc: {  	v5 =	vld [tilespmem:s11+$0xFE20]  }
0x2fd: {  	[tilespmem:s11+$0x17610] =	vst v3  }
0x2fe: {  	v3 =	vld [tilespmem:s13+$0x20]  }
0x2ff: {  	v4 =	vadd.f32 v4, v6  }
0x300: {  	v6 =	vld [tilespmem:s14+$0x20]  }
0x301: {  	v4 =	vadd.f32 v5, v4;
	_ =	sdelay $0x1  }
0x302: {  	v14 =	vld [tilespmem:s11+$0xD630];
	v3 =	vadd.f32 v3, v4  }
0x303: {  	v4 =	vld [tilespmem:s11+$0x17630]  }
0x304: {  	v3 =	vadd.f32 v6, v3  }
0x305: {  	v5 =	vld [tilespmem:s11+$0xFE30]  }
0x306: {  	[tilespmem:s11+$0x17620] =	vst v3  }
0x307: {  	v3 =	vld [tilespmem:s13+$0x30]  }
0x308: {  	v4 =	vadd.f32 v14, v4  }
0x309: {  	v6 =	vld [tilespmem:s14+$0x30]  }
0x30a: {  	v4 =	vadd.f32 v5, v4;
	_ =	sdelay $0x1  }
0x30b: {  	v5 =	vld [tilespmem:s11+$0x17640];
	v3 =	vadd.f32 v3, v4  }
0x30c: {  	v4 =	vld [tilespmem:s11+$0xD640]  }
0x30d: {  	v3 =	vadd.f32 v6, v3  }
0x30e: {  	v6 =	vld [tilespmem:s11+$0xFE40]  }
0x30f: {  	[tilespmem:s11+$0x17630] =	vst v3  }
0x310: {  	v3 =	vld [tilespmem:s13+$0x40]  }
0x311: {  	v4 =	vadd.f32 v4, v5  }
0x312: {  	v5 =	vld [tilespmem:s14+$0x40]  }
0x313: {  	v4 =	vadd.f32 v6, v4;
	_ =	sdelay $0x1  }
0x314: {  	v15 =	vld [tilespmem:s11+$0xD650];
	v3 =	vadd.f32 v3, v4  }
0x315: {  	v4 =	vld [tilespmem:s11+$0x17650]  }
0x316: {  	v3 =	vadd.f32 v5, v3  }
0x317: {  	v5 =	vld [tilespmem:s11+$0xFE50]  }
0x318: {  	[tilespmem:s11+$0x17640] =	vst v3  }
0x319: {  	v3 =	vld [tilespmem:s13+$0x50]  }
0x31a: {  	v4 =	vadd.f32 v15, v4  }
0x31b: {  	v6 =	vld [tilespmem:s14+$0x50]  }
0x31c: {  	v4 =	vadd.f32 v5, v4;
	_ =	sdelay $0x1  }
0x31d: {  	v5 =	vld [tilespmem:s11+$0x17660];
	v3 =	vadd.f32 v3, v4  }
0x31e: {  	v4 =	vld [tilespmem:s11+$0xD660]  }
0x31f: {  	v3 =	vadd.f32 v6, v3  }
0x320: {  	v6 =	vld [tilespmem:s11+$0xFE60]  }
0x321: {  	v9 =	vld [tilespmem:s11+$0x17670];
	[tilespmem:s11+$0x17650] =	vst v3  }
0x322: {  	v3 =	vld [tilespmem:s13+$0x60]  }
0x323: {  	s25 =	simm.s32 $0x100;
	s12 =	simm.s32 $0x80;
	v7 =	vld [tilespmem:s11+$0xFE70];
	v4 =	vadd.f32 v4, v5  }
0x324: {  	s5 =	sand.u32 $0x3800, s25;
	s24 =	sand.u32 $0x380, s12;
	v8 =	vld [tilespmem:s14+$0x60]  }
0x325: {  	s5 =	sor.u32 s24, s5;
	v5 =	vld [tilespmem:s11+$0xD670];
	v4 =	vadd.f32 v6, v4  }
0x326: {  	v10 =	vld [tilespmem:s5+$0xD200]  }
0x327: {  	v6 =	vld [tilespmem:s5+$0x17200];
	v4 =	vadd.f32 v3, v4  }
0x328: {  	v11 =	vld [tilespmem:s5+$0xFA00]  }
0x329: {  	v62 =	vld [tilespmem:s5+$0x12200];
	v4 =	vadd.f32 v8, v4  }
0x32a: {  	v63 =	vld [tilespmem:s5+$0x14A00]  }
0x32b: {  	v3 =	vld [tilespmem:s5+$0xD210];
	[tilespmem:s11+$0x17660] =	vst v4  }
0x32c: {  	v6 =	vadd.f32 v10, v6;
	v10 =	vld [tilespmem:s13+$0x70]  }
0x32d: {  	v5 =	vadd.f32 v5, v9;
	v4 =	vld [tilespmem:s14+$0x70]  }
0x32e: {  	v6 =	vadd.f32 v11, v6;
	v9 =	vld [tilespmem:s5+$0xD220]  }
0x32f: {  	v11 =	vadd.f32 v7, v5;
	v8 =	vld [tilespmem:s5+$0xD230]  }
0x330: {  	v7 =	vld [tilespmem:s5+$0xD240];
	v6 =	vadd.f32 v62, v6  }
0x331: {  	v5 =	vld [tilespmem:s5+$0xD250];
	v10 =	vadd.f32 v10, v11  }
0x332: {  	s13 =	simm.s32 $0x200;
	v11 =	vadd.f32 v63, v6;
	v6 =	vld [tilespmem:s5+$0x17210]  }
.LBB2_7:
0x333: {  	p1 =	sne.s32 s13, $0x2700;
	v12 =	vld [tilespmem:s5+$0xD260];
	v4 =	vadd.f32 v4, v10;
	s14 =	smov.u32 s13;
	s13 =	sadd.s32 $0x100, s13  }
0x334: {  	[tilespmem:s5+$0x17200] =	vst v11;
	v10 =	vld [tilespmem:s5+$0xFA10]  }
0x335: {  	s24 =	sadd.s32 $0x12200, s5;
	v11 =	vld [tilespmem:s5+$0xD600];
	[tilespmem:s11+$0x17670] =	vst v4;
	s11 =	smov.u32 s5  }
0x336: {  	v13 =	vld [tilespmem:s24+$0x10]  }
0x337: {  	s5 =	sadd.s32 $0x14A00, s11;
	v3 =	vadd.f32 v3, v6;
	v14 =	vld [tilespmem:s11+$0xD270]  }
0x338: {  	v15 =	vld [tilespmem:s5+$0x10]  }
0x339: {  	v3 =	vadd.f32 v10, v3;
	v6 =	vld [tilespmem:s11+$0xD610]  }
0x33a: {  	v4 =	vld [tilespmem:s11+$0xD630]  }
0x33b: {  	v10 =	vadd.f32 v13, v3;
	v3 =	vld [tilespmem:s11+$0xD650]  }
0x33c: {  	v13 =	vld [tilespmem:s11+$0x17220]  }
0x33d: {  	v10 =	vadd.f32 v15, v10  }
0x33e: {  	v15 =	vld [tilespmem:s11+$0xFA20]  }
0x33f: {  	[tilespmem:s11+$0x17210] =	vst v10  }
0x340: {  	v10 =	vld [tilespmem:s24+$0x20]  }
0x341: {  	v9 =	vadd.f32 v9, v13  }
0x342: {  	v13 =	vld [tilespmem:s5+$0x20]  }
0x343: {  	v9 =	vadd.f32 v15, v9;
	_ =	sdelay $0x1  }
0x344: {  	v9 =	vadd.f32 v10, v9  }
0x345: {  	v10 =	vld [tilespmem:s11+$0x17230]  }
0x346: {  	v9 =	vadd.f32 v13, v9  }
0x347: {  	v13 =	vld [tilespmem:s11+$0xFA30]  }
0x348: {  	[tilespmem:s11+$0x17220] =	vst v9  }
0x349: {  	v9 =	vld [tilespmem:s24+$0x30]  }
0x34a: {  	v8 =	vadd.f32 v8, v10  }
0x34b: {  	v10 =	vld [tilespmem:s5+$0x30]  }
0x34c: {  	v8 =	vadd.f32 v13, v8;
	_ =	sdelay $0x1  }
0x34d: {  	v8 =	vadd.f32 v9, v8  }
0x34e: {  	v9 =	vld [tilespmem:s11+$0x17240]  }
0x34f: {  	v8 =	vadd.f32 v10, v8  }
0x350: {  	v10 =	vld [tilespmem:s11+$0xFA40]  }
0x351: {  	[tilespmem:s11+$0x17230] =	vst v8  }
0x352: {  	v8 =	vld [tilespmem:s24+$0x40]  }
0x353: {  	v7 =	vadd.f32 v7, v9  }
0x354: {  	v9 =	vld [tilespmem:s5+$0x40]  }
0x355: {  	v7 =	vadd.f32 v10, v7;
	_ =	sdelay $0x1  }
0x356: {  	v7 =	vadd.f32 v8, v7  }
0x357: {  	v8 =	vld [tilespmem:s11+$0x17250]  }
0x358: {  	v7 =	vadd.f32 v9, v7  }
0x359: {  	v9 =	vld [tilespmem:s11+$0xFA50]  }
0x35a: {  	[tilespmem:s11+$0x17240] =	vst v7  }
0x35b: {  	v7 =	vld [tilespmem:s24+$0x50]  }
0x35c: {  	v5 =	vadd.f32 v5, v8  }
0x35d: {  	v8 =	vld [tilespmem:s5+$0x50]  }
0x35e: {  	v5 =	vadd.f32 v9, v5;
	_ =	sdelay $0x1  }
0x35f: {  	v5 =	vadd.f32 v7, v5  }
0x360: {  	v7 =	vld [tilespmem:s11+$0x17260]  }
0x361: {  	v5 =	vadd.f32 v8, v5  }
0x362: {  	v8 =	vld [tilespmem:s11+$0xFA60]  }
0x363: {  	[tilespmem:s11+$0x17250] =	vst v5;
	v5 =	vld [tilespmem:s11+$0x17600]  }
0x364: {  	v9 =	vld [tilespmem:s24+$0x60]  }
0x365: {  	v7 =	vadd.f32 v12, v7;
	v10 =	vld [tilespmem:s11+$0xFE00]  }
0x366: {  	v12 =	vld [tilespmem:s5+$0x60]  }
0x367: {  	v7 =	vadd.f32 v8, v7;
	v8 =	vld [tilespmem:s11+$0x12600]  }
0x368: {  	v5 =	vadd.f32 v11, v5  }
0x369: {  	v7 =	vadd.f32 v9, v7;
	v9 =	vld [tilespmem:s11+$0x14E00]  }
0x36a: {  	v11 =	vld [tilespmem:s11+$0x17270];
	v5 =	vadd.f32 v10, v5  }
0x36b: {  	v7 =	vadd.f32 v12, v7  }
0x36c: {  	v10 =	vld [tilespmem:s11+$0xFA70];
	v5 =	vadd.f32 v8, v5  }
0x36d: {  	[tilespmem:s11+$0x17260] =	vst v7  }
0x36e: {  	v7 =	vld [tilespmem:s24+$0x70]  }
0x36f: {  	v5 =	vadd.f32 v9, v5;
	v8 =	vadd.f32 v14, v11  }
0x370: {  	v9 =	vld [tilespmem:s5+$0x70]  }
0x371: {  	v8 =	vadd.f32 v10, v8;
	[tilespmem:s11+$0x17600] =	vst v5;
	_ =	sdelay $0x1  }
0x372: {  	v5 =	vadd.f32 v7, v8  }
0x373: {  	v7 =	vld [tilespmem:s11+$0x17610]  }
0x374: {  	v5 =	vadd.f32 v9, v5  }
0x375: {  	v8 =	vld [tilespmem:s11+$0xFE10]  }
0x376: {  	s24 =	sadd.s32 $0x12600, s11;
	[tilespmem:s11+$0x17270] =	vst v5  }
0x377: {  	v5 =	vld [tilespmem:s24+$0x10]  }
0x378: {  	s25 =	sadd.s32 $0x14E00, s11;
	v6 =	vadd.f32 v6, v7  }
0x379: {  	v7 =	vld [tilespmem:s25+$0x10]  }
0x37a: {  	v6 =	vadd.f32 v8, v6;
	_ =	sdelay $0x1  }
0x37b: {  	v5 =	vadd.f32 v5, v6;
	v6 =	vld [tilespmem:s11+$0xD620]  }
0x37c: {  	v8 =	vld [tilespmem:s11+$0x17620]  }
0x37d: {  	v5 =	vadd.f32 v7, v5  }
0x37e: {  	v7 =	vld [tilespmem:s11+$0xFE20]  }
0x37f: {  	[tilespmem:s11+$0x17610] =	vst v5  }
0x380: {  	v5 =	vld [tilespmem:s24+$0x20]  }
0x381: {  	v6 =	vadd.f32 v6, v8;
	v8 =	vld [tilespmem:s25+$0x20];
	_ =	sdelay $0x1  }
0x382: {  	v6 =	vadd.f32 v7, v6;
	_ =	sdelay $0x1  }
0x383: {  	v5 =	vadd.f32 v5, v6  }
0x384: {  	v6 =	vld [tilespmem:s11+$0x17630]  }
0x385: {  	v5 =	vadd.f32 v8, v5  }
0x386: {  	v7 =	vld [tilespmem:s11+$0xFE30]  }
0x387: {  	[tilespmem:s11+$0x17620] =	vst v5  }
0x388: {  	v5 =	vld [tilespmem:s24+$0x30]  }
0x389: {  	v4 =	vadd.f32 v4, v6;
	v6 =	vld [tilespmem:s25+$0x30];
	_ =	sdelay $0x1  }
0x38a: {  	v4 =	vadd.f32 v7, v4;
	_ =	sdelay $0x1  }
0x38b: {  	v4 =	vadd.f32 v5, v4;
	v5 =	vld [tilespmem:s11+$0xD640]  }
0x38c: {  	v7 =	vld [tilespmem:s11+$0x17640]  }
0x38d: {  	v4 =	vadd.f32 v6, v4  }
0x38e: {  	v6 =	vld [tilespmem:s11+$0xFE40]  }
0x38f: {  	[tilespmem:s11+$0x17630] =	vst v4  }
0x390: {  	v4 =	vld [tilespmem:s24+$0x40]  }
0x391: {  	v5 =	vadd.f32 v5, v7;
	v7 =	vld [tilespmem:s25+$0x40];
	_ =	sdelay $0x1  }
0x392: {  	v5 =	vadd.f32 v6, v5;
	_ =	sdelay $0x1  }
0x393: {  	v4 =	vadd.f32 v4, v5  }
0x394: {  	v5 =	vld [tilespmem:s11+$0x17650]  }
0x395: {  	v4 =	vadd.f32 v7, v4  }
0x396: {  	v6 =	vld [tilespmem:s11+$0xFE50]  }
0x397: {  	[tilespmem:s11+$0x17640] =	vst v4  }
0x398: {  	v4 =	vld [tilespmem:s24+$0x50]  }
0x399: {  	v3 =	vadd.f32 v3, v5;
	v5 =	vld [tilespmem:s25+$0x50];
	_ =	sdelay $0x1  }
0x39a: {  	v3 =	vadd.f32 v6, v3;
	_ =	sdelay $0x1  }
0x39b: {  	v3 =	vadd.f32 v4, v3;
	v4 =	vld [tilespmem:s11+$0xD660]  }
0x39c: {  	v6 =	vld [tilespmem:s11+$0x17660]  }
0x39d: {  	v3 =	vadd.f32 v5, v3  }
0x39e: {  	v5 =	vld [tilespmem:s11+$0xFE60]  }
0x39f: {  	[tilespmem:s11+$0x17650] =	vst v3;
	v7 =	vld [tilespmem:s11+$0xFE70]  }
0x3a0: {  	v3 =	vld [tilespmem:s24+$0x60]  }
0x3a1: {  	s12 =	sadd.s32 $0x80, s12;
	v4 =	vadd.f32 v4, v6;
	v6 =	vld [tilespmem:s25+$0x60]  }
0x3a2: {  	s5 =	sand.u32 $0x3800, s14;
	s14 =	sand.u32 $0x380, s12;
	v8 =	vld [tilespmem:s11+$0xD670]  }
0x3a3: {  	s5 =	sor.u32 s14, s5;
	v4 =	vadd.f32 v5, v4;
	v5 =	vld [tilespmem:s11+$0x17670]  }
0x3a4: {  	v9 =	vld [tilespmem:s5+$0x17200]  }
0x3a5: {  	v10 =	vld [tilespmem:s5+$0xD200];
	v4 =	vadd.f32 v3, v4  }
0x3a6: {  	v11 =	vld [tilespmem:s5+$0xFA00]  }
0x3a7: {  	v3 =	vld [tilespmem:s5+$0xD210];
	v4 =	vadd.f32 v6, v4  }
0x3a8: {  	v6 =	vld [tilespmem:s5+$0x12200];
	v5 =	vadd.f32 v8, v5  }
0x3a9: {  	v12 =	vld [tilespmem:s5+$0x14A00];
	[tilespmem:s11+$0x17660] =	vst v4  }
0x3aa: {  	v8 =	vadd.f32 v10, v9;
	v10 =	vld [tilespmem:s24+$0x70]  }
0x3ab: {  	v4 =	vld [tilespmem:s25+$0x70]  }
.Ltmp6:
0x3ac: {  	v11 =	vadd.f32 v11, v8;
	v9 =	vld [tilespmem:s5+$0xD220];
	(pc) =	sbr.rel @p1 .LBB2_7-.Ltmp6, $4  }
0x3ad: {  	v13 =	vadd.f32 v7, v5;
	v8 =	vld [tilespmem:s5+$0xD230]  }
0x3ae: {  	v6 =	vadd.f32 v6, v11;
	v7 =	vld [tilespmem:s5+$0xD240]  }
0x3af: {  	v5 =	vld [tilespmem:s5+$0xD250];
	v10 =	vadd.f32 v10, v13  }
0x3b0: {  	v11 =	vadd.f32 v12, v6;
	v6 =	vld [tilespmem:s5+$0x17210]  }
0x3b1: {  	v12 =	vld [tilespmem:s5+$0xD260];
	v4 =	vadd.f32 v4, v10  }
0x3b2: {  	v59 =	vld [tilespmem:s5+$0xFA10];
	[tilespmem:s5+$0x17200] =	vst v11  }
0x3b3: {  	v60 =	vld [tilespmem:s5+$0xD600];
	s12 =	sadd.s32 $0x12200, s5;
	[tilespmem:s11+$0x17670] =	vst v4  }
0x3b4: {  	v4 =	vld [tilespmem:s12+$0x10]  }
0x3b5: {  	s14 =	sadd.s32 $0x14A00, s5;
	v3 =	vadd.f32 v3, v6  }
0x3b6: {  	v61 =	vld [tilespmem:s14+$0x10]  }
0x3b7: {  	v3 =	vadd.f32 v59, v3;
	_ =	sdelay $0x1  }
0x3b8: {  	v3 =	vadd.f32 v4, v3  }
0x3b9: {  	v63 =	vld [tilespmem:s5+$0x17220]  }
0x3ba: {  	v3 =	vadd.f32 v61, v3  }
0x3bb: {  	v18 =	vld [tilespmem:s5+$0xFA20]  }
0x3bc: {  	[tilespmem:s5+$0x17210] =	vst v3  }
0x3bd: {  	v3 =	vld [tilespmem:s12+$0x20]  }
0x3be: {  	v4 =	vadd.f32 v9, v63  }
0x3bf: {  	v19 =	vld [tilespmem:s14+$0x20]  }
0x3c0: {  	v4 =	vadd.f32 v18, v4;
	_ =	sdelay $0x1  }
0x3c1: {  	v3 =	vadd.f32 v3, v4  }
0x3c2: {  	v20 =	vld [tilespmem:s5+$0x17230]  }
0x3c3: {  	v3 =	vadd.f32 v19, v3  }
0x3c4: {  	v21 =	vld [tilespmem:s5+$0xFA30]  }
0x3c5: {  	[tilespmem:s5+$0x17220] =	vst v3  }
0x3c6: {  	v3 =	vld [tilespmem:s12+$0x30]  }
0x3c7: {  	v4 =	vadd.f32 v8, v20  }
0x3c8: {  	v22 =	vld [tilespmem:s14+$0x30]  }
0x3c9: {  	v4 =	vadd.f32 v21, v4;
	_ =	sdelay $0x1  }
0x3ca: {  	v3 =	vadd.f32 v3, v4  }
0x3cb: {  	v23 =	vld [tilespmem:s5+$0x17240]  }
0x3cc: {  	v3 =	vadd.f32 v22, v3  }
0x3cd: {  	v24 =	vld [tilespmem:s5+$0xFA40]  }
0x3ce: {  	[tilespmem:s5+$0x17230] =	vst v3  }
0x3cf: {  	v3 =	vld [tilespmem:s12+$0x40]  }
0x3d0: {  	v4 =	vadd.f32 v7, v23  }
0x3d1: {  	v25 =	vld [tilespmem:s14+$0x40]  }
0x3d2: {  	v4 =	vadd.f32 v24, v4;
	_ =	sdelay $0x1  }
0x3d3: {  	v3 =	vadd.f32 v3, v4  }
0x3d4: {  	v26 =	vld [tilespmem:s5+$0x17250]  }
0x3d5: {  	v3 =	vadd.f32 v25, v3  }
0x3d6: {  	v27 =	vld [tilespmem:s5+$0xFA50]  }
0x3d7: {  	[tilespmem:s5+$0x17240] =	vst v3  }
0x3d8: {  	v3 =	vld [tilespmem:s12+$0x50]  }
0x3d9: {  	v4 =	vadd.f32 v5, v26  }
0x3da: {  	v28 =	vld [tilespmem:s14+$0x50]  }
0x3db: {  	v4 =	vadd.f32 v27, v4;
	_ =	sdelay $0x1  }
0x3dc: {  	v3 =	vadd.f32 v3, v4  }
0x3dd: {  	v29 =	vld [tilespmem:s5+$0x17260]  }
0x3de: {  	v3 =	vadd.f32 v28, v3  }
0x3df: {  	v30 =	vld [tilespmem:s5+$0xFA60]  }
0x3e0: {  	[tilespmem:s5+$0x17250] =	vst v3  }
0x3e1: {  	v3 =	vld [tilespmem:s12+$0x60]  }
0x3e2: {  	v4 =	vadd.f32 v12, v29  }
0x3e3: {  	v32 =	vld [tilespmem:s14+$0x60]  }
0x3e4: {  	v4 =	vadd.f32 v30, v4  }
0x3e5: {  	v31 =	vld [tilespmem:s5+$0x17600]  }
0x3e6: {  	v35 =	vld [tilespmem:s5+$0x17270];
	v3 =	vadd.f32 v3, v4  }
0x3e7: {  	v13 =	vld [tilespmem:s5+$0xD270]  }
0x3e8: {  	v33 =	vld [tilespmem:s5+$0xFE00];
	v3 =	vadd.f32 v32, v3  }
0x3e9: {  	v37 =	vld [tilespmem:s5+$0xFA70]  }
0x3ea: {  	v34 =	vld [tilespmem:s5+$0x12600];
	[tilespmem:s5+$0x17260] =	vst v3  }
0x3eb: {  	v6 =	vadd.f32 v60, v31;
	v3 =	vld [tilespmem:s12+$0x70]  }
0x3ec: {  	v36 =	vld [tilespmem:s5+$0x14E00];
	v4 =	vadd.f32 v13, v35  }
0x3ed: {  	v5 =	vadd.f32 v33, v6;
	v38 =	vld [tilespmem:s14+$0x70]  }
0x3ee: {  	v4 =	vadd.f32 v37, v4  }
0x3ef: {  	v5 =	vadd.f32 v34, v5  }
0x3f0: {  	v39 =	vld [tilespmem:s5+$0x17610];
	v3 =	vadd.f32 v3, v4  }
0x3f1: {  	v62 =	vld [tilespmem:s5+$0xD610];
	v5 =	vadd.f32 v36, v5  }
0x3f2: {  	v3 =	vadd.f32 v38, v3  }
0x3f3: {  	v40 =	vld [tilespmem:s5+$0xFE10];
	[tilespmem:s5+$0x17600] =	vst v5  }
0x3f4: {  	s24 =	sadd.s32 $0x12600, s5;
	[tilespmem:s5+$0x17270] =	vst v3  }
0x3f5: {  	v3 =	vld [tilespmem:s24+$0x10]  }
0x3f6: {  	s25 =	sadd.s32 $0x14E00, s5;
	v4 =	vadd.f32 v62, v39  }
0x3f7: {  	v41 =	vld [tilespmem:s25+$0x10]  }
0x3f8: {  	v4 =	vadd.f32 v40, v4;
	_ =	sdelay $0x1  }
0x3f9: {  	v43 =	vld [tilespmem:s5+$0x17620];
	v3 =	vadd.f32 v3, v4  }
0x3fa: {  	v42 =	vld [tilespmem:s5+$0xD620]  }
0x3fb: {  	v3 =	vadd.f32 v41, v3  }
0x3fc: {  	v44 =	vld [tilespmem:s5+$0xFE20]  }
0x3fd: {  	[tilespmem:s5+$0x17610] =	vst v3  }
0x3fe: {  	v3 =	vld [tilespmem:s24+$0x20]  }
0x3ff: {  	v4 =	vadd.f32 v42, v43  }
0x400: {  	v45 =	vld [tilespmem:s25+$0x20]  }
0x401: {  	v4 =	vadd.f32 v44, v4;
	_ =	sdelay $0x1  }
0x402: {  	v46 =	vld [tilespmem:s5+$0x17630];
	v3 =	vadd.f32 v3, v4  }
0x403: {  	v14 =	vld [tilespmem:s5+$0xD630]  }
0x404: {  	v3 =	vadd.f32 v45, v3  }
0x405: {  	v47 =	vld [tilespmem:s5+$0xFE30]  }
0x406: {  	[tilespmem:s5+$0x17620] =	vst v3  }
0x407: {  	v3 =	vld [tilespmem:s24+$0x30]  }
0x408: {  	v4 =	vadd.f32 v14, v46  }
0x409: {  	v48 =	vld [tilespmem:s25+$0x30]  }
0x40a: {  	v4 =	vadd.f32 v47, v4;
	_ =	sdelay $0x1  }
0x40b: {  	v49 =	vld [tilespmem:s5+$0xD640];
	v3 =	vadd.f32 v3, v4  }
0x40c: {  	v50 =	vld [tilespmem:s5+$0x17640]  }
0x40d: {  	v3 =	vadd.f32 v48, v3  }
0x40e: {  	v51 =	vld [tilespmem:s5+$0xFE40]  }
0x40f: {  	[tilespmem:s5+$0x17630] =	vst v3  }
0x410: {  	v3 =	vld [tilespmem:s24+$0x40]  }
0x411: {  	v4 =	vadd.f32 v49, v50  }
0x412: {  	v52 =	vld [tilespmem:s25+$0x40]  }
0x413: {  	v4 =	vadd.f32 v51, v4;
	_ =	sdelay $0x1  }
0x414: {  	v15 =	vld [tilespmem:s5+$0xD650];
	v3 =	vadd.f32 v3, v4  }
0x415: {  	v53 =	vld [tilespmem:s5+$0x17650]  }
0x416: {  	v3 =	vadd.f32 v52, v3  }
0x417: {  	v54 =	vld [tilespmem:s5+$0xFE50]  }
0x418: {  	[tilespmem:s5+$0x17640] =	vst v3  }
0x419: {  	v3 =	vld [tilespmem:s24+$0x50]  }
0x41a: {  	v4 =	vadd.f32 v15, v53  }
0x41b: {  	v55 =	vld [tilespmem:s25+$0x50]  }
0x41c: {  	v4 =	vadd.f32 v54, v4;
	_ =	sdelay $0x1  }
0x41d: {  	v56 =	vld [tilespmem:s5+$0xD660];
	v3 =	vadd.f32 v3, v4  }
0x41e: {  	v57 =	vld [tilespmem:s5+$0x17660]  }
0x41f: {  	v3 =	vadd.f32 v55, v3  }
0x420: {  	v58 =	vld [tilespmem:s5+$0xFE60]  }
0x421: {  	[tilespmem:s5+$0x17650] =	vst v3  }
0x422: {  	v3 =	vld [tilespmem:s24+$0x60]  }
0x423: {  	v4 =	vadd.f32 v56, v57  }
0x424: {  	v59 =	vld [tilespmem:s25+$0x60]  }
0x425: {  	v4 =	vadd.f32 v58, v4;
	_ =	sdelay $0x1  }
0x426: {  	v60 =	vld [tilespmem:s5+$0xD670];
	v3 =	vadd.f32 v3, v4  }
0x427: {  	v61 =	vld [tilespmem:s5+$0x17670]  }
0x428: {  	v3 =	vadd.f32 v59, v3  }
0x429: {  	v62 =	vld [tilespmem:s5+$0xFE70]  }
0x42a: {  	[tilespmem:s5+$0x17660] =	vst v3  }
0x42b: {  	v3 =	vld [tilespmem:s24+$0x70]  }
0x42c: {  	v4 =	vadd.f32 v60, v61  }
0x42d: {  	v63 =	vld [tilespmem:s25+$0x70]  }
0x42e: {  	v4 =	vadd.f32 v62, v4;
	_ =	sdelay $0x1  }
.Ltmp7:
0x42f: {  	v3 =	vadd.f32 v3, v4;
	(pc) =	sbr.rel @p0 .LBB2_10-.Ltmp7, $3  }
0x430: {  	_ = 	snop  }
0x431: {  	v3 =	vadd.f32 v63, v3;
	_ =	sdelay $0x1  }
0x432: {  	[tilespmem:s5+$0x17670] =	vst v3  }
0x433: {  	s5 =	smul.u32 $0xA0, s9;
	_ =	sdelay $0x1  }
0x434: {  	s5 =	sshra.s32 s5, $0x2  }
0x435: {  	v3 =	vld [tilespmem:s5+$0x1900];
	_ =	sdelay $0x4  }
0x436: {  	v4 =	vshll.u32 v3, $0x1  }
0x437: {  	v3 =	vand.u32 $0x7, v3;
	v4 =	vand.u32 $0xFFFFFFF0, v4  }
0x438: {  	v3 =	vor.u32 v3, v4  }
0x439: {  	v4 =	vperm.xlane v3, v0;
	_ =	sdelay $0x1  }
0x43a: {  	v3 =	vperm.xlane v3, v2;
	v4 =	vadd.s32 v1, v4;
	_ =	sdelay $0x1  }
0x43b: {  	v3 =	vadd.s32 v1, v3;
	_ =	sdelay $0x1  }
0x43c: {  	s11 =	simm.s32 $0xD200  }
0x43d: {  	[tilespmem:s11], [sflag:$0x2] =	stream.indirect_vreg.gather [hbm4b:s1+s4], $0x80, v4, vm0, $0xb8;
	[tilespmem:$0x1AE00] =	vst v63  }
0x43e: {  	s14 =	simm.s32 $0xDA00  }
0x43f: {  	[tilespmem:s14], [sflag:$0x2] =	stream.indirect_vreg.gather [hbm4b:s1+s4], $0x80, v3, vm0, $0xb8;
	[tilespmem:$0x1AE00] =	vst v63  }
0x440: {  	v3 =	vld [tilespmem:s5+$0x1910];
	_ =	sdelay $0x4  }
0x441: {  	v53 =	vshll.u32 v3, $0x1  }
0x442: {  	v3 =	vand.u32 $0x7, v3;
	v4 =	vand.u32 $0xFFFFFFF0, v53  }
0x443: {  	v3 =	vor.u32 v3, v4  }
0x444: {  	v4 =	vperm.xlane v3, v0;
	_ =	sdelay $0x1  }
0x445: {  	v3 =	vperm.xlane v3, v2;
	v4 =	vadd.s32 v1, v4;
	_ =	sdelay $0x1  }
0x446: {  	v3 =	vadd.s32 v1, v3;
	_ =	sdelay $0x1  }
0x447: {  	s24 =	simm.s32 $0xE200  }
0x448: {  	[tilespmem:s24], [sflag:$0x2] =	stream.indirect_vreg.gather [hbm4b:s1+s4], $0x80, v4, vm0, $0xb8;
	[tilespmem:$0x1AE00] =	vst v63  }
0x449: {  	s25 =	simm.s32 $0xEA00  }
0x44a: {  	[tilespmem:s25], [sflag:$0x2] =	stream.indirect_vreg.gather [hbm4b:s1+s4], $0x80, v3, vm0, $0xb8;
	[tilespmem:$0x1AE00] =	vst v63  }
0x44b: {  	v3 =	vld.msk [tilespmem:s5+$0x1920], $0xff;
	_ =	sdelay $0x4  }
0x44c: {  	v54 =	vshll.u32 v3, $0x1  }
0x44d: {  	v3 =	vand.u32 $0x7, v3;
	v4 =	vand.u32 $0xFFFFFFF0, v54  }
0x44e: {  	v3 =	vor.u32 v3, v4  }
0x44f: {  	v3 =	vperm.xlane v3, v0;
	_ =	sdelay $0x1  }
0x450: {  	v3 =	vadd.s32 v1, v3;
	_ =	sdelay $0x3  }
0x451: {  	s12 =	simm.s32 $0xF200  }
0x452: {  	[tilespmem:s12], [sflag:$0x2] =	stream.indirect_vreg.gather [hbm4b:s1+s4], $0x80, v3, vm0, $0xb8;
	[tilespmem:$0x1AE00] =	vst v63  }
0x453: {  	v3 =	vld [tilespmem:s5+$0x1F40];
	_ =	sdelay $0x4  }
0x454: {  	v55 =	vshll.u32 v3, $0x1  }
0x455: {  	v3 =	vand.u32 $0x7, v3;
	v4 =	vand.u32 $0xFFFFFFF0, v55  }
0x456: {  	v3 =	vor.u32 v3, v4  }
0x457: {  	v4 =	vperm.xlane v3, v0;
	_ =	sdelay $0x1  }
0x458: {  	v3 =	vperm.xlane v3, v2;
	v4 =	vadd.s32 v1, v4;
	_ =	sdelay $0x1  }
0x459: {  	v3 =	vadd.s32 v1, v3;
	_ =	sdelay $0x1  }
0x45a: {  	s13 =	simm.s32 $0xFA00  }
0x45b: {  	[tilespmem:s13], [sflag:$0x2] =	stream.indirect_vreg.gather [hbm4b:s1+s4], $0x80, v4, vm0, $0xb8;
	[tilespmem:$0x1AE00] =	vst v63  }
0x45c: {  	s14 =	simm.s32 $0x10200  }
0x45d: {  	[tilespmem:s14], [sflag:$0x2] =	stream.indirect_vreg.gather [hbm4b:s1+s4], $0x80, v3, vm0, $0xb8;
	[tilespmem:$0x1AE00] =	vst v63  }
0x45e: {  	v3 =	vld [tilespmem:s5+$0x1F50];
	_ =	sdelay $0x4  }
0x45f: {  	v56 =	vshll.u32 v3, $0x1  }
0x460: {  	v3 =	vand.u32 $0x7, v3;
	v4 =	vand.u32 $0xFFFFFFF0, v56  }
0x461: {  	v3 =	vor.u32 v3, v4  }
0x462: {  	v4 =	vperm.xlane v3, v0;
	_ =	sdelay $0x1  }
0x463: {  	v3 =	vperm.xlane v3, v2;
	v4 =	vadd.s32 v1, v4;
	_ =	sdelay $0x1  }
0x464: {  	v3 =	vadd.s32 v1, v3;
	_ =	sdelay $0x1  }
0x465: {  	s24 =	simm.s32 $0x10A00  }
0x466: {  	[tilespmem:s24], [sflag:$0x2] =	stream.indirect_vreg.gather [hbm4b:s1+s4], $0x80, v4, vm0, $0xb8;
	[tilespmem:$0x1AE00] =	vst v63  }
0x467: {  	s25 =	simm.s32 $0x11200  }
0x468: {  	[tilespmem:s25], [sflag:$0x2] =	stream.indirect_vreg.gather [hbm4b:s1+s4], $0x80, v3, vm0, $0xb8;
	[tilespmem:$0x1AE00] =	vst v63  }
0x469: {  	v3 =	vld.msk [tilespmem:s5+$0x1F60], $0xff;
	_ =	sdelay $0x4  }
0x46a: {  	v57 =	vshll.u32 v3, $0x1  }
0x46b: {  	v3 =	vand.u32 $0x7, v3;
	v4 =	vand.u32 $0xFFFFFFF0, v57  }
0x46c: {  	v3 =	vor.u32 v3, v4  }
0x46d: {  	v3 =	vperm.xlane v3, v0;
	_ =	sdelay $0x1  }
0x46e: {  	v3 =	vadd.s32 v1, v3;
	_ =	sdelay $0x4  }
0x46f: {  	[tilespmem:s26], [sflag:$0x2] =	stream.indirect_vreg.gather [hbm4b:s1+s4], $0x80, v3, vm0, $0xb8;
	[tilespmem:$0x1AE00] =	vst v63  }
0x470: {  	v3 =	vld [tilespmem:s5+$0x2580];
	_ =	sdelay $0x4  }
0x471: {  	v58 =	vshll.u32 v3, $0x1  }
0x472: {  	v3 =	vand.u32 $0x7, v3;
	v4 =	vand.u32 $0xFFFFFFF0, v58  }
0x473: {  	v3 =	vor.u32 v3, v4  }
0x474: {  	v4 =	vperm.xlane v3, v0;
	_ =	sdelay $0x1  }
0x475: {  	v3 =	vperm.xlane v3, v2;
	v4 =	vadd.s32 v1, v4;
	_ =	sdelay $0x1  }
0x476: {  	v3 =	vadd.s32 v1, v3;
	_ =	sdelay $0x2  }
0x477: {  	[tilespmem:s28], [sflag:$0x2] =	stream.indirect_vreg.gather [hbm4b:s1+s4], $0x80, v4, vm0, $0xb8;
	[tilespmem:$0x1AE00] =	vst v63  }
0x478: {  	_ = 	snop  }
0x479: {  	[tilespmem:s29], [sflag:$0x2] =	stream.indirect_vreg.gather [hbm4b:s1+s4], $0x80, v3, vm0, $0xb8;
	[tilespmem:$0x1AE00] =	vst v63  }
0x47a: {  	v3 =	vld [tilespmem:s5+$0x2590];
	_ =	sdelay $0x4  }
0x47b: {  	v59 =	vshll.u32 v3, $0x1  }
0x47c: {  	v3 =	vand.u32 $0x7, v3;
	v4 =	vand.u32 $0xFFFFFFF0, v59  }
0x47d: {  	v3 =	vor.u32 v3, v4  }
0x47e: {  	v4 =	vperm.xlane v3, v0;
	_ =	sdelay $0x1  }
0x47f: {  	v3 =	vperm.xlane v3, v2;
	v4 =	vadd.s32 v1, v4;
	_ =	sdelay $0x1  }
0x480: {  	v3 =	vadd.s32 v1, v3;
	_ =	sdelay $0x2  }
0x481: {  	[tilespmem:s30], [sflag:$0x2] =	stream.indirect_vreg.gather [hbm4b:s1+s4], $0x80, v4, vm0, $0xb8;
	[tilespmem:$0x1AE00] =	vst v63  }
0x482: {  	_ = 	snop  }
0x483: {  	[tilespmem:s31], [sflag:$0x2] =	stream.indirect_vreg.gather [hbm4b:s1+s4], $0x80, v3, vm0, $0xb8;
	[tilespmem:$0x1AE00] =	vst v63  }
0x484: {  	v3 =	vld.msk [tilespmem:s5+$0x25A0], $0xff;
	_ =	sdelay $0x4  }
0x485: {  	v60 =	vshll.u32 v3, $0x1  }
0x486: {  	v3 =	vand.u32 $0x7, v3;
	v4 =	vand.u32 $0xFFFFFFF0, v60  }
0x487: {  	v3 =	vor.u32 v3, v4  }
0x488: {  	v3 =	vperm.xlane v3, v0;
	_ =	sdelay $0x1  }
0x489: {  	v3 =	vadd.s32 v1, v3;
	_ =	sdelay $0x4  }
0x48a: {  	[tilespmem:s2], [sflag:$0x2] =	stream.indirect_vreg.gather [hbm4b:s1+s4], $0x80, v3, vm0, $0xb8;
	[tilespmem:$0x1AE00] =	vst v63  }
0x48b: {  	v3 =	vld [tilespmem:s5+$0x2BC0];
	_ =	sdelay $0x4  }
0x48c: {  	v61 =	vshll.u32 v3, $0x1  }
0x48d: {  	v3 =	vand.u32 $0x7, v3;
	v4 =	vand.u32 $0xFFFFFFF0, v61  }
0x48e: {  	v3 =	vor.u32 v3, v4  }
0x48f: {  	v4 =	vperm.xlane v3, v0;
	_ =	sdelay $0x1  }
0x490: {  	v3 =	vperm.xlane v3, v2;
	v4 =	vadd.s32 v1, v4;
	_ =	sdelay $0x1  }
0x491: {  	v3 =	vadd.s32 v1, v3;
	_ =	sdelay $0x2  }
0x492: {  	[tilespmem:s0], [sflag:$0x2] =	stream.indirect_vreg.gather [hbm4b:s1+s4], $0x80, v4, vm0, $0xb8;
	[tilespmem:$0x1AE00] =	vst v63  }
0x493: {  	_ = 	snop  }
0x494: {  	[tilespmem:s16], [sflag:$0x2] =	stream.indirect_vreg.gather [hbm4b:s1+s4], $0x80, v3, vm0, $0xb8;
	[tilespmem:$0x1AE00] =	vst v63  }
0x495: {  	v3 =	vld [tilespmem:s5+$0x2BD0];
	_ =	sdelay $0x4  }
0x496: {  	v62 =	vshll.u32 v3, $0x1  }
0x497: {  	v3 =	vand.u32 $0x7, v3;
	v4 =	vand.u32 $0xFFFFFFF0, v62  }
0x498: {  	v3 =	vor.u32 v3, v4  }
0x499: {  	v4 =	vperm.xlane v3, v0;
	_ =	sdelay $0x1  }
0x49a: {  	v3 =	vperm.xlane v3, v2;
	v4 =	vadd.s32 v1, v4;
	_ =	sdelay $0x1  }
0x49b: {  	v3 =	vadd.s32 v1, v3;
	_ =	sdelay $0x2  }
0x49c: {  	[tilespmem:s17], [sflag:$0x2] =	stream.indirect_vreg.gather [hbm4b:s1+s4], $0x80, v4, vm0, $0xb8;
	[tilespmem:$0x1AE00] =	vst v63  }
0x49d: {  	_ = 	snop  }
0x49e: {  	[tilespmem:s18], [sflag:$0x2] =	stream.indirect_vreg.gather [hbm4b:s1+s4], $0x80, v3, vm0, $0xb8;
	[tilespmem:$0x1AE00] =	vst v63  }
0x49f: {  	v3 =	vld.msk [tilespmem:s5+$0x2BE0], $0xff;
	_ =	sdelay $0x4  }
0x4a0: {  	v63 =	vshll.u32 v3, $0x1  }
0x4a1: {  	v3 =	vand.u32 $0x7, v3;
	v4 =	vand.u32 $0xFFFFFFF0, v63  }
0x4a2: {  	v3 =	vor.u32 v3, v4  }
0x4a3: {  	v3 =	vperm.xlane v3, v0;
	_ =	sdelay $0x1  }
0x4a4: {  	v3 =	vadd.s32 v1, v3  }
.Ltmp8:
0x4a5: {  	_ = 	snop;
	(pc) =	sbr.rel .LBB2_10-.Ltmp8, $2  }
0x4a6: {  	_ =	sdelay $0x2  }
0x4a7: {  	[tilespmem:s19], [sflag:$0x2] =	stream.indirect_vreg.gather [hbm4b:s1+s4], $0x80, v3, vm0, $0xb8;
	[tilespmem:$0x1AE00] =	vst v63  }
.LBB2_12:
0x4a8: {  	_ =	sfence.sel $0x180000  }
0x4a9: {  	[bflag:$0x0] =	sbarrier.arrive $0xFFFF  }
0x4aa: {  	_ =	strace $0x90000047  }
0x4ab: {  	s0 =	stileid.u32;
	[bflag:$0x2] =	sbarrier.arrive $0xFFFF  }
0x4ac: {  	p0 =	sne.s32 s0, $0x0;
	s0 =	rddreg [dreg:$0x4]  }
0x4ad: {  	s0 =	sadd.s32 @!p0 $0x100000, s0  }
0x4ae: {  	[sflag:s0] =	ssyncadd.tile.s32 @!p0 $0x1;
	_ =	shalt  }
.Lfunc_end2:
_tile_overlayer_lowered:
.L_overlay_start_2:
0x4af: {  	(tag) =	ssettag $0x2  }
0x4b0: {  	s0 =	rddreg [dreg:$0x0];
	s2 =	stileid.u32  }
0x4b1: {  	s1 =	rddreg [dreg:$0x1];
	p0 =	sne.s32 s2, $0x0  }
0x4b2: {  	s3 =	rddreg [dreg:$0x2];
	[bflag:$0x3] =	sbarrier.arrive $0xFFFF;
	s2 =	simm.s32 @!p0 $0x1C03  }
0x4b3: {  	[timem:s3], [sflag:s2] =	dma.local @!p0 [hbm:s0], s1  }
0x4b4: {  	s0 =	simm.s32 @!p0 $0x3  }
0x4b5: {  	_ =	swait.ge @!p0 [sflag:s0], s1  }
0x4b6: {  	s1 =	ssub.s32 @!p0 $0x0, s1;
	[sflag:s0] =	ssyncset.done @!p0 $0x0  }
0x4b7: {  	[sflag:s0] =	ssyncadd.s32 @!p0 s1  }
0x4b8: {  	[bflag:$0x3] =	sbarrier.arrive $0xFFFF  }
0x4b9: {  	_ =	shalt  }

</sc_bundles>
